<compile_context>
chip_gen: v7x
topology: tpu7x:2x2x1
jax: 0.10.2.dev20260603
libtpu: 0.0.44.dev20260713+nightly
codegen_flags: <defaults>
</compile_context>

<pallas_src>
import jax
import jax.numpy as jnp
from jax import lax
from jax.experimental import pallas as pl
from jax.experimental.pallas import tpu as pltpu
from jax.experimental.pallas import tpu_sc as plsc

NC = 2
NS = 16
L = 16
NW = NC * NS
H = 128
CW = 16
CH = 100
ZR = 25

_MESH = plsc.VectorSubcoreMesh(
    core_axis_name="c", subcore_axis_name="s", num_cores=NC, num_subcores=NS)
_PARAMS = pltpu.CompilerParams(use_tc_tiling_on_sc=False,
                               needs_layout_passes=False)


def _embed_body(z_hbm, tab_hbm, out_hbm, idx_v, rows_v, sem):
    cid = lax.axis_index("c")
    sid = lax.axis_index("s")
    wid = sid * NC + cid
    n = z_hbm.shape[0]
    nch = n // L
    base = nch // NW
    rem = nch - base * NW
    cnt = base + jnp.where(wid < rem, 1, 0)

    @pl.loop(0, cnt)
    def _(j):
        b = (j * NW + wid) * L
        pltpu.sync_copy(z_hbm.at[pl.ds(b, L)], idx_v)
        pltpu.async_copy(tab_hbm.at[idx_v], rows_v, sem).wait()
        pltpu.sync_copy(rows_v, out_hbm.at[pl.ds(b, L)])


def _embed(z, tab):
    n = z.shape[0]
    return pl.kernel(
        _embed_body,
        out_type=jax.ShapeDtypeStruct((n, H), jnp.float32),
        mesh=_MESH,
        compiler_params=_PARAMS,
        scratch_types=[
            pltpu.VMEM((L,), jnp.int32),
            pltpu.VMEM((L, H), jnp.float32),
            pltpu.SemaphoreType.DMA,
        ],
    )(z, tab)


def _deg_body(dst_hbm, out_hbm, dst_v, ones_v, zb_v, cnt_s):
    cid = lax.axis_index("c")
    sid = lax.axis_index("s")
    wid = sid * NC + cid
    n = out_hbm.shape[1]
    nche = dst_hbm.shape[1]
    rows_per_tile = n // NS

    pltpu.sync_copy(dst_hbm.at[wid], dst_v)

    @pl.loop(0, CH)
    def _(r):
        ones_v[r, pl.ds(0, CW)] = jnp.ones((CW,), jnp.float32)

    @pl.loop(0, ZR)
    def _(r):
        zb_v[r, pl.ds(0, CW)] = jnp.zeros((CW,), jnp.float32)

    @pl.loop(0, rows_per_tile // ZR)
    def _(t):
        pltpu.sync_copy(zb_v, cnt_s.at[pl.ds(sid * rows_per_tile + t * ZR, ZR)])
    plsc.subcore_barrier()

    @pl.loop(0, nche)
    def _(j):
        pltpu.sync_copy(ones_v, cnt_s.at[dst_v.at[j]], add=True)

    plsc.subcore_barrier()

    @pl.loop(0, rows_per_tile // ZR)
    def _(t):
        r0 = sid * rows_per_tile + t * ZR
        pltpu.sync_copy(cnt_s.at[pl.ds(r0, ZR)], zb_v)
        pltpu.sync_copy(zb_v, out_hbm.at[cid, pl.ds(r0, ZR)])


def _deg(dst, n):
    return pl.kernel(
        _deg_body,
        out_type=jax.ShapeDtypeStruct((NC, n, CW), jnp.float32),
        mesh=_MESH,
        compiler_params=_PARAMS,
        scratch_types=[
            pltpu.VMEM(dst.shape[1:], jnp.int32),
            pltpu.VMEM((CH, CW), jnp.float32),
            pltpu.VMEM((ZR, CW), jnp.float32),
            pltpu.VMEM_SHARED((n, CW), jnp.float32),
        ],
    )(dst)


def _agg_body(x_hbm, src_hbm, dst_hbm, out_hbm,
              src_v, dst_v, rows_v, zb_v, agg_s, sem0, sem1):
    cid = lax.axis_index("c")
    sid = lax.axis_index("s")
    wid = sid * NC + cid
    n = x_hbm.shape[0]
    nche = src_hbm.shape[1]
    rows_per_tile = n // NS

    pltpu.sync_copy(src_hbm.at[wid], src_v)
    pltpu.sync_copy(dst_hbm.at[wid], dst_v)

    sems = (sem0, sem1)

    def start(j, b):
        pltpu.async_copy(x_hbm.at[src_v.at[j]], rows_v.at[b], sems[b])

    def wait(b):
        pltpu.make_async_copy(x_hbm.at[pl.ds(0, CH)], rows_v.at[b],
                              sems[b]).wait()

    start(0, 0)
    start(1, 1)

    @pl.loop(0, ZR)
    def _(r):
        for cc in range(H // L):
            zb_v[r, pl.ds(cc * L, L)] = jnp.zeros((L,), jnp.float32)

    @pl.loop(0, rows_per_tile // ZR)
    def _(t):
        pltpu.sync_copy(zb_v, agg_s.at[pl.ds(sid * rows_per_tile + t * ZR, ZR)])
    plsc.subcore_barrier()

    @pl.loop(0, nche, step=2)
    def _(j):
        for b in range(2):
            wait(b)
            pltpu.sync_copy(rows_v.at[b], agg_s.at[dst_v.at[j + b]],
                            add=True)
            nxt = j + 2 + b

            @pl.when(nxt < nche)
            def _():
                start(nxt, b)

    plsc.subcore_barrier()
    @pl.loop(0, rows_per_tile // ZR)
    def _(t):
        r0 = sid * rows_per_tile + t * ZR
        pltpu.sync_copy(agg_s.at[pl.ds(r0, ZR)], zb_v)
        pltpu.sync_copy(zb_v, out_hbm.at[cid, pl.ds(r0, ZR)])


def _agg(x, src, dst):
    n = x.shape[0]
    return pl.kernel(
        _agg_body,
        out_type=jax.ShapeDtypeStruct((NC, n, H), jnp.float32),
        mesh=_MESH,
        compiler_params=_PARAMS,
        scratch_types=[
            pltpu.VMEM(src.shape[1:], jnp.int32),
            pltpu.VMEM(dst.shape[1:], jnp.int32),
            pltpu.VMEM((2, CH, H), jnp.float32),
            pltpu.VMEM((ZR, H), jnp.float32),
            pltpu.VMEM_SHARED((n, H), jnp.float32),
            pltpu.SemaphoreType.DMA,
            pltpu.SemaphoreType.DMA,
        ],
    )(x, src, dst)


def _pool_body(batch_hbm, x_hbm, xs_hbm, xd_hbm,
               bch_v, ci_v, idxa_v, idxb_v, rows_v, ci_s, sem):
    cid = lax.axis_index("c")
    sid = lax.axis_index("s")
    wid = sid * NC + cid
    n = batch_hbm.shape[0]
    g = xs_hbm.shape[0]
    lanes = lax.iota(jnp.int32, L)

    @pl.when(sid == 0)
    def _():
        @pl.loop(0, g // L)
        def _(i):
            ci_v[pl.ds(i * L, L)] = jnp.zeros((L,), jnp.int32)

        shift_idx = jnp.maximum(lanes - 1, 0)[:, None]
        dn = lax.GatherDimensionNumbers(
            offset_dims=(), collapsed_slice_dims=(0,), start_index_map=(0,))

        @pl.loop(0, n // L, init_carry=(jnp.int32(0), jnp.int32(-1)))
        def _(c, carry):
            cntp, prev = carry
            pltpu.sync_copy(batch_hbm.at[pl.ds(c * L, L)], bch_v)
            bv = bch_v[...]
            bshift = lax.gather(bv, shift_idx, dn, slice_sizes=(1,),
                                mode=lax.GatherScatterMode.PROMISE_IN_BOUNDS)
            prevv = jnp.where(lanes == 0, prev, bshift)
            m = bv != prevv
            mi = jnp.where(m, 1, 0).astype(jnp.int32)
            pos = cntp + plsc.cumsum(mi) - 1
            plsc.store_scatter(ci_v, [pos], c * L + lanes, mask=m)
            newcnt = cntp + jnp.sum(mi)
            newprev = jnp.max(jnp.where(lanes == L - 1, bv,
                                        jnp.int32(-2147483648)))
            return (newcnt, newprev)

        pltpu.sync_copy(ci_v, ci_s)

    plsc.subcore_barrier()

    g0 = wid * L
    pltpu.sync_copy(ci_s.at[pl.ds(g0, L)], bch_v)
    civ = jnp.minimum(bch_v[...], n - 2)
    idxa_v[...] = civ
    idxb_v[...] = civ + 1
    pltpu.async_copy(x_hbm.at[idxa_v], rows_v, sem).wait()
    pltpu.sync_copy(rows_v, xs_hbm.at[pl.ds(g0, L)])
    pltpu.async_copy(x_hbm.at[idxb_v], rows_v, sem).wait()
    pltpu.sync_copy(rows_v, xd_hbm.at[pl.ds(g0, L)])


def _pool(batch, x, g):
    sds = jax.ShapeDtypeStruct((g, H), jnp.float32)
    return pl.kernel(
        _pool_body,
        out_type=(sds, sds),
        mesh=_MESH,
        compiler_params=_PARAMS,
        scratch_types=[
            pltpu.VMEM((L,), jnp.int32),
            pltpu.VMEM((g,), jnp.int32),
            pltpu.VMEM((L,), jnp.int32),
            pltpu.VMEM((L,), jnp.int32),
            pltpu.VMEM((L, H), jnp.float32),
            pltpu.VMEM_SHARED((g,), jnp.int32),
            pltpu.SemaphoreType.DMA,
        ],
    )(batch, x)


def _tc_layer(x, p0, p1, c0, c1, Wl, bl, Wr, relu):
    n = x.shape[0]
    bn = 2000

    def body(x_ref, p0_ref, p1_ref, c0_ref, c1_ref, wl_ref, wr_ref, bl_ref,
             o_ref):
        agg = p0_ref[...] + p1_ref[...]
        cnt = c0_ref[:, :1] + c1_ref[:, :1]
        mean = agg / jnp.maximum(cnt, 1.0)
        y = jnp.dot(mean, wl_ref[...], preferred_element_type=jnp.float32)
        y = y + jnp.dot(x_ref[...], wr_ref[...],
                        preferred_element_type=jnp.float32)
        y = y + bl_ref[...]
        if relu:
            y = jnp.maximum(y, 0.0)
        o_ref[...] = y

    return pl.pallas_call(
        body,
        grid=(n // bn,),
        in_specs=[
            pl.BlockSpec((bn, H), lambda i: (i, 0)),
            pl.BlockSpec((bn, H), lambda i: (i, 0)),
            pl.BlockSpec((bn, H), lambda i: (i, 0)),
            pl.BlockSpec((bn, CW), lambda i: (i, 0)),
            pl.BlockSpec((bn, CW), lambda i: (i, 0)),
            pl.BlockSpec((H, H), lambda i: (0, 0)),
            pl.BlockSpec((H, H), lambda i: (0, 0)),
            pl.BlockSpec((1, H), lambda i: (0, 0)),
        ],
        out_specs=pl.BlockSpec((bn, H), lambda i: (i, 0)),
        out_shape=jax.ShapeDtypeStruct((n, H), jnp.float32),
    )(x, p0, p1, c0, c1, Wl, Wr, bl.reshape(1, H))


def _tc_head(xs, xd, W1, b1, W2, b2):
    g = xs.shape[0]

    def body(xs_ref, xd_ref, w1_ref, b1_ref, w2_ref, b2_ref, o_ref):
        h = xs_ref[...] * xd_ref[...]
        h1 = jnp.dot(h, w1_ref[...], preferred_element_type=jnp.float32)
        h1 = jnp.maximum(h1 + b1_ref[...], 0.0)
        o_ref[...] = jnp.dot(h1, w2_ref[...],
                             preferred_element_type=jnp.float32) + b2_ref[...]

    return pl.pallas_call(
        body,
        out_shape=jax.ShapeDtypeStruct((g, 1), jnp.float32),
    )(xs, xd, W1, b1.reshape(1, H), W2, b2.reshape(1, 1))


def kernel(z, edge_index, batch, z_table,
           Wl0, bl0, Wr0, Wl1, bl1, Wr1, Wl2, bl2, Wr2,
           lin1_W, lin1_b, lin2_W, lin2_b):
    n = z.shape[0]
    e = edge_index.shape[1]
    g = 512

    z = z.astype(jnp.int32)
    batch = batch.astype(jnp.int32)
    src = edge_index[0].astype(jnp.int32).reshape(NW, e // (NW * CH), CH)
    dst = edge_index[1].astype(jnp.int32).reshape(NW, e // (NW * CH), CH)

    cp = _deg(dst, n)
    c0, c1 = cp[0], cp[1]
    x = _embed(z, z_table)
    for Wl, bl, Wr, relu in ((Wl0, bl0, Wr0, True),
                             (Wl1, bl1, Wr1, True),
                             (Wl2, bl2, Wr2, False)):
        part = _agg(x, src, dst)
        x = _tc_layer(x, part[0], part[1], c0, c1, Wl, bl, Wr, relu)

    xs, xd = _pool(batch, x, g)
    return _tc_head(xs, xd, lin1_W, lin1_b, lin2_W, lin2_b)

# --- scband reference (transcript-rebuilt; emitter-appended) ---
"""Pipeline reference for scband-sealsage-53420803228460 (READ-ONLY COPY).

The authoritative reference and input builder live on the scoring server;
editing this copy changes nothing except your own understanding.
"""

import jax, jax.numpy as jnp
import numpy as np

N = 10000
E = 320000
H = 128
MAXZ = 1000
G = 512


def setup_inputs(seed: int = 0) -> dict:
    key = jax.random.key(seed)
    ks = jax.random.split(key, 20)
    z = jax.random.randint(ks[0], (N,), 0, MAXZ)
    edge_index = jax.random.randint(ks[1], (2, E), 0, N)
    batch = jnp.sort(jax.random.randint(ks[2], (N,), 0, G))
    s = 1.0 / np.sqrt(H)
    z_table = jax.random.normal(ks[3], (MAXZ, H), dtype=jnp.float32) * 0.1
    Wl0 = jax.random.normal(ks[4], (H, H), dtype=jnp.float32) * s
    bl0 = jnp.zeros((H,), dtype=jnp.float32)
    Wr0 = jax.random.normal(ks[5], (H, H), dtype=jnp.float32) * s
    Wl1 = jax.random.normal(ks[6], (H, H), dtype=jnp.float32) * s
    bl1 = jnp.zeros((H,), dtype=jnp.float32)
    Wr1 = jax.random.normal(ks[7], (H, H), dtype=jnp.float32) * s
    Wl2 = jax.random.normal(ks[8], (H, H), dtype=jnp.float32) * s
    bl2 = jnp.zeros((H,), dtype=jnp.float32)
    Wr2 = jax.random.normal(ks[9], (H, H), dtype=jnp.float32) * s
    lin1_W = jax.random.normal(ks[10], (H, H), dtype=jnp.float32) * s
    lin1_b = jnp.zeros((H,), dtype=jnp.float32)
    lin2_W = jax.random.normal(ks[11], (H, 1), dtype=jnp.float32) * s
    lin2_b = jnp.zeros((1,), dtype=jnp.float32)
    return {"z": z, "edge_index": edge_index, "batch": batch, "z_table": z_table,
            "Wl0": Wl0, "bl0": bl0, "Wr0": Wr0,
            "Wl1": Wl1, "bl1": bl1, "Wr1": Wr1,
            "Wl2": Wl2, "bl2": bl2, "Wr2": Wr2,
            "lin1_W": lin1_W, "lin1_b": lin1_b, "lin2_W": lin2_W, "lin2_b": lin2_b}


def _sage_conv(x, edge_index, Wl, bl, Wr):
    # PyG SAGEConv (aggr='mean', root_weight=True): out = lin_l(mean_j x_j) + lin_r(x_i)
    src = edge_index[0]
    dst = edge_index[1]
    n = x.shape[0]
    msg = jnp.take(x, src, axis=0)
    agg = jax.ops.segment_sum(msg, dst, num_segments=n)
    cnt = jax.ops.segment_sum(jnp.ones((edge_index.shape[1],), dtype=x.dtype), dst, num_segments=n)
    mean = agg / jnp.maximum(cnt, 1.0)[:, None]
    return mean @ Wl + bl + x @ Wr


def reference(z, edge_index, batch, z_table, Wl0, bl0, Wr0, Wl1, bl1, Wr1, Wl2, bl2, Wr2, lin1_W, lin1_b, lin2_W, lin2_b):
    # z_embedding lookup (z is 1-D so no sum over dim 1)
    x = jnp.take(z_table, z, axis=0)
    # conv layers with relu on all but last (dropout is identity in eval mode)
    x = jax.nn.relu(_sage_conv(x, edge_index, Wl0, bl0, Wr0))
    x = jax.nn.relu(_sage_conv(x, edge_index, Wl1, bl1, Wr1))
    x = _sage_conv(x, edge_index, Wl2, bl2, Wr2)
    # center pooling: first occurrence of each graph id in batch
    _, center_indices = jnp.unique(batch, return_index=True, size=G)
    ci = jnp.minimum(center_indices, x.shape[0] - 2)
    x_src = jnp.take(x, ci, axis=0)
    x_dst = jnp.take(x, ci + 1, axis=0)
    h = x_src * x_dst
    h = jax.nn.relu(h @ lin1_W + lin1_b)
    out = h @ lin2_W + lin2_b
    return out

if __name__ == "__main__":
    import jax
    _d = setup_inputs()
    print(jax.jit(kernel)(*tuple(_d.values())))

</pallas_src>

<mosaic_0001>
#map = affine_map<(d0, d1) -> (0, 0)>
#map1 = affine_map<(d0, d1) -> (0, 0, 0)>
module attributes {stable_mosaic.version = 14 : i64} {
  func.func @_agg_body(%arg0: i32, %arg1: i32, %arg2: memref<10000x128xf32, #tpu.memory_space<hbm>>, %arg3: memref<32x100x100xi32, #tpu.memory_space<hbm>>, %arg4: memref<32x100x100xi32, #tpu.memory_space<hbm>>, %arg5: memref<2x10000x128xf32, #tpu.memory_space<hbm>>, %arg6: memref<100x100xi32, #tpu.memory_space<vmem>>, %arg7: memref<100x100xi32, #tpu.memory_space<vmem>>, %arg8: memref<2x100x128xf32, #tpu.memory_space<vmem>>, %arg9: memref<25x128xf32, #tpu.memory_space<vmem>>, %arg10: memref<10000x128xf32, #tpu.memory_space<vmem_shared>>, %arg11: memref<!tpu.dma_semaphore, #tpu.memory_space<semaphore_mem>>, %arg12: memref<!tpu.dma_semaphore, #tpu.memory_space<semaphore_mem>>) attributes {dimension_semantics = [#tpu.dimension_semantics<core_parallel>, #tpu.dimension_semantics<subcore_parallel>], iteration_bounds = array<i64: 2, 16>, scalar_prefetch = 0 : i64, scratch_operands = 7 : i64, tpu.core_type = #tpu.core_type<sc_vector_subcore>, window_params = [{transform_indices = #map}, {transform_indices = #map1}, {transform_indices = #map1}, {transform_indices = #map1}]} {
    %mul3A = arith.constant 2 : i32
    %mul3A_0 = arith.muli %arg1, %mul3A : i32
    %add3A = arith.addi %mul3A_0, %arg0 : i32
    "tpu.region"() ({
      %run_scoped3A = tpu.sem_alloc : memref<!tpu.dma_semaphore, #tpu.memory_space<semaphore_mem>>
      %dma_start3A_44 = arith.constant 0 : i32
      %dma_start3A_45 = arith.constant 0 : i32
      %dma_start3A_46 = tpu.memref_slice %arg3[%add3A, %dma_start3A_44, %dma_start3A_45] : memref<32x100x100xi32, #tpu.memory_space<hbm>> -> memref<1x100x100xi32, #tpu.memory_space<hbm>>
      %dma_start3A_47 = tpu.memref_squeeze %dma_start3A_46 : memref<1x100x100xi32, #tpu.memory_space<hbm>> -> memref<100x100xi32, #tpu.memory_space<hbm>>
      %dma_start3A_48 = arith.constant 0 : i32
      %dma_start3A_49 = arith.constant 0 : i32
      %dma_start3A_50 = tpu.memref_slice %arg3[%add3A, %dma_start3A_48, %dma_start3A_49] : memref<32x100x100xi32, #tpu.memory_space<hbm>> -> memref<1x100x100xi32, #tpu.memory_space<hbm>>
      %dma_start3A_51 = tpu.memref_squeeze %dma_start3A_50 : memref<1x100x100xi32, #tpu.memory_space<hbm>> -> memref<100x100xi32, #tpu.memory_space<hbm>>
      tpu.enqueue_dma source(%dma_start3A_51 : memref<100x100xi32, #tpu.memory_space<hbm>>) target(%arg6 : memref<100x100xi32, #tpu.memory_space<vmem>>) target_semaphore(%run_scoped3A : memref<!tpu.dma_semaphore, #tpu.memory_space<semaphore_mem>>)
      %dma_wait3A = arith.constant 0 : i32
      %dma_wait3A_52 = arith.constant 0 : i32
      %dma_wait3A_53 = tpu.memref_slice %arg3[%add3A, %dma_wait3A, %dma_wait3A_52] : memref<32x100x100xi32, #tpu.memory_space<hbm>> -> memref<1x100x100xi32, #tpu.memory_space<hbm>>
      %dma_wait3A_54 = tpu.memref_squeeze %dma_wait3A_53 : memref<1x100x100xi32, #tpu.memory_space<hbm>> -> memref<100x100xi32, #tpu.memory_space<hbm>>
      %dma_wait3A_55 = arith.constant 0 : i32
      %dma_wait3A_56 = arith.constant 0 : i32
      %dma_wait3A_57 = tpu.memref_slice %arg3[%add3A, %dma_wait3A_55, %dma_wait3A_56] : memref<32x100x100xi32, #tpu.memory_space<hbm>> -> memref<1x100x100xi32, #tpu.memory_space<hbm>>
      %dma_wait3A_58 = tpu.memref_squeeze %dma_wait3A_57 : memref<1x100x100xi32, #tpu.memory_space<hbm>> -> memref<100x100xi32, #tpu.memory_space<hbm>>
      tpu.wait_dma2 semaphore(%run_scoped3A : memref<!tpu.dma_semaphore, #tpu.memory_space<semaphore_mem>>) src(%dma_wait3A_58 : memref<100x100xi32, #tpu.memory_space<hbm>>) dst(%arg6 : memref<100x100xi32, #tpu.memory_space<vmem>>)
      tpu.yield
    }) : () -> ()
    "tpu.region"() ({
      %run_scoped3A = tpu.sem_alloc : memref<!tpu.dma_semaphore, #tpu.memory_space<semaphore_mem>>
      %dma_start3A_44 = arith.constant 0 : i32
      %dma_start3A_45 = arith.constant 0 : i32
      %dma_start3A_46 = tpu.memref_slice %arg4[%add3A, %dma_start3A_44, %dma_start3A_45] : memref<32x100x100xi32, #tpu.memory_space<hbm>> -> memref<1x100x100xi32, #tpu.memory_space<hbm>>
      %dma_start3A_47 = tpu.memref_squeeze %dma_start3A_46 : memref<1x100x100xi32, #tpu.memory_space<hbm>> -> memref<100x100xi32, #tpu.memory_space<hbm>>
      %dma_start3A_48 = arith.constant 0 : i32
      %dma_start3A_49 = arith.constant 0 : i32
      %dma_start3A_50 = tpu.memref_slice %arg4[%add3A, %dma_start3A_48, %dma_start3A_49] : memref<32x100x100xi32, #tpu.memory_space<hbm>> -> memref<1x100x100xi32, #tpu.memory_space<hbm>>
      %dma_start3A_51 = tpu.memref_squeeze %dma_start3A_50 : memref<1x100x100xi32, #tpu.memory_space<hbm>> -> memref<100x100xi32, #tpu.memory_space<hbm>>
      tpu.enqueue_dma source(%dma_start3A_51 : memref<100x100xi32, #tpu.memory_space<hbm>>) target(%arg7 : memref<100x100xi32, #tpu.memory_space<vmem>>) target_semaphore(%run_scoped3A : memref<!tpu.dma_semaphore, #tpu.memory_space<semaphore_mem>>)
      %dma_wait3A = arith.constant 0 : i32
      %dma_wait3A_52 = arith.constant 0 : i32
      %dma_wait3A_53 = tpu.memref_slice %arg4[%add3A, %dma_wait3A, %dma_wait3A_52] : memref<32x100x100xi32, #tpu.memory_space<hbm>> -> memref<1x100x100xi32, #tpu.memory_space<hbm>>
      %dma_wait3A_54 = tpu.memref_squeeze %dma_wait3A_53 : memref<1x100x100xi32, #tpu.memory_space<hbm>> -> memref<100x100xi32, #tpu.memory_space<hbm>>
      %dma_wait3A_55 = arith.constant 0 : i32
      %dma_wait3A_56 = arith.constant 0 : i32
      %dma_wait3A_57 = tpu.memref_slice %arg4[%add3A, %dma_wait3A_55, %dma_wait3A_56] : memref<32x100x100xi32, #tpu.memory_space<hbm>> -> memref<1x100x100xi32, #tpu.memory_space<hbm>>
      %dma_wait3A_58 = tpu.memref_squeeze %dma_wait3A_57 : memref<1x100x100xi32, #tpu.memory_space<hbm>> -> memref<100x100xi32, #tpu.memory_space<hbm>>
      tpu.wait_dma2 semaphore(%run_scoped3A : memref<!tpu.dma_semaphore, #tpu.memory_space<semaphore_mem>>) src(%dma_wait3A_58 : memref<100x100xi32, #tpu.memory_space<hbm>>) dst(%arg7 : memref<100x100xi32, #tpu.memory_space<vmem>>)
      tpu.yield
    }) : () -> ()
    %dma_start3A = arith.constant 0 : i32
    %dma_start3A_1 = arith.constant 0 : i32
    %dma_start3A_2 = arith.constant 0 : i32
    %dma_start3A_3 = arith.constant 0 : i32
    %dma_start3A_4 = tpu.memref_slice %arg8[%dma_start3A_1, %dma_start3A_2, %dma_start3A_3] : memref<2x100x128xf32, #tpu.memory_space<vmem>> -> memref<1x100x128xf32, #tpu.memory_space<vmem>>
    %dma_start3A_5 = tpu.memref_squeeze %dma_start3A_4 : memref<1x100x128xf32, #tpu.memory_space<vmem>> -> memref<100x128xf32, #tpu.memory_space<vmem>>
    %dma_start3A_6 = arith.constant 0 : i32
    %dma_start3A_7 = tpu.memref_slice %arg6[%dma_start3A, %dma_start3A_6] : memref<100x100xi32, #tpu.memory_space<vmem>> -> memref<1x100xi32, #tpu.memory_space<vmem>>
    %dma_start3A_8 = tpu.memref_squeeze %dma_start3A_7 : memref<1x100xi32, #tpu.memory_space<vmem>> -> memref<100xi32, #tpu.memory_space<vmem>>
    %dma_start3A_9 = arith.constant 0 : i32
    %dma_start3A_10 = arith.constant 0 : i32
    %dma_start3A_11 = tpu.memref_slice %arg2[%dma_start3A_9, %dma_start3A_10] : memref<10000x128xf32, #tpu.memory_space<hbm>> -> memref<10000x128xf32, #tpu.memory_space<hbm>>
    tpu.enqueue_indirect_dma source(%dma_start3A_11 : memref<10000x128xf32, #tpu.memory_space<hbm>>) target(%dma_start3A_5 : memref<100x128xf32, #tpu.memory_space<vmem>>) offsets(%dma_start3A_8 : memref<100xi32, #tpu.memory_space<vmem>>) semaphore(%arg11 : memref<!tpu.dma_semaphore, #tpu.memory_space<semaphore_mem>>)
    %dma_start3A_12 = arith.constant 1 : i32
    %dma_start3A_13 = arith.constant 1 : i32
    %dma_start3A_14 = arith.constant 0 : i32
    %dma_start3A_15 = arith.constant 0 : i32
    %dma_start3A_16 = tpu.memref_slice %arg8[%dma_start3A_13, %dma_start3A_14, %dma_start3A_15] : memref<2x100x128xf32, #tpu.memory_space<vmem>> -> memref<1x100x128xf32, #tpu.memory_space<vmem>>
    %dma_start3A_17 = tpu.memref_squeeze %dma_start3A_16 : memref<1x100x128xf32, #tpu.memory_space<vmem>> -> memref<100x128xf32, #tpu.memory_space<vmem>>
    %dma_start3A_18 = arith.constant 0 : i32
    %dma_start3A_19 = tpu.memref_slice %arg6[%dma_start3A_12, %dma_start3A_18] : memref<100x100xi32, #tpu.memory_space<vmem>> -> memref<1x100xi32, #tpu.memory_space<vmem>>
    %dma_start3A_20 = tpu.memref_squeeze %dma_start3A_19 : memref<1x100xi32, #tpu.memory_space<vmem>> -> memref<100xi32, #tpu.memory_space<vmem>>
    %dma_start3A_21 = arith.constant 0 : i32
    %dma_start3A_22 = arith.constant 0 : i32
    %dma_start3A_23 = tpu.memref_slice %arg2[%dma_start3A_21, %dma_start3A_22] : memref<10000x128xf32, #tpu.memory_space<hbm>> -> memref<10000x128xf32, #tpu.memory_space<hbm>>
    tpu.enqueue_indirect_dma source(%dma_start3A_23 : memref<10000x128xf32, #tpu.memory_space<hbm>>) target(%dma_start3A_17 : memref<100x128xf32, #tpu.memory_space<vmem>>) offsets(%dma_start3A_20 : memref<100xi32, #tpu.memory_space<vmem>>) semaphore(%arg12 : memref<!tpu.dma_semaphore, #tpu.memory_space<semaphore_mem>>)
    %scan3A = arith.constant 0 : i32
    %scan3A_24 = arith.constant 25 : i32
    %scan3A_25 = arith.addi %scan3A, %scan3A_24 : i32
    %scan3A_26 = arith.constant 1 : i32
    scf.for %scan3A_44 = %scan3A to %scan3A_25 step %scan3A_26  : i32 {
      %mul3A_45 = arith.constant 1 : i32
      %mul3A_46 = arith.muli %scan3A_44, %mul3A_45 : i32
      %add3A_47 = arith.constant 0 : i32
      %add3A_48 = arith.addi %add3A_47, %mul3A_46 : i32
      %broadcast_in_dim3A = arith.constant 0.000000e+00 : f32
      %broadcast_in_dim3A_49 = vector.broadcast %broadcast_in_dim3A : f32 to vector<16xf32>
      %swap3A = arith.index_cast %add3A_48 : i32 to index
      %swap3A_50 = arith.constant 0 : index
      %swap3A_51 = tpu.vector_load %arg9[%swap3A, %swap3A_50] {strides = array<i32>} : memref<25x128xf32, #tpu.memory_space<vmem>>, vector<16xf32>,
      tpu.vector_store %arg9[%swap3A, %swap3A_50], %broadcast_in_dim3A_49 {strides = array<i32>} : memref<25x128xf32, #tpu.memory_space<vmem>>, vector<16xf32>,
      %broadcast_in_dim3A_52 = arith.constant 0.000000e+00 : f32
      %broadcast_in_dim3A_53 = vector.broadcast %broadcast_in_dim3A_52 : f32 to vector<16xf32>
      %swap3A_54 = arith.index_cast %add3A_48 : i32 to index
      %swap3A_55 = arith.constant 16 : index
      %swap3A_56 = tpu.vector_load %arg9[%swap3A_54, %swap3A_55] {strides = array<i32>} : memref<25x128xf32, #tpu.memory_space<vmem>>, vector<16xf32>,
      tpu.vector_store %arg9[%swap3A_54, %swap3A_55], %broadcast_in_dim3A_53 {strides = array<i32>} : memref<25x128xf32, #tpu.memory_space<vmem>>, vector<16xf32>,
      %broadcast_in_dim3A_57 = arith.constant 0.000000e+00 : f32
      %broadcast_in_dim3A_58 = vector.broadcast %broadcast_in_dim3A_57 : f32 to vector<16xf32>
      %swap3A_59 = arith.index_cast %add3A_48 : i32 to index
      %swap3A_60 = arith.constant 32 : index
      %swap3A_61 = tpu.vector_load %arg9[%swap3A_59, %swap3A_60] {strides = array<i32>} : memref<25x128xf32, #tpu.memory_space<vmem>>, vector<16xf32>,
      tpu.vector_store %arg9[%swap3A_59, %swap3A_60], %broadcast_in_dim3A_58 {strides = array<i32>} : memref<25x128xf32, #tpu.memory_space<vmem>>, vector<16xf32>,
      %broadcast_in_dim3A_62 = arith.constant 0.000000e+00 : f32
      %broadcast_in_dim3A_63 = vector.broadcast %broadcast_in_dim3A_62 : f32 to vector<16xf32>
      %swap3A_64 = arith.index_cast %add3A_48 : i32 to index
      %swap3A_65 = arith.constant 48 : index
      %swap3A_66 = tpu.vector_load %arg9[%swap3A_64, %swap3A_65] {strides = array<i32>} : memref<25x128xf32, #tpu.memory_space<vmem>>, vector<16xf32>,
      tpu.vector_store %arg9[%swap3A_64, %swap3A_65], %broadcast_in_dim3A_63 {strides = array<i32>} : memref<25x128xf32, #tpu.memory_space<vmem>>, vector<16xf32>,
      %broadcast_in_dim3A_67 = arith.constant 0.000000e+00 : f32
      %broadcast_in_dim3A_68 = vector.broadcast %broadcast_in_dim3A_67 : f32 to vector<16xf32>
      %swap3A_69 = arith.index_cast %add3A_48 : i32 to index
      %swap3A_70 = arith.constant 64 : index
      %swap3A_71 = tpu.vector_load %arg9[%swap3A_69, %swap3A_70] {strides = array<i32>} : memref<25x128xf32, #tpu.memory_space<vmem>>, vector<16xf32>,
      tpu.vector_store %arg9[%swap3A_69, %swap3A_70], %broadcast_in_dim3A_68 {strides = array<i32>} : memref<25x128xf32, #tpu.memory_space<vmem>>, vector<16xf32>,
      %broadcast_in_dim3A_72 = arith.constant 0.000000e+00 : f32
      %broadcast_in_dim3A_73 = vector.broadcast %broadcast_in_dim3A_72 : f32 to vector<16xf32>
      %swap3A_74 = arith.index_cast %add3A_48 : i32 to index
      %swap3A_75 = arith.constant 80 : index
      %swap3A_76 = tpu.vector_load %arg9[%swap3A_74, %swap3A_75] {strides = array<i32>} : memref<25x128xf32, #tpu.memory_space<vmem>>, vector<16xf32>,
      tpu.vector_store %arg9[%swap3A_74, %swap3A_75], %broadcast_in_dim3A_73 {strides = array<i32>} : memref<25x128xf32, #tpu.memory_space<vmem>>, vector<16xf32>,
      %broadcast_in_dim3A_77 = arith.constant 0.000000e+00 : f32
      %broadcast_in_dim3A_78 = vector.broadcast %broadcast_in_dim3A_77 : f32 to vector<16xf32>
      %swap3A_79 = arith.index_cast %add3A_48 : i32 to index
      %swap3A_80 = arith.constant 96 : index
      %swap3A_81 = tpu.vector_load %arg9[%swap3A_79, %swap3A_80] {strides = array<i32>} : memref<25x128xf32, #tpu.memory_space<vmem>>, vector<16xf32>,
      tpu.vector_store %arg9[%swap3A_79, %swap3A_80], %broadcast_in_dim3A_78 {strides = array<i32>} : memref<25x128xf32, #tpu.memory_space<vmem>>, vector<16xf32>,
      %broadcast_in_dim3A_82 = arith.constant 0.000000e+00 : f32
      %broadcast_in_dim3A_83 = vector.broadcast %broadcast_in_dim3A_82 : f32 to vector<16xf32>
      %swap3A_84 = arith.index_cast %add3A_48 : i32 to index
      %swap3A_85 = arith.constant 112 : index
      %swap3A_86 = tpu.vector_load %arg9[%swap3A_84, %swap3A_85] {strides = array<i32>} : memref<25x128xf32, #tpu.memory_space<vmem>>, vector<16xf32>,
      tpu.vector_store %arg9[%swap3A_84, %swap3A_85], %broadcast_in_dim3A_83 {strides = array<i32>} : memref<25x128xf32, #tpu.memory_space<vmem>>, vector<16xf32>,
    }
    %scan3A_27 = arith.constant 25 : i32
    %scan3A_28 = arith.constant 0 : i32
    %scan3A_29 = arith.constant 25 : i32
    %scan3A_30 = arith.addi %scan3A_28, %scan3A_29 : i32
    %scan3A_31 = arith.constant 1 : i32
    scf.for %scan3A_44 = %scan3A_28 to %scan3A_30 step %scan3A_31  : i32 {
      %mul3A_45 = arith.constant 1 : i32
      %mul3A_46 = arith.muli %scan3A_44, %mul3A_45 : i32
      %add3A_47 = arith.constant 0 : i32
      %add3A_48 = arith.addi %add3A_47, %mul3A_46 : i32
      %mul3A_49 = arith.constant 625 : i32
      %mul3A_50 = arith.muli %arg1, %mul3A_49 : i32
      %mul3A_51 = arith.constant 25 : i32
      %mul3A_52 = arith.muli %add3A_48, %mul3A_51 : i32
      %add3A_53 = arith.addi %mul3A_50, %mul3A_52 : i32
      "tpu.region"() ({
        %run_scoped3A = tpu.sem_alloc : memref<!tpu.dma_semaphore, #tpu.memory_space<semaphore_mem>>
        %dma_start3A_54 = arith.constant 0 : i32
        %dma_start3A_55 = tpu.memref_slice %arg10[%add3A_53, %dma_start3A_54] : memref<10000x128xf32, #tpu.memory_space<vmem_shared>> -> memref<25x128xf32, #tpu.memory_space<vmem_shared>>
        %dma_start3A_56 = arith.constant 0 : i32
        %dma_start3A_57 = tpu.memref_slice %arg10[%add3A_53, %dma_start3A_56] : memref<10000x128xf32, #tpu.memory_space<vmem_shared>> -> memref<25x128xf32, #tpu.memory_space<vmem_shared>>
        tpu.enqueue_dma source(%arg9 : memref<25x128xf32, #tpu.memory_space<vmem>>) target(%dma_start3A_57 : memref<25x128xf32, #tpu.memory_space<vmem_shared>>) target_semaphore(%run_scoped3A : memref<!tpu.dma_semaphore, #tpu.memory_space<semaphore_mem>>)
        %dma_wait3A = arith.constant 0 : i32
        %dma_wait3A_58 = tpu.memref_slice %arg10[%add3A_53, %dma_wait3A] : memref<10000x128xf32, #tpu.memory_space<vmem_shared>> -> memref<25x128xf32, #tpu.memory_space<vmem_shared>>
        %dma_wait3A_59 = arith.constant 0 : i32
        %dma_wait3A_60 = tpu.memref_slice %arg10[%add3A_53, %dma_wait3A_59] : memref<10000x128xf32, #tpu.memory_space<vmem_shared>> -> memref<25x128xf32, #tpu.memory_space<vmem_shared>>
        tpu.wait_dma2 semaphore(%run_scoped3A : memref<!tpu.dma_semaphore, #tpu.memory_space<semaphore_mem>>) src(%arg9 : memref<25x128xf32, #tpu.memory_space<vmem>>) dst(%dma_wait3A_60 : memref<25x128xf32, #tpu.memory_space<vmem_shared>>)
        tpu.yield
      }) : () -> ()
    }
    %scan3A_32 = arith.constant 25 : i32
    %barrier3A = arith.constant 0 : index
    tpu.barrier barrier_id(%barrier3A)
    %scan3A_33 = arith.constant 0 : i32
    %scan3A_34 = arith.constant 50 : i32
    %scan3A_35 = arith.addi %scan3A_33, %scan3A_34 : i32
    %scan3A_36 = arith.constant 1 : i32
    scf.for %scan3A_44 = %scan3A_33 to %scan3A_35 step %scan3A_36  : i32 {
      %mul3A_45 = arith.constant 2 : i32
      %mul3A_46 = arith.muli %scan3A_44, %mul3A_45 : i32
      %add3A_47 = arith.constant 0 : i32
      %add3A_48 = arith.addi %add3A_47, %mul3A_46 : i32
      %dma_wait3A = arith.constant 0 : i32
      %dma_wait3A_49 = arith.constant 0 : i32
      %dma_wait3A_50 = arith.constant 0 : i32
      %dma_wait3A_51 = tpu.memref_slice %arg8[%dma_wait3A, %dma_wait3A_49, %dma_wait3A_50] : memref<2x100x128xf32, #tpu.memory_space<vmem>> -> memref<1x100x128xf32, #tpu.memory_space<vmem>>
      %dma_wait3A_52 = tpu.memref_squeeze %dma_wait3A_51 : memref<1x100x128xf32, #tpu.memory_space<vmem>> -> memref<100x128xf32, #tpu.memory_space<vmem>>
      %dma_wait3A_53 = arith.constant 0 : i32
      %dma_wait3A_54 = arith.constant 0 : i32
      %dma_wait3A_55 = tpu.memref_slice %arg2[%dma_wait3A_53, %dma_wait3A_54] : memref<10000x128xf32, #tpu.memory_space<hbm>> -> memref<100x128xf32, #tpu.memory_space<hbm>>
      %dma_wait3A_56 = arith.constant 0 : i32
      %dma_wait3A_57 = arith.constant 0 : i32
      %dma_wait3A_58 = tpu.memref_slice %arg8[%dma_wait3A, %dma_wait3A_56, %dma_wait3A_57] : memref<2x100x128xf32, #tpu.memory_space<vmem>> -> memref<1x100x128xf32, #tpu.memory_space<vmem>>
      %dma_wait3A_59 = tpu.memref_squeeze %dma_wait3A_58 : memref<1x100x128xf32, #tpu.memory_space<vmem>> -> memref<100x128xf32, #tpu.memory_space<vmem>>
      %dma_wait3A_60 = arith.constant 0 : i32
      %dma_wait3A_61 = arith.constant 0 : i32
      %dma_wait3A_62 = tpu.memref_slice %arg2[%dma_wait3A_60, %dma_wait3A_61] : memref<10000x128xf32, #tpu.memory_space<hbm>> -> memref<100x128xf32, #tpu.memory_space<hbm>>
      tpu.wait_dma2 semaphore(%arg11 : memref<!tpu.dma_semaphore, #tpu.memory_space<semaphore_mem>>) src(%dma_wait3A_62 : memref<100x128xf32, #tpu.memory_space<hbm>>) dst(%dma_wait3A_59 : memref<100x128xf32, #tpu.memory_space<vmem>>)
      %add3A_63 = arith.constant 0 : i32
      %add3A_64 = arith.addi %add3A_48, %add3A_63 : i32
      %run_scoped3A = arith.constant 0 : i32
      "tpu.region"() ({
        %run_scoped3A_98 = tpu.sem_alloc : memref<!tpu.dma_semaphore, #tpu.memory_space<semaphore_mem>>
        %dma_start3A_99 = arith.constant 0 : i32
        %dma_start3A_100 = arith.constant 0 : i32
        %dma_start3A_101 = tpu.memref_slice %arg8[%run_scoped3A, %dma_start3A_99, %dma_start3A_100] : memref<2x100x128xf32, #tpu.memory_space<vmem>> -> memref<1x100x128xf32, #tpu.memory_space<vmem>>
        %dma_start3A_102 = tpu.memref_squeeze %dma_start3A_101 : memref<1x100x128xf32, #tpu.memory_space<vmem>> -> memref<100x128xf32, #tpu.memory_space<vmem>>
        %dma_start3A_103 = arith.constant 0 : i32
        %dma_start3A_104 = tpu.memref_slice %arg7[%add3A_64, %dma_start3A_103] : memref<100x100xi32, #tpu.memory_space<vmem>> -> memref<1x100xi32, #tpu.memory_space<vmem>>
        %dma_start3A_105 = tpu.memref_squeeze %dma_start3A_104 : memref<1x100xi32, #tpu.memory_space<vmem>> -> memref<100xi32, #tpu.memory_space<vmem>>
        %dma_start3A_106 = arith.constant 0 : i32
        %dma_start3A_107 = arith.constant 0 : i32
        %dma_start3A_108 = tpu.memref_slice %arg10[%dma_start3A_106, %dma_start3A_107] : memref<10000x128xf32, #tpu.memory_space<vmem_shared>> -> memref<10000x128xf32, #tpu.memory_space<vmem_shared>>
        tpu.enqueue_indirect_dma source(%dma_start3A_102 : memref<100x128xf32, #tpu.memory_space<vmem>>) target(%dma_start3A_108 : memref<10000x128xf32, #tpu.memory_space<vmem_shared>>) offsets(%dma_start3A_105 : memref<100xi32, #tpu.memory_space<vmem>>) semaphore(%run_scoped3A_98 : memref<!tpu.dma_semaphore, #tpu.memory_space<semaphore_mem>>) {add = true}
        %dma_wait3A_109 = arith.constant 0 : i32
        %dma_wait3A_110 = arith.constant 0 : i32
        %dma_wait3A_111 = tpu.memref_slice %arg8[%run_scoped3A, %dma_wait3A_109, %dma_wait3A_110] : memref<2x100x128xf32, #tpu.memory_space<vmem>> -> memref<1x100x128xf32, #tpu.memory_space<vmem>>
        %dma_wait3A_112 = tpu.memref_squeeze %dma_wait3A_111 : memref<1x100x128xf32, #tpu.memory_space<vmem>> -> memref<100x128xf32, #tpu.memory_space<vmem>>
        %dma_wait3A_113 = arith.constant 0 : i32
        %dma_wait3A_114 = tpu.memref_slice %arg7[%add3A_64, %dma_wait3A_113] : memref<100x100xi32, #tpu.memory_space<vmem>> -> memref<1x100xi32, #tpu.memory_space<vmem>>
        %dma_wait3A_115 = tpu.memref_squeeze %dma_wait3A_114 : memref<1x100xi32, #tpu.memory_space<vmem>> -> memref<100xi32, #tpu.memory_space<vmem>>
        %dma_wait3A_116 = arith.constant 0 : i32
        %dma_wait3A_117 = arith.constant 0 : i32
        %dma_wait3A_118 = tpu.memref_slice %arg10[%dma_wait3A_116, %dma_wait3A_117] : memref<10000x128xf32, #tpu.memory_space<vmem_shared>> -> memref<10000x128xf32, #tpu.memory_space<vmem_shared>>
        tpu.wait_indirect_dma semaphore(%run_scoped3A_98 : memref<!tpu.dma_semaphore, #tpu.memory_space<semaphore_mem>>) src(%dma_wait3A_112 : memref<100x128xf32, #tpu.memory_space<vmem>>) dst(%dma_wait3A_118 : memref<10000x128xf32, #tpu.memory_space<vmem_shared>>)
        tpu.yield
      }) : () -> ()
      %add3A_65 = arith.constant 2 : i32
      %add3A_66 = arith.addi %add3A_48, %add3A_65 : i32
      %add3A_67 = arith.constant 0 : i32
      %add3A_68 = arith.addi %add3A_66, %add3A_67 : i32
      %lt3A = arith.constant 100 : i32
      %lt3A_69 = arith.cmpi slt, %add3A_68, %lt3A : i32
      %convert_element_type3A = arith.extui %lt3A_69 : i1 to i32
      %cond3A = arith.constant 0 : i32
      %cond3A_70 = arith.cmpi ne, %convert_element_type3A, %cond3A : i32
      scf.if %cond3A_70 {
        %dma_start3A_98 = arith.constant 0 : i32
        %dma_start3A_99 = arith.constant 0 : i32
        %dma_start3A_100 = arith.constant 0 : i32
        %dma_start3A_101 = tpu.memref_slice %arg8[%dma_start3A_98, %dma_start3A_99, %dma_start3A_100] : memref<2x100x128xf32, #tpu.memory_space<vmem>> -> memref<1x100x128xf32, #tpu.memory_space<vmem>>
        %dma_start3A_102 = tpu.memref_squeeze %dma_start3A_101 : memref<1x100x128xf32, #tpu.memory_space<vmem>> -> memref<100x128xf32, #tpu.memory_space<vmem>>
        %dma_start3A_103 = arith.constant 0 : i32
        %dma_start3A_104 = tpu.memref_slice %arg6[%add3A_68, %dma_start3A_103] : memref<100x100xi32, #tpu.memory_space<vmem>> -> memref<1x100xi32, #tpu.memory_space<vmem>>
        %dma_start3A_105 = tpu.memref_squeeze %dma_start3A_104 : memref<1x100xi32, #tpu.memory_space<vmem>> -> memref<100xi32, #tpu.memory_space<vmem>>
        %dma_start3A_106 = arith.constant 0 : i32
        %dma_start3A_107 = arith.constant 0 : i32
        %dma_start3A_108 = tpu.memref_slice %arg2[%dma_start3A_106, %dma_start3A_107] : memref<10000x128xf32, #tpu.memory_space<hbm>> -> memref<10000x128xf32, #tpu.memory_space<hbm>>
        tpu.enqueue_indirect_dma source(%dma_start3A_108 : memref<10000x128xf32, #tpu.memory_space<hbm>>) target(%dma_start3A_102 : memref<100x128xf32, #tpu.memory_space<vmem>>) offsets(%dma_start3A_105 : memref<100xi32, #tpu.memory_space<vmem>>) semaphore(%arg11 : memref<!tpu.dma_semaphore, #tpu.memory_space<semaphore_mem>>)
      } else {
      }
      %dma_wait3A_71 = arith.constant 1 : i32
      %dma_wait3A_72 = arith.constant 0 : i32
      %dma_wait3A_73 = arith.constant 0 : i32
      %dma_wait3A_74 = tpu.memref_slice %arg8[%dma_wait3A_71, %dma_wait3A_72, %dma_wait3A_73] : memref<2x100x128xf32, #tpu.memory_space<vmem>> -> memref<1x100x128xf32, #tpu.memory_space<vmem>>
      %dma_wait3A_75 = tpu.memref_squeeze %dma_wait3A_74 : memref<1x100x128xf32, #tpu.memory_space<vmem>> -> memref<100x128xf32, #tpu.memory_space<vmem>>
      %dma_wait3A_76 = arith.constant 0 : i32
      %dma_wait3A_77 = arith.constant 0 : i32
      %dma_wait3A_78 = tpu.memref_slice %arg2[%dma_wait3A_76, %dma_wait3A_77] : memref<10000x128xf32, #tpu.memory_space<hbm>> -> memref<100x128xf32, #tpu.memory_space<hbm>>
      %dma_wait3A_79 = arith.constant 0 : i32
      %dma_wait3A_80 = arith.constant 0 : i32
      %dma_wait3A_81 = tpu.memref_slice %arg8[%dma_wait3A_71, %dma_wait3A_79, %dma_wait3A_80] : memref<2x100x128xf32, #tpu.memory_space<vmem>> -> memref<1x100x128xf32, #tpu.memory_space<vmem>>
      %dma_wait3A_82 = tpu.memref_squeeze %dma_wait3A_81 : memref<1x100x128xf32, #tpu.memory_space<vmem>> -> memref<100x128xf32, #tpu.memory_space<vmem>>
      %dma_wait3A_83 = arith.constant 0 : i32
      %dma_wait3A_84 = arith.constant 0 : i32
      %dma_wait3A_85 = tpu.memref_slice %arg2[%dma_wait3A_83, %dma_wait3A_84] : memref<10000x128xf32, #tpu.memory_space<hbm>> -> memref<100x128xf32, #tpu.memory_space<hbm>>
      tpu.wait_dma2 semaphore(%arg12 : memref<!tpu.dma_semaphore, #tpu.memory_space<semaphore_mem>>) src(%dma_wait3A_85 : memref<100x128xf32, #tpu.memory_space<hbm>>) dst(%dma_wait3A_82 : memref<100x128xf32, #tpu.memory_space<vmem>>)
      %add3A_86 = arith.constant 1 : i32
      %add3A_87 = arith.addi %add3A_48, %add3A_86 : i32
      %run_scoped3A_88 = arith.constant 1 : i32
      "tpu.region"() ({
        %run_scoped3A_98 = tpu.sem_alloc : memref<!tpu.dma_semaphore, #tpu.memory_space<semaphore_mem>>
        %dma_start3A_99 = arith.constant 0 : i32
        %dma_start3A_100 = arith.constant 0 : i32
        %dma_start3A_101 = tpu.memref_slice %arg8[%run_scoped3A_88, %dma_start3A_99, %dma_start3A_100] : memref<2x100x128xf32, #tpu.memory_space<vmem>> -> memref<1x100x128xf32, #tpu.memory_space<vmem>>
        %dma_start3A_102 = tpu.memref_squeeze %dma_start3A_101 : memref<1x100x128xf32, #tpu.memory_space<vmem>> -> memref<100x128xf32, #tpu.memory_space<vmem>>
        %dma_start3A_103 = arith.constant 0 : i32
        %dma_start3A_104 = tpu.memref_slice %arg7[%add3A_87, %dma_start3A_103] : memref<100x100xi32, #tpu.memory_space<vmem>> -> memref<1x100xi32, #tpu.memory_space<vmem>>
        %dma_start3A_105 = tpu.memref_squeeze %dma_start3A_104 : memref<1x100xi32, #tpu.memory_space<vmem>> -> memref<100xi32, #tpu.memory_space<vmem>>
        %dma_start3A_106 = arith.constant 0 : i32
        %dma_start3A_107 = arith.constant 0 : i32
        %dma_start3A_108 = tpu.memref_slice %arg10[%dma_start3A_106, %dma_start3A_107] : memref<10000x128xf32, #tpu.memory_space<vmem_shared>> -> memref<10000x128xf32, #tpu.memory_space<vmem_shared>>
        tpu.enqueue_indirect_dma source(%dma_start3A_102 : memref<100x128xf32, #tpu.memory_space<vmem>>) target(%dma_start3A_108 : memref<10000x128xf32, #tpu.memory_space<vmem_shared>>) offsets(%dma_start3A_105 : memref<100xi32, #tpu.memory_space<vmem>>) semaphore(%run_scoped3A_98 : memref<!tpu.dma_semaphore, #tpu.memory_space<semaphore_mem>>) {add = true}
        %dma_wait3A_109 = arith.constant 0 : i32
        %dma_wait3A_110 = arith.constant 0 : i32
        %dma_wait3A_111 = tpu.memref_slice %arg8[%run_scoped3A_88, %dma_wait3A_109, %dma_wait3A_110] : memref<2x100x128xf32, #tpu.memory_space<vmem>> -> memref<1x100x128xf32, #tpu.memory_space<vmem>>
        %dma_wait3A_112 = tpu.memref_squeeze %dma_wait3A_111 : memref<1x100x128xf32, #tpu.memory_space<vmem>> -> memref<100x128xf32, #tpu.memory_space<vmem>>
        %dma_wait3A_113 = arith.constant 0 : i32
        %dma_wait3A_114 = tpu.memref_slice %arg7[%add3A_87, %dma_wait3A_113] : memref<100x100xi32, #tpu.memory_space<vmem>> -> memref<1x100xi32, #tpu.memory_space<vmem>>
        %dma_wait3A_115 = tpu.memref_squeeze %dma_wait3A_114 : memref<1x100xi32, #tpu.memory_space<vmem>> -> memref<100xi32, #tpu.memory_space<vmem>>
        %dma_wait3A_116 = arith.constant 0 : i32
        %dma_wait3A_117 = arith.constant 0 : i32
        %dma_wait3A_118 = tpu.memref_slice %arg10[%dma_wait3A_116, %dma_wait3A_117] : memref<10000x128xf32, #tpu.memory_space<vmem_shared>> -> memref<10000x128xf32, #tpu.memory_space<vmem_shared>>
        tpu.wait_indirect_dma semaphore(%run_scoped3A_98 : memref<!tpu.dma_semaphore, #tpu.memory_space<semaphore_mem>>) src(%dma_wait3A_112 : memref<100x128xf32, #tpu.memory_space<vmem>>) dst(%dma_wait3A_118 : memref<10000x128xf32, #tpu.memory_space<vmem_shared>>)
        tpu.yield
      }) : () -> ()
      %add3A_89 = arith.constant 2 : i32
      %add3A_90 = arith.addi %add3A_48, %add3A_89 : i32
      %add3A_91 = arith.constant 1 : i32
      %add3A_92 = arith.addi %add3A_90, %add3A_91 : i32
      %lt3A_93 = arith.constant 100 : i32
      %lt3A_94 = arith.cmpi slt, %add3A_92, %lt3A_93 : i32
      %convert_element_type3A_95 = arith.extui %lt3A_94 : i1 to i32
      %cond3A_96 = arith.constant 0 : i32
      %cond3A_97 = arith.cmpi ne, %convert_element_type3A_95, %cond3A_96 : i32
      scf.if %cond3A_97 {
        %dma_start3A_98 = arith.constant 1 : i32
        %dma_start3A_99 = arith.constant 0 : i32
        %dma_start3A_100 = arith.constant 0 : i32
        %dma_start3A_101 = tpu.memref_slice %arg8[%dma_start3A_98, %dma_start3A_99, %dma_start3A_100] : memref<2x100x128xf32, #tpu.memory_space<vmem>> -> memref<1x100x128xf32, #tpu.memory_space<vmem>>
        %dma_start3A_102 = tpu.memref_squeeze %dma_start3A_101 : memref<1x100x128xf32, #tpu.memory_space<vmem>> -> memref<100x128xf32, #tpu.memory_space<vmem>>
        %dma_start3A_103 = arith.constant 0 : i32
        %dma_start3A_104 = tpu.memref_slice %arg6[%add3A_92, %dma_start3A_103] : memref<100x100xi32, #tpu.memory_space<vmem>> -> memref<1x100xi32, #tpu.memory_space<vmem>>
        %dma_start3A_105 = tpu.memref_squeeze %dma_start3A_104 : memref<1x100xi32, #tpu.memory_space<vmem>> -> memref<100xi32, #tpu.memory_space<vmem>>
        %dma_start3A_106 = arith.constant 0 : i32
        %dma_start3A_107 = arith.constant 0 : i32
        %dma_start3A_108 = tpu.memref_slice %arg2[%dma_start3A_106, %dma_start3A_107] : memref<10000x128xf32, #tpu.memory_space<hbm>> -> memref<10000x128xf32, #tpu.memory_space<hbm>>
        tpu.enqueue_indirect_dma source(%dma_start3A_108 : memref<10000x128xf32, #tpu.memory_space<hbm>>) target(%dma_start3A_102 : memref<100x128xf32, #tpu.memory_space<vmem>>) offsets(%dma_start3A_105 : memref<100xi32, #tpu.memory_space<vmem>>) semaphore(%arg12 : memref<!tpu.dma_semaphore, #tpu.memory_space<semaphore_mem>>)
      } else {
      }
    }
    %scan3A_37 = arith.constant 50 : i32
    %barrier3A_38 = arith.constant 0 : index
    tpu.barrier barrier_id(%barrier3A_38)
    %scan3A_39 = arith.constant 0 : i32
    %scan3A_40 = arith.constant 25 : i32
    %scan3A_41 = arith.addi %scan3A_39, %scan3A_40 : i32
    %scan3A_42 = arith.constant 1 : i32
    scf.for %scan3A_44 = %scan3A_39 to %scan3A_41 step %scan3A_42  : i32 {
      %mul3A_45 = arith.constant 1 : i32
      %mul3A_46 = arith.muli %scan3A_44, %mul3A_45 : i32
      %add3A_47 = arith.constant 0 : i32
      %add3A_48 = arith.addi %add3A_47, %mul3A_46 : i32
      %mul3A_49 = arith.constant 625 : i32
      %mul3A_50 = arith.muli %arg1, %mul3A_49 : i32
      %mul3A_51 = arith.constant 25 : i32
      %mul3A_52 = arith.muli %add3A_48, %mul3A_51 : i32
      %add3A_53 = arith.addi %mul3A_50, %mul3A_52 : i32
      "tpu.region"() ({
        %run_scoped3A = tpu.sem_alloc : memref<!tpu.dma_semaphore, #tpu.memory_space<semaphore_mem>>
        %dma_start3A_54 = arith.constant 0 : i32
        %dma_start3A_55 = tpu.memref_slice %arg10[%add3A_53, %dma_start3A_54] : memref<10000x128xf32, #tpu.memory_space<vmem_shared>> -> memref<25x128xf32, #tpu.memory_space<vmem_shared>>
        %dma_start3A_56 = arith.constant 0 : i32
        %dma_start3A_57 = tpu.memref_slice %arg10[%add3A_53, %dma_start3A_56] : memref<10000x128xf32, #tpu.memory_space<vmem_shared>> -> memref<25x128xf32, #tpu.memory_space<vmem_shared>>
        tpu.enqueue_dma source(%dma_start3A_57 : memref<25x128xf32, #tpu.memory_space<vmem_shared>>) target(%arg9 : memref<25x128xf32, #tpu.memory_space<vmem>>) target_semaphore(%run_scoped3A : memref<!tpu.dma_semaphore, #tpu.memory_space<semaphore_mem>>)
        %dma_wait3A = arith.constant 0 : i32
        %dma_wait3A_58 = tpu.memref_slice %arg10[%add3A_53, %dma_wait3A] : memref<10000x128xf32, #tpu.memory_space<vmem_shared>> -> memref<25x128xf32, #tpu.memory_space<vmem_shared>>
        %dma_wait3A_59 = arith.constant 0 : i32
        %dma_wait3A_60 = tpu.memref_slice %arg10[%add3A_53, %dma_wait3A_59] : memref<10000x128xf32, #tpu.memory_space<vmem_shared>> -> memref<25x128xf32, #tpu.memory_space<vmem_shared>>
        tpu.wait_dma2 semaphore(%run_scoped3A : memref<!tpu.dma_semaphore, #tpu.memory_space<semaphore_mem>>) src(%dma_wait3A_60 : memref<25x128xf32, #tpu.memory_space<vmem_shared>>) dst(%arg9 : memref<25x128xf32, #tpu.memory_space<vmem>>)
        tpu.yield
      }) : () -> ()
      "tpu.region"() ({
        %run_scoped3A = tpu.sem_alloc : memref<!tpu.dma_semaphore, #tpu.memory_space<semaphore_mem>>
        %dma_start3A_54 = arith.constant 0 : i32
        %dma_start3A_55 = tpu.memref_slice %arg5[%arg0, %add3A_53, %dma_start3A_54] : memref<2x10000x128xf32, #tpu.memory_space<hbm>> -> memref<1x25x128xf32, #tpu.memory_space<hbm>>
        %dma_start3A_56 = tpu.memref_squeeze %dma_start3A_55 : memref<1x25x128xf32, #tpu.memory_space<hbm>> -> memref<25x128xf32, #tpu.memory_space<hbm>>
        %dma_start3A_57 = arith.constant 0 : i32
        %dma_start3A_58 = tpu.memref_slice %arg5[%arg0, %add3A_53, %dma_start3A_57] : memref<2x10000x128xf32, #tpu.memory_space<hbm>> -> memref<1x25x128xf32, #tpu.memory_space<hbm>>
        %dma_start3A_59 = tpu.memref_squeeze %dma_start3A_58 : memref<1x25x128xf32, #tpu.memory_space<hbm>> -> memref<25x128xf32, #tpu.memory_space<hbm>>
        tpu.enqueue_dma source(%arg9 : memref<25x128xf32, #tpu.memory_space<vmem>>) target(%dma_start3A_59 : memref<25x128xf32, #tpu.memory_space<hbm>>) target_semaphore(%run_scoped3A : memref<!tpu.dma_semaphore, #tpu.memory_space<semaphore_mem>>)
        %dma_wait3A = arith.constant 0 : i32
        %dma_wait3A_60 = tpu.memref_slice %arg5[%arg0, %add3A_53, %dma_wait3A] : memref<2x10000x128xf32, #tpu.memory_space<hbm>> -> memref<1x25x128xf32, #tpu.memory_space<hbm>>
        %dma_wait3A_61 = tpu.memref_squeeze %dma_wait3A_60 : memref<1x25x128xf32, #tpu.memory_space<hbm>> -> memref<25x128xf32, #tpu.memory_space<hbm>>
        %dma_wait3A_62 = arith.constant 0 : i32
        %dma_wait3A_63 = tpu.memref_slice %arg5[%arg0, %add3A_53, %dma_wait3A_62] : memref<2x10000x128xf32, #tpu.memory_space<hbm>> -> memref<1x25x128xf32, #tpu.memory_space<hbm>>
        %dma_wait3A_64 = tpu.memref_squeeze %dma_wait3A_63 : memref<1x25x128xf32, #tpu.memory_space<hbm>> -> memref<25x128xf32, #tpu.memory_space<hbm>>
        tpu.wait_dma2 semaphore(%run_scoped3A : memref<!tpu.dma_semaphore, #tpu.memory_space<semaphore_mem>>) src(%arg9 : memref<25x128xf32, #tpu.memory_space<vmem>>) dst(%dma_wait3A_64 : memref<25x128xf32, #tpu.memory_space<hbm>>)
        tpu.yield
      }) : () -> ()
    }
    %scan3A_43 = arith.constant 25 : i32
    return
  }
}

#map = affine_map<(d0, d1) -> (0, 0)>
#map1 = affine_map<(d0, d1) -> (0, 0, 0)>
module attributes {stable_mosaic.version = 14 : i64} {
  func.func @_agg_body(%arg0: i32, %arg1: i32, %arg2: memref<10000x128xf32, #tpu.memory_space<hbm>>, %arg3: memref<32x100x100xi32, #tpu.memory_space<hbm>>, %arg4: memref<32x100x100xi32, #tpu.memory_space<hbm>>, %arg5: memref<2x10000x128xf32, #tpu.memory_space<hbm>>, %arg6: memref<100x100xi32, #tpu.memory_space<vmem>>, %arg7: memref<100x100xi32, #tpu.memory_space<vmem>>, %arg8: memref<2x100x128xf32, #tpu.memory_space<vmem>>, %arg9: memref<25x128xf32, #tpu.memory_space<vmem>>, %arg10: memref<10000x128xf32, #tpu.memory_space<vmem_shared>>, %arg11: memref<!tpu.dma_semaphore, #tpu.memory_space<semaphore_mem>>, %arg12: memref<!tpu.dma_semaphore, #tpu.memory_space<semaphore_mem>>) attributes {dimension_semantics = [#tpu.dimension_semantics<core_parallel>, #tpu.dimension_semantics<subcore_parallel>], iteration_bounds = array<i64: 2, 16>, scalar_prefetch = 0 : i64, scratch_operands = 7 : i64, tpu.core_type = #tpu.core_type<sc_vector_subcore>, window_params = [{transform_indices = #map}, {transform_indices = #map1}, {transform_indices = #map1}, {transform_indices = #map1}]} {
    %mul3A = arith.constant 2 : i32
    %mul3A_0 = arith.muli %arg1, %mul3A : i32
    %add3A = arith.addi %mul3A_0, %arg0 : i32
    "tpu.region"() ({
      %run_scoped3A = tpu.sem_alloc : memref<!tpu.dma_semaphore, #tpu.memory_space<semaphore_mem>>
      %dma_start3A_44 = arith.constant 0 : i32
      %dma_start3A_45 = arith.constant 0 : i32
      %dma_start3A_46 = tpu.memref_slice %arg3[%add3A, %dma_start3A_44, %dma_start3A_45] : memref<32x100x100xi32, #tpu.memory_space<hbm>> -> memref<1x100x100xi32, #tpu.memory_space<hbm>>
      %dma_start3A_47 = tpu.memref_squeeze %dma_start3A_46 : memref<1x100x100xi32, #tpu.memory_space<hbm>> -> memref<100x100xi32, #tpu.memory_space<hbm>>
      %dma_start3A_48 = arith.constant 0 : i32
      %dma_start3A_49 = arith.constant 0 : i32
      %dma_start3A_50 = tpu.memref_slice %arg3[%add3A, %dma_start3A_48, %dma_start3A_49] : memref<32x100x100xi32, #tpu.memory_space<hbm>> -> memref<1x100x100xi32, #tpu.memory_space<hbm>>
      %dma_start3A_51 = tpu.memref_squeeze %dma_start3A_50 : memref<1x100x100xi32, #tpu.memory_space<hbm>> -> memref<100x100xi32, #tpu.memory_space<hbm>>
      tpu.enqueue_dma source(%dma_start3A_51 : memref<100x100xi32, #tpu.memory_space<hbm>>) target(%arg6 : memref<100x100xi32, #tpu.memory_space<vmem>>) target_semaphore(%run_scoped3A : memref<!tpu.dma_semaphore, #tpu.memory_space<semaphore_mem>>)
      %dma_wait3A = arith.constant 0 : i32
      %dma_wait3A_52 = arith.constant 0 : i32
      %dma_wait3A_53 = tpu.memref_slice %arg3[%add3A, %dma_wait3A, %dma_wait3A_52] : memref<32x100x100xi32, #tpu.memory_space<hbm>> -> memref<1x100x100xi32, #tpu.memory_space<hbm>>
      %dma_wait3A_54 = tpu.memref_squeeze %dma_wait3A_53 : memref<1x100x100xi32, #tpu.memory_space<hbm>> -> memref<100x100xi32, #tpu.memory_space<hbm>>
      %dma_wait3A_55 = arith.constant 0 : i32
      %dma_wait3A_56 = arith.constant 0 : i32
      %dma_wait3A_57 = tpu.memref_slice %arg3[%add3A, %dma_wait3A_55, %dma_wait3A_56] : memref<32x100x100xi32, #tpu.memory_space<hbm>> -> memref<1x100x100xi32, #tpu.memory_space<hbm>>
      %dma_wait3A_58 = tpu.memref_squeeze %dma_wait3A_57 : memref<1x100x100xi32, #tpu.memory_space<hbm>> -> memref<100x100xi32, #tpu.memory_space<hbm>>
      tpu.wait_dma2 semaphore(%run_scoped3A : memref<!tpu.dma_semaphore, #tpu.memory_space<semaphore_mem>>) src(%dma_wait3A_58 : memref<100x100xi32, #tpu.memory_space<hbm>>) dst(%arg6 : memref<100x100xi32, #tpu.memory_space<vmem>>)
      tpu.yield
    }) : () -> ()
    "tpu.region"() ({
      %run_scoped3A = tpu.sem_alloc : memref<!tpu.dma_semaphore, #tpu.memory_space<semaphore_mem>>
      %dma_start3A_44 = arith.constant 0 : i32
      %dma_start3A_45 = arith.constant 0 : i32
      %dma_start3A_46 = tpu.memref_slice %arg4[%add3A, %dma_start3A_44, %dma_start3A_45] : memref<32x100x100xi32, #tpu.memory_space<hbm>> -> memref<1x100x100xi32, #tpu.memory_space<hbm>>
      %dma_start3A_47 = tpu.memref_squeeze %dma_start3A_46 : memref<1x100x100xi32, #tpu.memory_space<hbm>> -> memref<100x100xi32, #tpu.memory_space<hbm>>
      %dma_start3A_48 = arith.constant 0 : i32
      %dma_start3A_49 = arith.constant 0 : i32
      %dma_start3A_50 = tpu.memref_slice %arg4[%add3A, %dma_start3A_48, %dma_start3A_49] : memref<32x100x100xi32, #tpu.memory_space<hbm>> -> memref<1x100x100xi32, #tpu.memory_space<hbm>>
      %dma_start3A_51 = tpu.memref_squeeze %dma_start3A_50 : memref<1x100x100xi32, #tpu.memory_space<hbm>> -> memref<100x100xi32, #tpu.memory_space<hbm>>
      tpu.enqueue_dma source(%dma_start3A_51 : memref<100x100xi32, #tpu.memory_space<hbm>>) target(%arg7 : memref<100x100xi32, #tpu.memory_space<vmem>>) target_semaphore(%run_scoped3A : memref<!tpu.dma_semaphore, #tpu.memory_space<semaphore_mem>>)
      %dma_wait3A = arith.constant 0 : i32
      %dma_wait3A_52 = arith.constant 0 : i32
      %dma_wait3A_53 = tpu.memref_slice %arg4[%add3A, %dma_wait3A, %dma_wait3A_52] : memref<32x100x100xi32, #tpu.memory_space<hbm>> -> memref<1x100x100xi32, #tpu.memory_space<hbm>>
      %dma_wait3A_54 = tpu.memref_squeeze %dma_wait3A_53 : memref<1x100x100xi32, #tpu.memory_space<hbm>> -> memref<100x100xi32, #tpu.memory_space<hbm>>
      %dma_wait3A_55 = arith.constant 0 : i32
      %dma_wait3A_56 = arith.constant 0 : i32
      %dma_wait3A_57 = tpu.memref_slice %arg4[%add3A, %dma_wait3A_55, %dma_wait3A_56] : memref<32x100x100xi32, #tpu.memory_space<hbm>> -> memref<1x100x100xi32, #tpu.memory_space<hbm>>
      %dma_wait3A_58 = tpu.memref_squeeze %dma_wait3A_57 : memref<1x100x100xi32, #tpu.memory_space<hbm>> -> memref<100x100xi32, #tpu.memory_space<hbm>>
      tpu.wait_dma2 semaphore(%run_scoped3A : memref<!tpu.dma_semaphore, #tpu.memory_space<semaphore_mem>>) src(%dma_wait3A_58 : memref<100x100xi32, #tpu.memory_space<hbm>>) dst(%arg7 : memref<100x100xi32, #tpu.memory_space<vmem>>)
      tpu.yield
    }) : () -> ()
    %dma_start3A = arith.constant 0 : i32
    %dma_start3A_1 = arith.constant 0 : i32
    %dma_start3A_2 = arith.constant 0 : i32
    %dma_start3A_3 = arith.constant 0 : i32
    %dma_start3A_4 = tpu.memref_slice %arg8[%dma_start3A_1, %dma_start3A_2, %dma_start3A_3] : memref<2x100x128xf32, #tpu.memory_space<vmem>> -> memref<1x100x128xf32, #tpu.memory_space<vmem>>
    %dma_start3A_5 = tpu.memref_squeeze %dma_start3A_4 : memref<1x100x128xf32, #tpu.memory_space<vmem>> -> memref<100x128xf32, #tpu.memory_space<vmem>>
    %dma_start3A_6 = arith.constant 0 : i32
    %dma_start3A_7 = tpu.memref_slice %arg6[%dma_start3A, %dma_start3A_6] : memref<100x100xi32, #tpu.memory_space<vmem>> -> memref<1x100xi32, #tpu.memory_space<vmem>>
    %dma_start3A_8 = tpu.memref_squeeze %dma_start3A_7 : memref<1x100xi32, #tpu.memory_space<vmem>> -> memref<100xi32, #tpu.memory_space<vmem>>
    %dma_start3A_9 = arith.constant 0 : i32
    %dma_start3A_10 = arith.constant 0 : i32
    %dma_start3A_11 = tpu.memref_slice %arg2[%dma_start3A_9, %dma_start3A_10] : memref<10000x128xf32, #tpu.memory_space<hbm>> -> memref<10000x128xf32, #tpu.memory_space<hbm>>
    tpu.enqueue_indirect_dma source(%dma_start3A_11 : memref<10000x128xf32, #tpu.memory_space<hbm>>) target(%dma_start3A_5 : memref<100x128xf32, #tpu.memory_space<vmem>>) offsets(%dma_start3A_8 : memref<100xi32, #tpu.memory_space<vmem>>) semaphore(%arg11 : memref<!tpu.dma_semaphore, #tpu.memory_space<semaphore_mem>>)
    %dma_start3A_12 = arith.constant 1 : i32
    %dma_start3A_13 = arith.constant 1 : i32
    %dma_start3A_14 = arith.constant 0 : i32
    %dma_start3A_15 = arith.constant 0 : i32
    %dma_start3A_16 = tpu.memref_slice %arg8[%dma_start3A_13, %dma_start3A_14, %dma_start3A_15] : memref<2x100x128xf32, #tpu.memory_space<vmem>> -> memref<1x100x128xf32, #tpu.memory_space<vmem>>
    %dma_start3A_17 = tpu.memref_squeeze %dma_start3A_16 : memref<1x100x128xf32, #tpu.memory_space<vmem>> -> memref<100x128xf32, #tpu.memory_space<vmem>>
    %dma_start3A_18 = arith.constant 0 : i32
    %dma_start3A_19 = tpu.memref_slice %arg6[%dma_start3A_12, %dma_start3A_18] : memref<100x100xi32, #tpu.memory_space<vmem>> -> memref<1x100xi32, #tpu.memory_space<vmem>>
    %dma_start3A_20 = tpu.memref_squeeze %dma_start3A_19 : memref<1x100xi32, #tpu.memory_space<vmem>> -> memref<100xi32, #tpu.memory_space<vmem>>
    %dma_start3A_21 = arith.constant 0 : i32
    %dma_start3A_22 = arith.constant 0 : i32
    %dma_start3A_23 = tpu.memref_slice %arg2[%dma_start3A_21, %dma_start3A_22] : memref<10000x128xf32, #tpu.memory_space<hbm>> -> memref<10000x128xf32, #tpu.memory_space<hbm>>
    tpu.enqueue_indirect_dma source(%dma_start3A_23 : memref<10000x128xf32, #tpu.memory_space<hbm>>) target(%dma_start3A_17 : memref<100x128xf32, #tpu.memory_space<vmem>>) offsets(%dma_start3A_20 : memref<100xi32, #tpu.memory_space<vmem>>) semaphore(%arg12 : memref<!tpu.dma_semaphore, #tpu.memory_space<semaphore_mem>>)
    %scan3A = arith.constant 0 : i32
    %scan3A_24 = arith.constant 25 : i32
    %scan3A_25 = arith.addi %scan3A, %scan3A_24 : i32
    %scan3A_26 = arith.constant 1 : i32
    scf.for %scan3A_44 = %scan3A to %scan3A_25 step %scan3A_26  : i32 {
      %mul3A_45 = arith.constant 1 : i32
      %mul3A_46 = arith.muli %scan3A_44, %mul3A_45 : i32
      %add3A_47 = arith.constant 0 : i32
      %add3A_48 = arith.addi %add3A_47, %mul3A_46 : i32
      %broadcast_in_dim3A = arith.constant 0.000000e+00 : f32
      %broadcast_in_dim3A_49 = vector.broadcast %broadcast_in_dim3A : f32 to vector<16xf32>
      %swap3A = arith.index_cast %add3A_48 : i32 to index
      %swap3A_50 = arith.constant 0 : index
      %swap3A_51 = tpu.vector_load %arg9[%swap3A, %swap3A_50] {strides = array<i32>} : memref<25x128xf32, #tpu.memory_space<vmem>>, vector<16xf32>,
      tpu.vector_store %arg9[%swap3A, %swap3A_50], %broadcast_in_dim3A_49 {strides = array<i32>} : memref<25x128xf32, #tpu.memory_space<vmem>>, vector<16xf32>,
      %broadcast_in_dim3A_52 = arith.constant 0.000000e+00 : f32
      %broadcast_in_dim3A_53 = vector.broadcast %broadcast_in_dim3A_52 : f32 to vector<16xf32>
      %swap3A_54 = arith.index_cast %add3A_48 : i32 to index
      %swap3A_55 = arith.constant 16 : index
      %swap3A_56 = tpu.vector_load %arg9[%swap3A_54, %swap3A_55] {strides = array<i32>} : memref<25x128xf32, #tpu.memory_space<vmem>>, vector<16xf32>,
      tpu.vector_store %arg9[%swap3A_54, %swap3A_55], %broadcast_in_dim3A_53 {strides = array<i32>} : memref<25x128xf32, #tpu.memory_space<vmem>>, vector<16xf32>,
      %broadcast_in_dim3A_57 = arith.constant 0.000000e+00 : f32
      %broadcast_in_dim3A_58 = vector.broadcast %broadcast_in_dim3A_57 : f32 to vector<16xf32>
      %swap3A_59 = arith.index_cast %add3A_48 : i32 to index
      %swap3A_60 = arith.constant 32 : index
      %swap3A_61 = tpu.vector_load %arg9[%swap3A_59, %swap3A_60] {strides = array<i32>} : memref<25x128xf32, #tpu.memory_space<vmem>>, vector<16xf32>,
      tpu.vector_store %arg9[%swap3A_59, %swap3A_60], %broadcast_in_dim3A_58 {strides = array<i32>} : memref<25x128xf32, #tpu.memory_space<vmem>>, vector<16xf32>,
      %broadcast_in_dim3A_62 = arith.constant 0.000000e+00 : f32
      %broadcast_in_dim3A_63 = vector.broadcast %broadcast_in_dim3A_62 : f32 to vector<16xf32>
      %swap3A_64 = arith.index_cast %add3A_48 : i32 to index
      %swap3A_65 = arith.constant 48 : index
      %swap3A_66 = tpu.vector_load %arg9[%swap3A_64, %swap3A_65] {strides = array<i32>} : memref<25x128xf32, #tpu.memory_space<vmem>>, vector<16xf32>,
      tpu.vector_store %arg9[%swap3A_64, %swap3A_65], %broadcast_in_dim3A_63 {strides = array<i32>} : memref<25x128xf32, #tpu.memory_space<vmem>>, vector<16xf32>,
      %broadcast_in_dim3A_67 = arith.constant 0.000000e+00 : f32
      %broadcast_in_dim3A_68 = vector.broadcast %broadcast_in_dim3A_67 : f32 to vector<16xf32>
      %swap3A_69 = arith.index_cast %add3A_48 : i32 to index
      %swap3A_70 = arith.constant 64 : index
      %swap3A_71 = tpu.vector_load %arg9[%swap3A_69, %swap3A_70] {strides = array<i32>} : memref<25x128xf32, #tpu.memory_space<vmem>>, vector<16xf32>,
      tpu.vector_store %arg9[%swap3A_69, %swap3A_70], %broadcast_in_dim3A_68 {strides = array<i32>} : memref<25x128xf32, #tpu.memory_space<vmem>>, vector<16xf32>,
      %broadcast_in_dim3A_72 = arith.constant 0.000000e+00 : f32
      %broadcast_in_dim3A_73 = vector.broadcast %broadcast_in_dim3A_72 : f32 to vector<16xf32>
      %swap3A_74 = arith.index_cast %add3A_48 : i32 to index
      %swap3A_75 = arith.constant 80 : index
      %swap3A_76 = tpu.vector_load %arg9[%swap3A_74, %swap3A_75] {strides = array<i32>} : memref<25x128xf32, #tpu.memory_space<vmem>>, vector<16xf32>,
      tpu.vector_store %arg9[%swap3A_74, %swap3A_75], %broadcast_in_dim3A_73 {strides = array<i32>} : memref<25x128xf32, #tpu.memory_space<vmem>>, vector<16xf32>,
      %broadcast_in_dim3A_77 = arith.constant 0.000000e+00 : f32
      %broadcast_in_dim3A_78 = vector.broadcast %broadcast_in_dim3A_77 : f32 to vector<16xf32>
      %swap3A_79 = arith.index_cast %add3A_48 : i32 to index
      %swap3A_80 = arith.constant 96 : index
      %swap3A_81 = tpu.vector_load %arg9[%swap3A_79, %swap3A_80] {strides = array<i32>} : memref<25x128xf32, #tpu.memory_space<vmem>>, vector<16xf32>,
      tpu.vector_store %arg9[%swap3A_79, %swap3A_80], %broadcast_in_dim3A_78 {strides = array<i32>} : memref<25x128xf32, #tpu.memory_space<vmem>>, vector<16xf32>,
      %broadcast_in_dim3A_82 = arith.constant 0.000000e+00 : f32
      %broadcast_in_dim3A_83 = vector.broadcast %broadcast_in_dim3A_82 : f32 to vector<16xf32>
      %swap3A_84 = arith.index_cast %add3A_48 : i32 to index
      %swap3A_85 = arith.constant 112 : index
      %swap3A_86 = tpu.vector_load %arg9[%swap3A_84, %swap3A_85] {strides = array<i32>} : memref<25x128xf32, #tpu.memory_space<vmem>>, vector<16xf32>,
      tpu.vector_store %arg9[%swap3A_84, %swap3A_85], %broadcast_in_dim3A_83 {strides = array<i32>} : memref<25x128xf32, #tpu.memory_space<vmem>>, vector<16xf32>,
    }
    %scan3A_27 = arith.constant 25 : i32
    %scan3A_28 = arith.constant 0 : i32
    %scan3A_29 = arith.constant 25 : i32
    %scan3A_30 = arith.addi %scan3A_28, %scan3A_29 : i32
    %scan3A_31 = arith.constant 1 : i32
    scf.for %scan3A_44 = %scan3A_28 to %scan3A_30 step %scan3A_31  : i32 {
      %mul3A_45 = arith.constant 1 : i32
      %mul3A_46 = arith.muli %scan3A_44, %mul3A_45 : i32
      %add3A_47 = arith.constant 0 : i32
      %add3A_48 = arith.addi %add3A_47, %mul3A_46 : i32
      %mul3A_49 = arith.constant 625 : i32
      %mul3A_50 = arith.muli %arg1, %mul3A_49 : i32
      %mul3A_51 = arith.constant 25 : i32
      %mul3A_52 = arith.muli %add3A_48, %mul3A_51 : i32
      %add3A_53 = arith.addi %mul3A_50, %mul3A_52 : i32
      "tpu.region"() ({
        %run_scoped3A = tpu.sem_alloc : memref<!tpu.dma_semaphore, #tpu.memory_space<semaphore_mem>>
        %dma_start3A_54 = arith.constant 0 : i32
        %dma_start3A_55 = tpu.memref_slice %arg10[%add3A_53, %dma_start3A_54] : memref<10000x128xf32, #tpu.memory_space<vmem_shared>> -> memref<25x128xf32, #tpu.memory_space<vmem_shared>>
        %dma_start3A_56 = arith.constant 0 : i32
        %dma_start3A_57 = tpu.memref_slice %arg10[%add3A_53, %dma_start3A_56] : memref<10000x128xf32, #tpu.memory_space<vmem_shared>> -> memref<25x128xf32, #tpu.memory_space<vmem_shared>>
        tpu.enqueue_dma source(%arg9 : memref<25x128xf32, #tpu.memory_space<vmem>>) target(%dma_start3A_57 : memref<25x128xf32, #tpu.memory_space<vmem_shared>>) target_semaphore(%run_scoped3A : memref<!tpu.dma_semaphore, #tpu.memory_space<semaphore_mem>>)
        %dma_wait3A = arith.constant 0 : i32
        %dma_wait3A_58 = tpu.memref_slice %arg10[%add3A_53, %dma_wait3A] : memref<10000x128xf32, #tpu.memory_space<vmem_shared>> -> memref<25x128xf32, #tpu.memory_space<vmem_shared>>
        %dma_wait3A_59 = arith.constant 0 : i32
        %dma_wait3A_60 = tpu.memref_slice %arg10[%add3A_53, %dma_wait3A_59] : memref<10000x128xf32, #tpu.memory_space<vmem_shared>> -> memref<25x128xf32, #tpu.memory_space<vmem_shared>>
        tpu.wait_dma2 semaphore(%run_scoped3A : memref<!tpu.dma_semaphore, #tpu.memory_space<semaphore_mem>>) src(%arg9 : memref<25x128xf32, #tpu.memory_space<vmem>>) dst(%dma_wait3A_60 : memref<25x128xf32, #tpu.memory_space<vmem_shared>>)
        tpu.yield
      }) : () -> ()
    }
    %scan3A_32 = arith.constant 25 : i32
    %barrier3A = arith.constant 0 : index
    tpu.barrier barrier_id(%barrier3A)
    %scan3A_33 = arith.constant 0 : i32
    %scan3A_34 = arith.constant 50 : i32
    %scan3A_35 = arith.addi %scan3A_33, %scan3A_34 : i32
    %scan3A_36 = arith.constant 1 : i32
    scf.for %scan3A_44 = %scan3A_33 to %scan3A_35 step %scan3A_36  : i32 {
      %mul3A_45 = arith.constant 2 : i32
      %mul3A_46 = arith.muli %scan3A_44, %mul3A_45 : i32
      %add3A_47 = arith.constant 0 : i32
      %add3A_48 = arith.addi %add3A_47, %mul3A_46 : i32
      %dma_wait3A = arith.constant 0 : i32
      %dma_wait3A_49 = arith.constant 0 : i32
      %dma_wait3A_50 = arith.constant 0 : i32
      %dma_wait3A_51 = tpu.memref_slice %arg8[%dma_wait3A, %dma_wait3A_49, %dma_wait3A_50] : memref<2x100x128xf32, #tpu.memory_space<vmem>> -> memref<1x100x128xf32, #tpu.memory_space<vmem>>
      %dma_wait3A_52 = tpu.memref_squeeze %dma_wait3A_51 : memref<1x100x128xf32, #tpu.memory_space<vmem>> -> memref<100x128xf32, #tpu.memory_space<vmem>>
      %dma_wait3A_53 = arith.constant 0 : i32
      %dma_wait3A_54 = arith.constant 0 : i32
      %dma_wait3A_55 = tpu.memref_slice %arg2[%dma_wait3A_53, %dma_wait3A_54] : memref<10000x128xf32, #tpu.memory_space<hbm>> -> memref<100x128xf32, #tpu.memory_space<hbm>>
      %dma_wait3A_56 = arith.constant 0 : i32
      %dma_wait3A_57 = arith.constant 0 : i32
      %dma_wait3A_58 = tpu.memref_slice %arg8[%dma_wait3A, %dma_wait3A_56, %dma_wait3A_57] : memref<2x100x128xf32, #tpu.memory_space<vmem>> -> memref<1x100x128xf32, #tpu.memory_space<vmem>>
      %dma_wait3A_59 = tpu.memref_squeeze %dma_wait3A_58 : memref<1x100x128xf32, #tpu.memory_space<vmem>> -> memref<100x128xf32, #tpu.memory_space<vmem>>
      %dma_wait3A_60 = arith.constant 0 : i32
      %dma_wait3A_61 = arith.constant 0 : i32
      %dma_wait3A_62 = tpu.memref_slice %arg2[%dma_wait3A_60, %dma_wait3A_61] : memref<10000x128xf32, #tpu.memory_space<hbm>> -> memref<100x128xf32, #tpu.memory_space<hbm>>
      tpu.wait_dma2 semaphore(%arg11 : memref<!tpu.dma_semaphore, #tpu.memory_space<semaphore_mem>>) src(%dma_wait3A_62 : memref<100x128xf32, #tpu.memory_space<hbm>>) dst(%dma_wait3A_59 : memref<100x128xf32, #tpu.memory_space<vmem>>)
      %add3A_63 = arith.constant 0 : i32
      %add3A_64 = arith.addi %add3A_48, %add3A_63 : i32
      %run_scoped3A = arith.constant 0 : i32
      "tpu.region"() ({
        %run_scoped3A_98 = tpu.sem_alloc : memref<!tpu.dma_semaphore, #tpu.memory_space<semaphore_mem>>
        %dma_start3A_99 = arith.constant 0 : i32
        %dma_start3A_100 = arith.constant 0 : i32
        %dma_start3A_101 = tpu.memref_slice %arg8[%run_scoped3A, %dma_start3A_99, %dma_start3A_100] : memref<2x100x128xf32, #tpu.memory_space<vmem>> -> memref<1x100x128xf32, #tpu.memory_space<vmem>>
        %dma_start3A_102 = tpu.memref_squeeze %dma_start3A_101 : memref<1x100x128xf32, #tpu.memory_space<vmem>> -> memref<100x128xf32, #tpu.memory_space<vmem>>
        %dma_start3A_103 = arith.constant 0 : i32
        %dma_start3A_104 = tpu.memref_slice %arg7[%add3A_64, %dma_start3A_103] : memref<100x100xi32, #tpu.memory_space<vmem>> -> memref<1x100xi32, #tpu.memory_space<vmem>>
        %dma_start3A_105 = tpu.memref_squeeze %dma_start3A_104 : memref<1x100xi32, #tpu.memory_space<vmem>> -> memref<100xi32, #tpu.memory_space<vmem>>
        %dma_start3A_106 = arith.constant 0 : i32
        %dma_start3A_107 = arith.constant 0 : i32
        %dma_start3A_108 = tpu.memref_slice %arg10[%dma_start3A_106, %dma_start3A_107] : memref<10000x128xf32, #tpu.memory_space<vmem_shared>> -> memref<10000x128xf32, #tpu.memory_space<vmem_shared>>
        tpu.enqueue_indirect_dma source(%dma_start3A_102 : memref<100x128xf32, #tpu.memory_space<vmem>>) target(%dma_start3A_108 : memref<10000x128xf32, #tpu.memory_space<vmem_shared>>) offsets(%dma_start3A_105 : memref<100xi32, #tpu.memory_space<vmem>>) semaphore(%run_scoped3A_98 : memref<!tpu.dma_semaphore, #tpu.memory_space<semaphore_mem>>) {add = true}
        %dma_wait3A_109 = arith.constant 0 : i32
        %dma_wait3A_110 = arith.constant 0 : i32
        %dma_wait3A_111 = tpu.memref_slice %arg8[%run_scoped3A, %dma_wait3A_109, %dma_wait3A_110] : memref<2x100x128xf32, #tpu.memory_space<vmem>> -> memref<1x100x128xf32, #tpu.memory_space<vmem>>
        %dma_wait3A_112 = tpu.memref_squeeze %dma_wait3A_111 : memref<1x100x128xf32, #tpu.memory_space<vmem>> -> memref<100x128xf32, #tpu.memory_space<vmem>>
        %dma_wait3A_113 = arith.constant 0 : i32
        %dma_wait3A_114 = tpu.memref_slice %arg7[%add3A_64, %dma_wait3A_113] : memref<100x100xi32, #tpu.memory_space<vmem>> -> memref<1x100xi32, #tpu.memory_space<vmem>>
        %dma_wait3A_115 = tpu.memref_squeeze %dma_wait3A_114 : memref<1x100xi32, #tpu.memory_space<vmem>> -> memref<100xi32, #tpu.memory_space<vmem>>
        %dma_wait3A_116 = arith.constant 0 : i32
        %dma_wait3A_117 = arith.constant 0 : i32
        %dma_wait3A_118 = tpu.memref_slice %arg10[%dma_wait3A_116, %dma_wait3A_117] : memref<10000x128xf32, #tpu.memory_space<vmem_shared>> -> memref<10000x128xf32, #tpu.memory_space<vmem_shared>>
        tpu.wait_indirect_dma semaphore(%run_scoped3A_98 : memref<!tpu.dma_semaphore, #tpu.memory_space<semaphore_mem>>) src(%dma_wait3A_112 : memref<100x128xf32, #tpu.memory_space<vmem>>) dst(%dma_wait3A_118 : memref<10000x128xf32, #tpu.memory_space<vmem_shared>>)
        tpu.yield
      }) : () -> ()
      %add3A_65 = arith.constant 2 : i32
      %add3A_66 = arith.addi %add3A_48, %add3A_65 : i32
      %add3A_67 = arith.constant 0 : i32
      %add3A_68 = arith.addi %add3A_66, %add3A_67 : i32
      %lt3A = arith.constant 100 : i32
      %lt3A_69 = arith.cmpi slt, %add3A_68, %lt3A : i32
      %convert_element_type3A = arith.extui %lt3A_69 : i1 to i32
      %cond3A = arith.constant 0 : i32
      %cond3A_70 = arith.cmpi ne, %convert_element_type3A, %cond3A : i32
      scf.if %cond3A_70 {
        %dma_start3A_98 = arith.constant 0 : i32
        %dma_start3A_99 = arith.constant 0 : i32
        %dma_start3A_100 = arith.constant 0 : i32
        %dma_start3A_101 = tpu.memref_slice %arg8[%dma_start3A_98, %dma_start3A_99, %dma_start3A_100] : memref<2x100x128xf32, #tpu.memory_space<vmem>> -> memref<1x100x128xf32, #tpu.memory_space<vmem>>
        %dma_start3A_102 = tpu.memref_squeeze %dma_start3A_101 : memref<1x100x128xf32, #tpu.memory_space<vmem>> -> memref<100x128xf32, #tpu.memory_space<vmem>>
        %dma_start3A_103 = arith.constant 0 : i32
        %dma_start3A_104 = tpu.memref_slice %arg6[%add3A_68, %dma_start3A_103] : memref<100x100xi32, #tpu.memory_space<vmem>> -> memref<1x100xi32, #tpu.memory_space<vmem>>
        %dma_start3A_105 = tpu.memref_squeeze %dma_start3A_104 : memref<1x100xi32, #tpu.memory_space<vmem>> -> memref<100xi32, #tpu.memory_space<vmem>>
        %dma_start3A_106 = arith.constant 0 : i32
        %dma_start3A_107 = arith.constant 0 : i32
        %dma_start3A_108 = tpu.memref_slice %arg2[%dma_start3A_106, %dma_start3A_107] : memref<10000x128xf32, #tpu.memory_space<hbm>> -> memref<10000x128xf32, #tpu.memory_space<hbm>>
        tpu.enqueue_indirect_dma source(%dma_start3A_108 : memref<10000x128xf32, #tpu.memory_space<hbm>>) target(%dma_start3A_102 : memref<100x128xf32, #tpu.memory_space<vmem>>) offsets(%dma_start3A_105 : memref<100xi32, #tpu.memory_space<vmem>>) semaphore(%arg11 : memref<!tpu.dma_semaphore, #tpu.memory_space<semaphore_mem>>)
      } else {
      }
      %dma_wait3A_71 = arith.constant 1 : i32
      %dma_wait3A_72 = arith.constant 0 : i32
      %dma_wait3A_73 = arith.constant 0 : i32
      %dma_wait3A_74 = tpu.memref_slice %arg8[%dma_wait3A_71, %dma_wait3A_72, %dma_wait3A_73] : memref<2x100x128xf32, #tpu.memory_space<vmem>> -> memref<1x100x128xf32, #tpu.memory_space<vmem>>
      %dma_wait3A_75 = tpu.memref_squeeze %dma_wait3A_74 : memref<1x100x128xf32, #tpu.memory_space<vmem>> -> memref<100x128xf32, #tpu.memory_space<vmem>>
      %dma_wait3A_76 = arith.constant 0 : i32
      %dma_wait3A_77 = arith.constant 0 : i32
      %dma_wait3A_78 = tpu.memref_slice %arg2[%dma_wait3A_76, %dma_wait3A_77] : memref<10000x128xf32, #tpu.memory_space<hbm>> -> memref<100x128xf32, #tpu.memory_space<hbm>>
      %dma_wait3A_79 = arith.constant 0 : i32
      %dma_wait3A_80 = arith.constant 0 : i32
      %dma_wait3A_81 = tpu.memref_slice %arg8[%dma_wait3A_71, %dma_wait3A_79, %dma_wait3A_80] : memref<2x100x128xf32, #tpu.memory_space<vmem>> -> memref<1x100x128xf32, #tpu.memory_space<vmem>>
      %dma_wait3A_82 = tpu.memref_squeeze %dma_wait3A_81 : memref<1x100x128xf32, #tpu.memory_space<vmem>> -> memref<100x128xf32, #tpu.memory_space<vmem>>
      %dma_wait3A_83 = arith.constant 0 : i32
      %dma_wait3A_84 = arith.constant 0 : i32
      %dma_wait3A_85 = tpu.memref_slice %arg2[%dma_wait3A_83, %dma_wait3A_84] : memref<10000x128xf32, #tpu.memory_space<hbm>> -> memref<100x128xf32, #tpu.memory_space<hbm>>
      tpu.wait_dma2 semaphore(%arg12 : memref<!tpu.dma_semaphore, #tpu.memory_space<semaphore_mem>>) src(%dma_wait3A_85 : memref<100x128xf32, #tpu.memory_space<hbm>>) dst(%dma_wait3A_82 : memref<100x128xf32, #tpu.memory_space<vmem>>)
      %add3A_86 = arith.constant 1 : i32
      %add3A_87 = arith.addi %add3A_48, %add3A_86 : i32
      %run_scoped3A_88 = arith.constant 1 : i32
      "tpu.region"() ({
        %run_scoped3A_98 = tpu.sem_alloc : memref<!tpu.dma_semaphore, #tpu.memory_space<semaphore_mem>>
        %dma_start3A_99 = arith.constant 0 : i32
        %dma_start3A_100 = arith.constant 0 : i32
        %dma_start3A_101 = tpu.memref_slice %arg8[%run_scoped3A_88, %dma_start3A_99, %dma_start3A_100] : memref<2x100x128xf32, #tpu.memory_space<vmem>> -> memref<1x100x128xf32, #tpu.memory_space<vmem>>
        %dma_start3A_102 = tpu.memref_squeeze %dma_start3A_101 : memref<1x100x128xf32, #tpu.memory_space<vmem>> -> memref<100x128xf32, #tpu.memory_space<vmem>>
        %dma_start3A_103 = arith.constant 0 : i32
        %dma_start3A_104 = tpu.memref_slice %arg7[%add3A_87, %dma_start3A_103] : memref<100x100xi32, #tpu.memory_space<vmem>> -> memref<1x100xi32, #tpu.memory_space<vmem>>
        %dma_start3A_105 = tpu.memref_squeeze %dma_start3A_104 : memref<1x100xi32, #tpu.memory_space<vmem>> -> memref<100xi32, #tpu.memory_space<vmem>>
        %dma_start3A_106 = arith.constant 0 : i32
        %dma_start3A_107 = arith.constant 0 : i32
        %dma_start3A_108 = tpu.memref_slice %arg10[%dma_start3A_106, %dma_start3A_107] : memref<10000x128xf32, #tpu.memory_space<vmem_shared>> -> memref<10000x128xf32, #tpu.memory_space<vmem_shared>>
        tpu.enqueue_indirect_dma source(%dma_start3A_102 : memref<100x128xf32, #tpu.memory_space<vmem>>) target(%dma_start3A_108 : memref<10000x128xf32, #tpu.memory_space<vmem_shared>>) offsets(%dma_start3A_105 : memref<100xi32, #tpu.memory_space<vmem>>) semaphore(%run_scoped3A_98 : memref<!tpu.dma_semaphore, #tpu.memory_space<semaphore_mem>>) {add = true}
        %dma_wait3A_109 = arith.constant 0 : i32
        %dma_wait3A_110 = arith.constant 0 : i32
        %dma_wait3A_111 = tpu.memref_slice %arg8[%run_scoped3A_88, %dma_wait3A_109, %dma_wait3A_110] : memref<2x100x128xf32, #tpu.memory_space<vmem>> -> memref<1x100x128xf32, #tpu.memory_space<vmem>>
        %dma_wait3A_112 = tpu.memref_squeeze %dma_wait3A_111 : memref<1x100x128xf32, #tpu.memory_space<vmem>> -> memref<100x128xf32, #tpu.memory_space<vmem>>
        %dma_wait3A_113 = arith.constant 0 : i32
        %dma_wait3A_114 = tpu.memref_slice %arg7[%add3A_87, %dma_wait3A_113] : memref<100x100xi32, #tpu.memory_space<vmem>> -> memref<1x100xi32, #tpu.memory_space<vmem>>
        %dma_wait3A_115 = tpu.memref_squeeze %dma_wait3A_114 : memref<1x100xi32, #tpu.memory_space<vmem>> -> memref<100xi32, #tpu.memory_space<vmem>>
        %dma_wait3A_116 = arith.constant 0 : i32
        %dma_wait3A_117 = arith.constant 0 : i32
        %dma_wait3A_118 = tpu.memref_slice %arg10[%dma_wait3A_116, %dma_wait3A_117] : memref<10000x128xf32, #tpu.memory_space<vmem_shared>> -> memref<10000x128xf32, #tpu.memory_space<vmem_shared>>
        tpu.wait_indirect_dma semaphore(%run_scoped3A_98 : memref<!tpu.dma_semaphore, #tpu.memory_space<semaphore_mem>>) src(%dma_wait3A_112 : memref<100x128xf32, #tpu.memory_space<vmem>>) dst(%dma_wait3A_118 : memref<10000x128xf32, #tpu.memory_space<vmem_shared>>)
        tpu.yield
      }) : () -> ()
      %add3A_89 = arith.constant 2 : i32
      %add3A_90 = arith.addi %add3A_48, %add3A_89 : i32
      %add3A_91 = arith.constant 1 : i32
      %add3A_92 = arith.addi %add3A_90, %add3A_91 : i32
      %lt3A_93 = arith.constant 100 : i32
      %lt3A_94 = arith.cmpi slt, %add3A_92, %lt3A_93 : i32
      %convert_element_type3A_95 = arith.extui %lt3A_94 : i1 to i32
      %cond3A_96 = arith.constant 0 : i32
      %cond3A_97 = arith.cmpi ne, %convert_element_type3A_95, %cond3A_96 : i32
      scf.if %cond3A_97 {
        %dma_start3A_98 = arith.constant 1 : i32
        %dma_start3A_99 = arith.constant 0 : i32
        %dma_start3A_100 = arith.constant 0 : i32
        %dma_start3A_101 = tpu.memref_slice %arg8[%dma_start3A_98, %dma_start3A_99, %dma_start3A_100] : memref<2x100x128xf32, #tpu.memory_space<vmem>> -> memref<1x100x128xf32, #tpu.memory_space<vmem>>
        %dma_start3A_102 = tpu.memref_squeeze %dma_start3A_101 : memref<1x100x128xf32, #tpu.memory_space<vmem>> -> memref<100x128xf32, #tpu.memory_space<vmem>>
        %dma_start3A_103 = arith.constant 0 : i32
        %dma_start3A_104 = tpu.memref_slice %arg6[%add3A_92, %dma_start3A_103] : memref<100x100xi32, #tpu.memory_space<vmem>> -> memref<1x100xi32, #tpu.memory_space<vmem>>
        %dma_start3A_105 = tpu.memref_squeeze %dma_start3A_104 : memref<1x100xi32, #tpu.memory_space<vmem>> -> memref<100xi32, #tpu.memory_space<vmem>>
        %dma_start3A_106 = arith.constant 0 : i32
        %dma_start3A_107 = arith.constant 0 : i32
        %dma_start3A_108 = tpu.memref_slice %arg2[%dma_start3A_106, %dma_start3A_107] : memref<10000x128xf32, #tpu.memory_space<hbm>> -> memref<10000x128xf32, #tpu.memory_space<hbm>>
        tpu.enqueue_indirect_dma source(%dma_start3A_108 : memref<10000x128xf32, #tpu.memory_space<hbm>>) target(%dma_start3A_102 : memref<100x128xf32, #tpu.memory_space<vmem>>) offsets(%dma_start3A_105 : memref<100xi32, #tpu.memory_space<vmem>>) semaphore(%arg12 : memref<!tpu.dma_semaphore, #tpu.memory_space<semaphore_mem>>)
      } else {
      }
    }
    %scan3A_37 = arith.constant 50 : i32
    %barrier3A_38 = arith.constant 0 : index
    tpu.barrier barrier_id(%barrier3A_38)
    %scan3A_39 = arith.constant 0 : i32
    %scan3A_40 = arith.constant 25 : i32
    %scan3A_41 = arith.addi %scan3A_39, %scan3A_40 : i32
    %scan3A_42 = arith.constant 1 : i32
    scf.for %scan3A_44 = %scan3A_39 to %scan3A_41 step %scan3A_42  : i32 {
      %mul3A_45 = arith.constant 1 : i32
      %mul3A_46 = arith.muli %scan3A_44, %mul3A_45 : i32
      %add3A_47 = arith.constant 0 : i32
      %add3A_48 = arith.addi %add3A_47, %mul3A_46 : i32
      %mul3A_49 = arith.constant 625 : i32
      %mul3A_50 = arith.muli %arg1, %mul3A_49 : i32
      %mul3A_51 = arith.constant 25 : i32
      %mul3A_52 = arith.muli %add3A_48, %mul3A_51 : i32
      %add3A_53 = arith.addi %mul3A_50, %mul3A_52 : i32
      "tpu.region"() ({
        %run_scoped3A = tpu.sem_alloc : memref<!tpu.dma_semaphore, #tpu.memory_space<semaphore_mem>>
        %dma_start3A_54 = arith.constant 0 : i32
        %dma_start3A_55 = tpu.memref_slice %arg10[%add3A_53, %dma_start3A_54] : memref<10000x128xf32, #tpu.memory_space<vmem_shared>> -> memref<25x128xf32, #tpu.memory_space<vmem_shared>>
        %dma_start3A_56 = arith.constant 0 : i32
        %dma_start3A_57 = tpu.memref_slice %arg10[%add3A_53, %dma_start3A_56] : memref<10000x128xf32, #tpu.memory_space<vmem_shared>> -> memref<25x128xf32, #tpu.memory_space<vmem_shared>>
        tpu.enqueue_dma source(%dma_start3A_57 : memref<25x128xf32, #tpu.memory_space<vmem_shared>>) target(%arg9 : memref<25x128xf32, #tpu.memory_space<vmem>>) target_semaphore(%run_scoped3A : memref<!tpu.dma_semaphore, #tpu.memory_space<semaphore_mem>>)
        %dma_wait3A = arith.constant 0 : i32
        %dma_wait3A_58 = tpu.memref_slice %arg10[%add3A_53, %dma_wait3A] : memref<10000x128xf32, #tpu.memory_space<vmem_shared>> -> memref<25x128xf32, #tpu.memory_space<vmem_shared>>
        %dma_wait3A_59 = arith.constant 0 : i32
        %dma_wait3A_60 = tpu.memref_slice %arg10[%add3A_53, %dma_wait3A_59] : memref<10000x128xf32, #tpu.memory_space<vmem_shared>> -> memref<25x128xf32, #tpu.memory_space<vmem_shared>>
        tpu.wait_dma2 semaphore(%run_scoped3A : memref<!tpu.dma_semaphore, #tpu.memory_space<semaphore_mem>>) src(%dma_wait3A_60 : memref<25x128xf32, #tpu.memory_space<vmem_shared>>) dst(%arg9 : memref<25x128xf32, #tpu.memory_space<vmem>>)
        tpu.yield
      }) : () -> ()
      "tpu.region"() ({
        %run_scoped3A = tpu.sem_alloc : memref<!tpu.dma_semaphore, #tpu.memory_space<semaphore_mem>>
        %dma_start3A_54 = arith.constant 0 : i32
        %dma_start3A_55 = tpu.memref_slice %arg5[%arg0, %add3A_53, %dma_start3A_54] : memref<2x10000x128xf32, #tpu.memory_space<hbm>> -> memref<1x25x128xf32, #tpu.memory_space<hbm>>
        %dma_start3A_56 = tpu.memref_squeeze %dma_start3A_55 : memref<1x25x128xf32, #tpu.memory_space<hbm>> -> memref<25x128xf32, #tpu.memory_space<hbm>>
        %dma_start3A_57 = arith.constant 0 : i32
        %dma_start3A_58 = tpu.memref_slice %arg5[%arg0, %add3A_53, %dma_start3A_57] : memref<2x10000x128xf32, #tpu.memory_space<hbm>> -> memref<1x25x128xf32, #tpu.memory_space<hbm>>
        %dma_start3A_59 = tpu.memref_squeeze %dma_start3A_58 : memref<1x25x128xf32, #tpu.memory_space<hbm>> -> memref<25x128xf32, #tpu.memory_space<hbm>>
        tpu.enqueue_dma source(%arg9 : memref<25x128xf32, #tpu.memory_space<vmem>>) target(%dma_start3A_59 : memref<25x128xf32, #tpu.memory_space<hbm>>) target_semaphore(%run_scoped3A : memref<!tpu.dma_semaphore, #tpu.memory_space<semaphore_mem>>)
        %dma_wait3A = arith.constant 0 : i32
        %dma_wait3A_60 = tpu.memref_slice %arg5[%arg0, %add3A_53, %dma_wait3A] : memref<2x10000x128xf32, #tpu.memory_space<hbm>> -> memref<1x25x128xf32, #tpu.memory_space<hbm>>
        %dma_wait3A_61 = tpu.memref_squeeze %dma_wait3A_60 : memref<1x25x128xf32, #tpu.memory_space<hbm>> -> memref<25x128xf32, #tpu.memory_space<hbm>>
        %dma_wait3A_62 = arith.constant 0 : i32
        %dma_wait3A_63 = tpu.memref_slice %arg5[%arg0, %add3A_53, %dma_wait3A_62] : memref<2x10000x128xf32, #tpu.memory_space<hbm>> -> memref<1x25x128xf32, #tpu.memory_space<hbm>>
        %dma_wait3A_64 = tpu.memref_squeeze %dma_wait3A_63 : memref<1x25x128xf32, #tpu.memory_space<hbm>> -> memref<25x128xf32, #tpu.memory_space<hbm>>
        tpu.wait_dma2 semaphore(%run_scoped3A : memref<!tpu.dma_semaphore, #tpu.memory_space<semaphore_mem>>) src(%arg9 : memref<25x128xf32, #tpu.memory_space<vmem>>) dst(%dma_wait3A_64 : memref<25x128xf32, #tpu.memory_space<hbm>>)
        tpu.yield
      }) : () -> ()
    }
    %scan3A_43 = arith.constant 25 : i32
    return
  }
}

#map = affine_map<(d0, d1) -> (0, 0, 0)>
module attributes {stable_mosaic.version = 14 : i64} {
  func.func @_deg_body(%arg0: i32, %arg1: i32, %arg2: memref<32x100x100xi32, #tpu.memory_space<hbm>>, %arg3: memref<2x10000x16xf32, #tpu.memory_space<hbm>>, %arg4: memref<100x100xi32, #tpu.memory_space<vmem>>, %arg5: memref<100x16xf32, #tpu.memory_space<vmem>>, %arg6: memref<25x16xf32, #tpu.memory_space<vmem>>, %arg7: memref<10000x16xf32, #tpu.memory_space<vmem_shared>>) attributes {dimension_semantics = [#tpu.dimension_semantics<core_parallel>, #tpu.dimension_semantics<subcore_parallel>], iteration_bounds = array<i64: 2, 16>, scalar_prefetch = 0 : i64, scratch_operands = 4 : i64, tpu.core_type = #tpu.core_type<sc_vector_subcore>, window_params = [{transform_indices = #map}, {transform_indices = #map}]} {
    %mul3A = arith.constant 2 : i32
    %mul3A_0 = arith.muli %arg1, %mul3A : i32
    %add3A = arith.addi %mul3A_0, %arg0 : i32
    "tpu.region"() ({
      %run_scoped3A = tpu.sem_alloc : memref<!tpu.dma_semaphore, #tpu.memory_space<semaphore_mem>>
      %dma_start3A = arith.constant 0 : i32
      %dma_start3A_26 = arith.constant 0 : i32
      %dma_start3A_27 = tpu.memref_slice %arg2[%add3A, %dma_start3A, %dma_start3A_26] : memref<32x100x100xi32, #tpu.memory_space<hbm>> -> memref<1x100x100xi32, #tpu.memory_space<hbm>>
      %dma_start3A_28 = tpu.memref_squeeze %dma_start3A_27 : memref<1x100x100xi32, #tpu.memory_space<hbm>> -> memref<100x100xi32, #tpu.memory_space<hbm>>
      %dma_start3A_29 = arith.constant 0 : i32
      %dma_start3A_30 = arith.constant 0 : i32
      %dma_start3A_31 = tpu.memref_slice %arg2[%add3A, %dma_start3A_29, %dma_start3A_30] : memref<32x100x100xi32, #tpu.memory_space<hbm>> -> memref<1x100x100xi32, #tpu.memory_space<hbm>>
      %dma_start3A_32 = tpu.memref_squeeze %dma_start3A_31 : memref<1x100x100xi32, #tpu.memory_space<hbm>> -> memref<100x100xi32, #tpu.memory_space<hbm>>
      tpu.enqueue_dma source(%dma_start3A_32 : memref<100x100xi32, #tpu.memory_space<hbm>>) target(%arg4 : memref<100x100xi32, #tpu.memory_space<vmem>>) target_semaphore(%run_scoped3A : memref<!tpu.dma_semaphore, #tpu.memory_space<semaphore_mem>>)
      %dma_wait3A = arith.constant 0 : i32
      %dma_wait3A_33 = arith.constant 0 : i32
      %dma_wait3A_34 = tpu.memref_slice %arg2[%add3A, %dma_wait3A, %dma_wait3A_33] : memref<32x100x100xi32, #tpu.memory_space<hbm>> -> memref<1x100x100xi32, #tpu.memory_space<hbm>>
      %dma_wait3A_35 = tpu.memref_squeeze %dma_wait3A_34 : memref<1x100x100xi32, #tpu.memory_space<hbm>> -> memref<100x100xi32, #tpu.memory_space<hbm>>
      %dma_wait3A_36 = arith.constant 0 : i32
      %dma_wait3A_37 = arith.constant 0 : i32
      %dma_wait3A_38 = tpu.memref_slice %arg2[%add3A, %dma_wait3A_36, %dma_wait3A_37] : memref<32x100x100xi32, #tpu.memory_space<hbm>> -> memref<1x100x100xi32, #tpu.memory_space<hbm>>
      %dma_wait3A_39 = tpu.memref_squeeze %dma_wait3A_38 : memref<1x100x100xi32, #tpu.memory_space<hbm>> -> memref<100x100xi32, #tpu.memory_space<hbm>>
      tpu.wait_dma2 semaphore(%run_scoped3A : memref<!tpu.dma_semaphore, #tpu.memory_space<semaphore_mem>>) src(%dma_wait3A_39 : memref<100x100xi32, #tpu.memory_space<hbm>>) dst(%arg4 : memref<100x100xi32, #tpu.memory_space<vmem>>)
      tpu.yield
    }) : () -> ()
    %scan3A = arith.constant 0 : i32
    %scan3A_1 = arith.constant 100 : i32
    %scan3A_2 = arith.addi %scan3A, %scan3A_1 : i32
    %scan3A_3 = arith.constant 1 : i32
    scf.for %scan3A_26 = %scan3A to %scan3A_2 step %scan3A_3  : i32 {
      %mul3A_27 = arith.constant 1 : i32
      %mul3A_28 = arith.muli %scan3A_26, %mul3A_27 : i32
      %add3A_29 = arith.constant 0 : i32
      %add3A_30 = arith.addi %add3A_29, %mul3A_28 : i32
      %broadcast_in_dim3A = arith.constant 1.000000e+00 : f32
      %broadcast_in_dim3A_31 = vector.broadcast %broadcast_in_dim3A : f32 to vector<16xf32>
      %swap3A = arith.index_cast %add3A_30 : i32 to index
      %swap3A_32 = arith.constant 0 : index
      %swap3A_33 = tpu.vector_load %arg5[%swap3A, %swap3A_32] {strides = array<i32>} : memref<100x16xf32, #tpu.memory_space<vmem>>, vector<16xf32>,
      tpu.vector_store %arg5[%swap3A, %swap3A_32], %broadcast_in_dim3A_31 {strides = array<i32>} : memref<100x16xf32, #tpu.memory_space<vmem>>, vector<16xf32>,
    }
    %scan3A_4 = arith.constant 100 : i32
    %scan3A_5 = arith.constant 0 : i32
    %scan3A_6 = arith.constant 25 : i32
    %scan3A_7 = arith.addi %scan3A_5, %scan3A_6 : i32
    %scan3A_8 = arith.constant 1 : i32
    scf.for %scan3A_26 = %scan3A_5 to %scan3A_7 step %scan3A_8  : i32 {
      %mul3A_27 = arith.constant 1 : i32
      %mul3A_28 = arith.muli %scan3A_26, %mul3A_27 : i32
      %add3A_29 = arith.constant 0 : i32
      %add3A_30 = arith.addi %add3A_29, %mul3A_28 : i32
      %broadcast_in_dim3A = arith.constant 0.000000e+00 : f32
      %broadcast_in_dim3A_31 = vector.broadcast %broadcast_in_dim3A : f32 to vector<16xf32>
      %swap3A = arith.index_cast %add3A_30 : i32 to index
      %swap3A_32 = arith.constant 0 : index
      %swap3A_33 = tpu.vector_load %arg6[%swap3A, %swap3A_32] {strides = array<i32>} : memref<25x16xf32, #tpu.memory_space<vmem>>, vector<16xf32>,
      tpu.vector_store %arg6[%swap3A, %swap3A_32], %broadcast_in_dim3A_31 {strides = array<i32>} : memref<25x16xf32, #tpu.memory_space<vmem>>, vector<16xf32>,
    }
    %scan3A_9 = arith.constant 25 : i32
    %scan3A_10 = arith.constant 0 : i32
    %scan3A_11 = arith.constant 25 : i32
    %scan3A_12 = arith.addi %scan3A_10, %scan3A_11 : i32
    %scan3A_13 = arith.constant 1 : i32
    scf.for %scan3A_26 = %scan3A_10 to %scan3A_12 step %scan3A_13  : i32 {
      %mul3A_27 = arith.constant 1 : i32
      %mul3A_28 = arith.muli %scan3A_26, %mul3A_27 : i32
      %add3A_29 = arith.constant 0 : i32
      %add3A_30 = arith.addi %add3A_29, %mul3A_28 : i32
      %mul3A_31 = arith.constant 625 : i32
      %mul3A_32 = arith.muli %arg1, %mul3A_31 : i32
      %mul3A_33 = arith.constant 25 : i32
      %mul3A_34 = arith.muli %add3A_30, %mul3A_33 : i32
      %add3A_35 = arith.addi %mul3A_32, %mul3A_34 : i32
      "tpu.region"() ({
        %run_scoped3A = tpu.sem_alloc : memref<!tpu.dma_semaphore, #tpu.memory_space<semaphore_mem>>
        %dma_start3A = arith.constant 0 : i32
        %dma_start3A_36 = tpu.memref_slice %arg7[%add3A_35, %dma_start3A] : memref<10000x16xf32, #tpu.memory_space<vmem_shared>> -> memref<25x16xf32, #tpu.memory_space<vmem_shared>>
        %dma_start3A_37 = arith.constant 0 : i32
        %dma_start3A_38 = tpu.memref_slice %arg7[%add3A_35, %dma_start3A_37] : memref<10000x16xf32, #tpu.memory_space<vmem_shared>> -> memref<25x16xf32, #tpu.memory_space<vmem_shared>>
        tpu.enqueue_dma source(%arg6 : memref<25x16xf32, #tpu.memory_space<vmem>>) target(%dma_start3A_38 : memref<25x16xf32, #tpu.memory_space<vmem_shared>>) target_semaphore(%run_scoped3A : memref<!tpu.dma_semaphore, #tpu.memory_space<semaphore_mem>>)
        %dma_wait3A = arith.constant 0 : i32
        %dma_wait3A_39 = tpu.memref_slice %arg7[%add3A_35, %dma_wait3A] : memref<10000x16xf32, #tpu.memory_space<vmem_shared>> -> memref<25x16xf32, #tpu.memory_space<vmem_shared>>
        %dma_wait3A_40 = arith.constant 0 : i32
        %dma_wait3A_41 = tpu.memref_slice %arg7[%add3A_35, %dma_wait3A_40] : memref<10000x16xf32, #tpu.memory_space<vmem_shared>> -> memref<25x16xf32, #tpu.memory_space<vmem_shared>>
        tpu.wait_dma2 semaphore(%run_scoped3A : memref<!tpu.dma_semaphore, #tpu.memory_space<semaphore_mem>>) src(%arg6 : memref<25x16xf32, #tpu.memory_space<vmem>>) dst(%dma_wait3A_41 : memref<25x16xf32, #tpu.memory_space<vmem_shared>>)
        tpu.yield
      }) : () -> ()
    }
    %scan3A_14 = arith.constant 25 : i32
    %barrier3A = arith.constant 0 : index
    tpu.barrier barrier_id(%barrier3A)
    %scan3A_15 = arith.constant 0 : i32
    %scan3A_16 = arith.constant 100 : i32
    %scan3A_17 = arith.addi %scan3A_15, %scan3A_16 : i32
    %scan3A_18 = arith.constant 1 : i32
    scf.for %scan3A_26 = %scan3A_15 to %scan3A_17 step %scan3A_18  : i32 {
      %mul3A_27 = arith.constant 1 : i32
      %mul3A_28 = arith.muli %scan3A_26, %mul3A_27 : i32
      %add3A_29 = arith.constant 0 : i32
      %add3A_30 = arith.addi %add3A_29, %mul3A_28 : i32
      "tpu.region"() ({
        %run_scoped3A = tpu.sem_alloc : memref<!tpu.dma_semaphore, #tpu.memory_space<semaphore_mem>>
        %dma_start3A = arith.constant 0 : i32
        %dma_start3A_31 = tpu.memref_slice %arg4[%add3A_30, %dma_start3A] : memref<100x100xi32, #tpu.memory_space<vmem>> -> memref<1x100xi32, #tpu.memory_space<vmem>>
        %dma_start3A_32 = tpu.memref_squeeze %dma_start3A_31 : memref<1x100xi32, #tpu.memory_space<vmem>> -> memref<100xi32, #tpu.memory_space<vmem>>
        %dma_start3A_33 = arith.constant 0 : i32
        %dma_start3A_34 = arith.constant 0 : i32
        %dma_start3A_35 = tpu.memref_slice %arg7[%dma_start3A_33, %dma_start3A_34] : memref<10000x16xf32, #tpu.memory_space<vmem_shared>> -> memref<10000x16xf32, #tpu.memory_space<vmem_shared>>
        tpu.enqueue_indirect_dma source(%arg5 : memref<100x16xf32, #tpu.memory_space<vmem>>) target(%dma_start3A_35 : memref<10000x16xf32, #tpu.memory_space<vmem_shared>>) offsets(%dma_start3A_32 : memref<100xi32, #tpu.memory_space<vmem>>) semaphore(%run_scoped3A : memref<!tpu.dma_semaphore, #tpu.memory_space<semaphore_mem>>) {add = true}
        %dma_wait3A = arith.constant 0 : i32
        %dma_wait3A_36 = tpu.memref_slice %arg4[%add3A_30, %dma_wait3A] : memref<100x100xi32, #tpu.memory_space<vmem>> -> memref<1x100xi32, #tpu.memory_space<vmem>>
        %dma_wait3A_37 = tpu.memref_squeeze %dma_wait3A_36 : memref<1x100xi32, #tpu.memory_space<vmem>> -> memref<100xi32, #tpu.memory_space<vmem>>
        %dma_wait3A_38 = arith.constant 0 : i32
        %dma_wait3A_39 = arith.constant 0 : i32
        %dma_wait3A_40 = tpu.memref_slice %arg7[%dma_wait3A_38, %dma_wait3A_39] : memref<10000x16xf32, #tpu.memory_space<vmem_shared>> -> memref<10000x16xf32, #tpu.memory_space<vmem_shared>>
        tpu.wait_indirect_dma semaphore(%run_scoped3A : memref<!tpu.dma_semaphore, #tpu.memory_space<semaphore_mem>>) src(%arg5 : memref<100x16xf32, #tpu.memory_space<vmem>>) dst(%dma_wait3A_40 : memref<10000x16xf32, #tpu.memory_space<vmem_shared>>)
        tpu.yield
      }) : () -> ()
    }
    %scan3A_19 = arith.constant 100 : i32
    %barrier3A_20 = arith.constant 0 : index
    tpu.barrier barrier_id(%barrier3A_20)
    %scan3A_21 = arith.constant 0 : i32
    %scan3A_22 = arith.constant 25 : i32
    %scan3A_23 = arith.addi %scan3A_21, %scan3A_22 : i32
    %scan3A_24 = arith.constant 1 : i32
    scf.for %scan3A_26 = %scan3A_21 to %scan3A_23 step %scan3A_24  : i32 {
      %mul3A_27 = arith.constant 1 : i32
      %mul3A_28 = arith.muli %scan3A_26, %mul3A_27 : i32
      %add3A_29 = arith.constant 0 : i32
      %add3A_30 = arith.addi %add3A_29, %mul3A_28 : i32
      %mul3A_31 = arith.constant 625 : i32
      %mul3A_32 = arith.muli %arg1, %mul3A_31 : i32
      %mul3A_33 = arith.constant 25 : i32
      %mul3A_34 = arith.muli %add3A_30, %mul3A_33 : i32
      %add3A_35 = arith.addi %mul3A_32, %mul3A_34 : i32
      "tpu.region"() ({
        %run_scoped3A = tpu.sem_alloc : memref<!tpu.dma_semaphore, #tpu.memory_space<semaphore_mem>>
        %dma_start3A = arith.constant 0 : i32
        %dma_start3A_36 = tpu.memref_slice %arg7[%add3A_35, %dma_start3A] : memref<10000x16xf32, #tpu.memory_space<vmem_shared>> -> memref<25x16xf32, #tpu.memory_space<vmem_shared>>
        %dma_start3A_37 = arith.constant 0 : i32
        %dma_start3A_38 = tpu.memref_slice %arg7[%add3A_35, %dma_start3A_37] : memref<10000x16xf32, #tpu.memory_space<vmem_shared>> -> memref<25x16xf32, #tpu.memory_space<vmem_shared>>
        tpu.enqueue_dma source(%dma_start3A_38 : memref<25x16xf32, #tpu.memory_space<vmem_shared>>) target(%arg6 : memref<25x16xf32, #tpu.memory_space<vmem>>) target_semaphore(%run_scoped3A : memref<!tpu.dma_semaphore, #tpu.memory_space<semaphore_mem>>)
        %dma_wait3A = arith.constant 0 : i32
        %dma_wait3A_39 = tpu.memref_slice %arg7[%add3A_35, %dma_wait3A] : memref<10000x16xf32, #tpu.memory_space<vmem_shared>> -> memref<25x16xf32, #tpu.memory_space<vmem_shared>>
        %dma_wait3A_40 = arith.constant 0 : i32
        %dma_wait3A_41 = tpu.memref_slice %arg7[%add3A_35, %dma_wait3A_40] : memref<10000x16xf32, #tpu.memory_space<vmem_shared>> -> memref<25x16xf32, #tpu.memory_space<vmem_shared>>
        tpu.wait_dma2 semaphore(%run_scoped3A : memref<!tpu.dma_semaphore, #tpu.memory_space<semaphore_mem>>) src(%dma_wait3A_41 : memref<25x16xf32, #tpu.memory_space<vmem_shared>>) dst(%arg6 : memref<25x16xf32, #tpu.memory_space<vmem>>)
        tpu.yield
      }) : () -> ()
      "tpu.region"() ({
        %run_scoped3A = tpu.sem_alloc : memref<!tpu.dma_semaphore, #tpu.memory_space<semaphore_mem>>
        %dma_start3A = arith.constant 0 : i32
        %dma_start3A_36 = tpu.memref_slice %arg3[%arg0, %add3A_35, %dma_start3A] : memref<2x10000x16xf32, #tpu.memory_space<hbm>> -> memref<1x25x16xf32, #tpu.memory_space<hbm>>
        %dma_start3A_37 = tpu.memref_squeeze %dma_start3A_36 : memref<1x25x16xf32, #tpu.memory_space<hbm>> -> memref<25x16xf32, #tpu.memory_space<hbm>>
        %dma_start3A_38 = arith.constant 0 : i32
        %dma_start3A_39 = tpu.memref_slice %arg3[%arg0, %add3A_35, %dma_start3A_38] : memref<2x10000x16xf32, #tpu.memory_space<hbm>> -> memref<1x25x16xf32, #tpu.memory_space<hbm>>
        %dma_start3A_40 = tpu.memref_squeeze %dma_start3A_39 : memref<1x25x16xf32, #tpu.memory_space<hbm>> -> memref<25x16xf32, #tpu.memory_space<hbm>>
        tpu.enqueue_dma source(%arg6 : memref<25x16xf32, #tpu.memory_space<vmem>>) target(%dma_start3A_40 : memref<25x16xf32, #tpu.memory_space<hbm>>) target_semaphore(%run_scoped3A : memref<!tpu.dma_semaphore, #tpu.memory_space<semaphore_mem>>)
        %dma_wait3A = arith.constant 0 : i32
        %dma_wait3A_41 = tpu.memref_slice %arg3[%arg0, %add3A_35, %dma_wait3A] : memref<2x10000x16xf32, #tpu.memory_space<hbm>> -> memref<1x25x16xf32, #tpu.memory_space<hbm>>
        %dma_wait3A_42 = tpu.memref_squeeze %dma_wait3A_41 : memref<1x25x16xf32, #tpu.memory_space<hbm>> -> memref<25x16xf32, #tpu.memory_space<hbm>>
        %dma_wait3A_43 = arith.constant 0 : i32
        %dma_wait3A_44 = tpu.memref_slice %arg3[%arg0, %add3A_35, %dma_wait3A_43] : memref<2x10000x16xf32, #tpu.memory_space<hbm>> -> memref<1x25x16xf32, #tpu.memory_space<hbm>>
        %dma_wait3A_45 = tpu.memref_squeeze %dma_wait3A_44 : memref<1x25x16xf32, #tpu.memory_space<hbm>> -> memref<25x16xf32, #tpu.memory_space<hbm>>
        tpu.wait_dma2 semaphore(%run_scoped3A : memref<!tpu.dma_semaphore, #tpu.memory_space<semaphore_mem>>) src(%arg6 : memref<25x16xf32, #tpu.memory_space<vmem>>) dst(%dma_wait3A_45 : memref<25x16xf32, #tpu.memory_space<hbm>>)
        tpu.yield
      }) : () -> ()
    }
    %scan3A_25 = arith.constant 25 : i32
    return
  }
}

#map = affine_map<(d0, d1) -> (0)>
#map1 = affine_map<(d0, d1) -> (0, 0)>
module attributes {stable_mosaic.version = 14 : i64} {
  func.func @_embed_body(%arg0: i32, %arg1: i32, %arg2: memref<10000xi32, #tpu.memory_space<hbm>>, %arg3: memref<1000x128xf32, #tpu.memory_space<hbm>>, %arg4: memref<10000x128xf32, #tpu.memory_space<hbm>>, %arg5: memref<16xi32, #tpu.memory_space<vmem>>, %arg6: memref<16x128xf32, #tpu.memory_space<vmem>>, %arg7: memref<!tpu.dma_semaphore, #tpu.memory_space<semaphore_mem>>) attributes {dimension_semantics = [#tpu.dimension_semantics<core_parallel>, #tpu.dimension_semantics<subcore_parallel>], iteration_bounds = array<i64: 2, 16>, scalar_prefetch = 0 : i64, scratch_operands = 3 : i64, tpu.core_type = #tpu.core_type<sc_vector_subcore>, window_params = [{transform_indices = #map}, {transform_indices = #map1}, {transform_indices = #map1}]} {
    %mul3A = arith.constant 2 : i32
    %mul3A_0 = arith.muli %arg1, %mul3A : i32
    %add3A = arith.addi %mul3A_0, %arg0 : i32
    %lt3A = arith.constant 17 : i32
    %lt3A_1 = arith.cmpi slt, %add3A, %lt3A : i32
    %jit3A = arith.constant 1 : i32
    %jit3A_2 = arith.constant 0 : i32
    %select_n3A = arith.select %lt3A_1, %jit3A, %jit3A_2 : i32
    %add3A_3 = arith.constant 19 : i32
    %add3A_4 = arith.addi %add3A_3, %select_n3A : i32
    %sub3A = arith.constant 0 : i32
    %sub3A_5 = arith.subi %add3A_4, %sub3A : i32
    %sub3A_6 = arith.constant 1 : i32
    %sub3A_7 = arith.constant 1 : i32
    %sub3A_8 = arith.subi %sub3A_6, %sub3A_7 : i32
    %add3A_9 = arith.addi %sub3A_5, %sub3A_8 : i32
    %div3A = arith.constant 1 : i32
    %div3A_10 = arith.divsi %add3A_9, %div3A : i32
    %while3A = arith.constant 1 : i32
    %while3A_11 = arith.constant 0 : i32
    %while3A_12 = arith.constant 0 : i32
    %while3A_13 = arith.subi %div3A_10, %while3A_12 : i32
    %while3A_14 = arith.addi %while3A_12, %while3A_13 : i32
    %while3A_15 = arith.constant 1 : i32
    %while3A_16 = arith.divsi %while3A_13, %while3A_15 : i32
    %while3A_17 = arith.muli %while3A_16, %while3A_15 : i32
    %while3A_18 = arith.addi %while3A_12, %while3A_17 : i32
    %while3A_19 = arith.constant 1 : i32
    scf.for %while3A_21 = %while3A_12 to %while3A_18 step %while3A_19  : i32 {
      %mul3A_22 = arith.muli %while3A_21, %while3A : i32
      %add3A_23 = arith.addi %while3A_11, %mul3A_22 : i32
      %mul3A_24 = arith.constant 32 : i32
      %mul3A_25 = arith.muli %add3A_23, %mul3A_24 : i32
      %add3A_26 = arith.addi %mul3A_25, %add3A : i32
      %mul3A_27 = arith.constant 16 : i32
      %mul3A_28 = arith.muli %add3A_26, %mul3A_27 : i32
      "tpu.region"() ({
        %run_scoped3A = tpu.sem_alloc : memref<!tpu.dma_semaphore, #tpu.memory_space<semaphore_mem>>
        %dma_start3A_33 = tpu.memref_slice %arg2[%mul3A_28] : memref<10000xi32, #tpu.memory_space<hbm>> -> memref<16xi32, #tpu.memory_space<hbm>>
        %dma_start3A_34 = tpu.memref_slice %arg2[%mul3A_28] : memref<10000xi32, #tpu.memory_space<hbm>> -> memref<16xi32, #tpu.memory_space<hbm>>
        tpu.enqueue_dma source(%dma_start3A_34 : memref<16xi32, #tpu.memory_space<hbm>>) target(%arg5 : memref<16xi32, #tpu.memory_space<vmem>>) target_semaphore(%run_scoped3A : memref<!tpu.dma_semaphore, #tpu.memory_space<semaphore_mem>>)
        %dma_wait3A_35 = tpu.memref_slice %arg2[%mul3A_28] : memref<10000xi32, #tpu.memory_space<hbm>> -> memref<16xi32, #tpu.memory_space<hbm>>
        %dma_wait3A_36 = tpu.memref_slice %arg2[%mul3A_28] : memref<10000xi32, #tpu.memory_space<hbm>> -> memref<16xi32, #tpu.memory_space<hbm>>
        tpu.wait_dma2 semaphore(%run_scoped3A : memref<!tpu.dma_semaphore, #tpu.memory_space<semaphore_mem>>) src(%dma_wait3A_36 : memref<16xi32, #tpu.memory_space<hbm>>) dst(%arg5 : memref<16xi32, #tpu.memory_space<vmem>>)
        tpu.yield
      }) : () -> ()
      %dma_start3A = arith.constant 0 : i32
      %dma_start3A_29 = arith.constant 0 : i32
      %dma_start3A_30 = tpu.memref_slice %arg3[%dma_start3A, %dma_start3A_29] : memref<1000x128xf32, #tpu.memory_space<hbm>> -> memref<1000x128xf32, #tpu.memory_space<hbm>>
      tpu.enqueue_indirect_dma source(%dma_start3A_30 : memref<1000x128xf32, #tpu.memory_space<hbm>>) target(%arg6 : memref<16x128xf32, #tpu.memory_space<vmem>>) offsets(%arg5 : memref<16xi32, #tpu.memory_space<vmem>>) semaphore(%arg7 : memref<!tpu.dma_semaphore, #tpu.memory_space<semaphore_mem>>)
      %dma_wait3A = arith.constant 0 : i32
      %dma_wait3A_31 = arith.constant 0 : i32
      %dma_wait3A_32 = tpu.memref_slice %arg3[%dma_wait3A, %dma_wait3A_31] : memref<1000x128xf32, #tpu.memory_space<hbm>> -> memref<1000x128xf32, #tpu.memory_space<hbm>>
      tpu.wait_indirect_dma semaphore(%arg7 : memref<!tpu.dma_semaphore, #tpu.memory_space<semaphore_mem>>) src(%dma_wait3A_32 : memref<1000x128xf32, #tpu.memory_space<hbm>>) dst(%arg6 : memref<16x128xf32, #tpu.memory_space<vmem>>)
      "tpu.region"() ({
        %run_scoped3A = tpu.sem_alloc : memref<!tpu.dma_semaphore, #tpu.memory_space<semaphore_mem>>
        %dma_start3A_33 = arith.constant 0 : i32
        %dma_start3A_34 = tpu.memref_slice %arg4[%mul3A_28, %dma_start3A_33] : memref<10000x128xf32, #tpu.memory_space<hbm>> -> memref<16x128xf32, #tpu.memory_space<hbm>>
        %dma_start3A_35 = arith.constant 0 : i32
        %dma_start3A_36 = tpu.memref_slice %arg4[%mul3A_28, %dma_start3A_35] : memref<10000x128xf32, #tpu.memory_space<hbm>> -> memref<16x128xf32, #tpu.memory_space<hbm>>
        tpu.enqueue_dma source(%arg6 : memref<16x128xf32, #tpu.memory_space<vmem>>) target(%dma_start3A_36 : memref<16x128xf32, #tpu.memory_space<hbm>>) target_semaphore(%run_scoped3A : memref<!tpu.dma_semaphore, #tpu.memory_space<semaphore_mem>>)
        %dma_wait3A_37 = arith.constant 0 : i32
        %dma_wait3A_38 = tpu.memref_slice %arg4[%mul3A_28, %dma_wait3A_37] : memref<10000x128xf32, #tpu.memory_space<hbm>> -> memref<16x128xf32, #tpu.memory_space<hbm>>
        %dma_wait3A_39 = arith.constant 0 : i32
        %dma_wait3A_40 = tpu.memref_slice %arg4[%mul3A_28, %dma_wait3A_39] : memref<10000x128xf32, #tpu.memory_space<hbm>> -> memref<16x128xf32, #tpu.memory_space<hbm>>
        tpu.wait_dma2 semaphore(%run_scoped3A : memref<!tpu.dma_semaphore, #tpu.memory_space<semaphore_mem>>) src(%arg6 : memref<16x128xf32, #tpu.memory_space<vmem>>) dst(%dma_wait3A_40 : memref<16x128xf32, #tpu.memory_space<hbm>>)
        tpu.yield
      }) : () -> ()
    }
    %while3A_20 = arith.constant 1 : i32
    scf.for %while3A_21 = %while3A_18 to %while3A_14 step %while3A_20  : i32 {
      %mul3A_22 = arith.muli %while3A_21, %while3A : i32
      %add3A_23 = arith.addi %while3A_11, %mul3A_22 : i32
      %mul3A_24 = arith.constant 32 : i32
      %mul3A_25 = arith.muli %add3A_23, %mul3A_24 : i32
      %add3A_26 = arith.addi %mul3A_25, %add3A : i32
      %mul3A_27 = arith.constant 16 : i32
      %mul3A_28 = arith.muli %add3A_26, %mul3A_27 : i32
      "tpu.region"() ({
        %run_scoped3A = tpu.sem_alloc : memref<!tpu.dma_semaphore, #tpu.memory_space<semaphore_mem>>
        %dma_start3A_33 = tpu.memref_slice %arg2[%mul3A_28] : memref<10000xi32, #tpu.memory_space<hbm>> -> memref<16xi32, #tpu.memory_space<hbm>>
        %dma_start3A_34 = tpu.memref_slice %arg2[%mul3A_28] : memref<10000xi32, #tpu.memory_space<hbm>> -> memref<16xi32, #tpu.memory_space<hbm>>
        tpu.enqueue_dma source(%dma_start3A_34 : memref<16xi32, #tpu.memory_space<hbm>>) target(%arg5 : memref<16xi32, #tpu.memory_space<vmem>>) target_semaphore(%run_scoped3A : memref<!tpu.dma_semaphore, #tpu.memory_space<semaphore_mem>>)
        %dma_wait3A_35 = tpu.memref_slice %arg2[%mul3A_28] : memref<10000xi32, #tpu.memory_space<hbm>> -> memref<16xi32, #tpu.memory_space<hbm>>
        %dma_wait3A_36 = tpu.memref_slice %arg2[%mul3A_28] : memref<10000xi32, #tpu.memory_space<hbm>> -> memref<16xi32, #tpu.memory_space<hbm>>
        tpu.wait_dma2 semaphore(%run_scoped3A : memref<!tpu.dma_semaphore, #tpu.memory_space<semaphore_mem>>) src(%dma_wait3A_36 : memref<16xi32, #tpu.memory_space<hbm>>) dst(%arg5 : memref<16xi32, #tpu.memory_space<vmem>>)
        tpu.yield
      }) : () -> ()
      %dma_start3A = arith.constant 0 : i32
      %dma_start3A_29 = arith.constant 0 : i32
      %dma_start3A_30 = tpu.memref_slice %arg3[%dma_start3A, %dma_start3A_29] : memref<1000x128xf32, #tpu.memory_space<hbm>> -> memref<1000x128xf32, #tpu.memory_space<hbm>>
      tpu.enqueue_indirect_dma source(%dma_start3A_30 : memref<1000x128xf32, #tpu.memory_space<hbm>>) target(%arg6 : memref<16x128xf32, #tpu.memory_space<vmem>>) offsets(%arg5 : memref<16xi32, #tpu.memory_space<vmem>>) semaphore(%arg7 : memref<!tpu.dma_semaphore, #tpu.memory_space<semaphore_mem>>)
      %dma_wait3A = arith.constant 0 : i32
      %dma_wait3A_31 = arith.constant 0 : i32
      %dma_wait3A_32 = tpu.memref_slice %arg3[%dma_wait3A, %dma_wait3A_31] : memref<1000x128xf32, #tpu.memory_space<hbm>> -> memref<1000x128xf32, #tpu.memory_space<hbm>>
      tpu.wait_indirect_dma semaphore(%arg7 : memref<!tpu.dma_semaphore, #tpu.memory_space<semaphore_mem>>) src(%dma_wait3A_32 : memref<1000x128xf32, #tpu.memory_space<hbm>>) dst(%arg6 : memref<16x128xf32, #tpu.memory_space<vmem>>)
      "tpu.region"() ({
        %run_scoped3A = tpu.sem_alloc : memref<!tpu.dma_semaphore, #tpu.memory_space<semaphore_mem>>
        %dma_start3A_33 = arith.constant 0 : i32
        %dma_start3A_34 = tpu.memref_slice %arg4[%mul3A_28, %dma_start3A_33] : memref<10000x128xf32, #tpu.memory_space<hbm>> -> memref<16x128xf32, #tpu.memory_space<hbm>>
        %dma_start3A_35 = arith.constant 0 : i32
        %dma_start3A_36 = tpu.memref_slice %arg4[%mul3A_28, %dma_start3A_35] : memref<10000x128xf32, #tpu.memory_space<hbm>> -> memref<16x128xf32, #tpu.memory_space<hbm>>
        tpu.enqueue_dma source(%arg6 : memref<16x128xf32, #tpu.memory_space<vmem>>) target(%dma_start3A_36 : memref<16x128xf32, #tpu.memory_space<hbm>>) target_semaphore(%run_scoped3A : memref<!tpu.dma_semaphore, #tpu.memory_space<semaphore_mem>>)
        %dma_wait3A_37 = arith.constant 0 : i32
        %dma_wait3A_38 = tpu.memref_slice %arg4[%mul3A_28, %dma_wait3A_37] : memref<10000x128xf32, #tpu.memory_space<hbm>> -> memref<16x128xf32, #tpu.memory_space<hbm>>
        %dma_wait3A_39 = arith.constant 0 : i32
        %dma_wait3A_40 = tpu.memref_slice %arg4[%mul3A_28, %dma_wait3A_39] : memref<10000x128xf32, #tpu.memory_space<hbm>> -> memref<16x128xf32, #tpu.memory_space<hbm>>
        tpu.wait_dma2 semaphore(%run_scoped3A : memref<!tpu.dma_semaphore, #tpu.memory_space<semaphore_mem>>) src(%arg6 : memref<16x128xf32, #tpu.memory_space<vmem>>) dst(%dma_wait3A_40 : memref<16x128xf32, #tpu.memory_space<hbm>>)
        tpu.yield
      }) : () -> ()
    }
    return
  }
}

#map = affine_map<(d0, d1) -> (0, 0)>
#map1 = affine_map<(d0, d1) -> (0, 0, 0)>
module attributes {stable_mosaic.version = 14 : i64} {
  func.func @_agg_body(%arg0: i32, %arg1: i32, %arg2: memref<10000x128xf32, #tpu.memory_space<hbm>>, %arg3: memref<32x100x100xi32, #tpu.memory_space<hbm>>, %arg4: memref<32x100x100xi32, #tpu.memory_space<hbm>>, %arg5: memref<2x10000x128xf32, #tpu.memory_space<hbm>>, %arg6: memref<100x100xi32, #tpu.memory_space<vmem>>, %arg7: memref<100x100xi32, #tpu.memory_space<vmem>>, %arg8: memref<2x100x128xf32, #tpu.memory_space<vmem>>, %arg9: memref<25x128xf32, #tpu.memory_space<vmem>>, %arg10: memref<10000x128xf32, #tpu.memory_space<vmem_shared>>, %arg11: memref<!tpu.dma_semaphore, #tpu.memory_space<semaphore_mem>>, %arg12: memref<!tpu.dma_semaphore, #tpu.memory_space<semaphore_mem>>) attributes {dimension_semantics = [#tpu.dimension_semantics<core_parallel>, #tpu.dimension_semantics<subcore_parallel>], iteration_bounds = array<i64: 2, 16>, scalar_prefetch = 0 : i64, scratch_operands = 7 : i64, tpu.core_type = #tpu.core_type<sc_vector_subcore>, window_params = [{transform_indices = #map}, {transform_indices = #map1}, {transform_indices = #map1}, {transform_indices = #map1}]} {
    %mul3A = arith.constant 2 : i32
    %mul3A_0 = arith.muli %arg1, %mul3A : i32
    %add3A = arith.addi %mul3A_0, %arg0 : i32
    "tpu.region"() ({
      %run_scoped3A = tpu.sem_alloc : memref<!tpu.dma_semaphore, #tpu.memory_space<semaphore_mem>>
      %dma_start3A_44 = arith.constant 0 : i32
      %dma_start3A_45 = arith.constant 0 : i32
      %dma_start3A_46 = tpu.memref_slice %arg3[%add3A, %dma_start3A_44, %dma_start3A_45] : memref<32x100x100xi32, #tpu.memory_space<hbm>> -> memref<1x100x100xi32, #tpu.memory_space<hbm>>
      %dma_start3A_47 = tpu.memref_squeeze %dma_start3A_46 : memref<1x100x100xi32, #tpu.memory_space<hbm>> -> memref<100x100xi32, #tpu.memory_space<hbm>>
      %dma_start3A_48 = arith.constant 0 : i32
      %dma_start3A_49 = arith.constant 0 : i32
      %dma_start3A_50 = tpu.memref_slice %arg3[%add3A, %dma_start3A_48, %dma_start3A_49] : memref<32x100x100xi32, #tpu.memory_space<hbm>> -> memref<1x100x100xi32, #tpu.memory_space<hbm>>
      %dma_start3A_51 = tpu.memref_squeeze %dma_start3A_50 : memref<1x100x100xi32, #tpu.memory_space<hbm>> -> memref<100x100xi32, #tpu.memory_space<hbm>>
      tpu.enqueue_dma source(%dma_start3A_51 : memref<100x100xi32, #tpu.memory_space<hbm>>) target(%arg6 : memref<100x100xi32, #tpu.memory_space<vmem>>) target_semaphore(%run_scoped3A : memref<!tpu.dma_semaphore, #tpu.memory_space<semaphore_mem>>)
      %dma_wait3A = arith.constant 0 : i32
      %dma_wait3A_52 = arith.constant 0 : i32
      %dma_wait3A_53 = tpu.memref_slice %arg3[%add3A, %dma_wait3A, %dma_wait3A_52] : memref<32x100x100xi32, #tpu.memory_space<hbm>> -> memref<1x100x100xi32, #tpu.memory_space<hbm>>
      %dma_wait3A_54 = tpu.memref_squeeze %dma_wait3A_53 : memref<1x100x100xi32, #tpu.memory_space<hbm>> -> memref<100x100xi32, #tpu.memory_space<hbm>>
      %dma_wait3A_55 = arith.constant 0 : i32
      %dma_wait3A_56 = arith.constant 0 : i32
      %dma_wait3A_57 = tpu.memref_slice %arg3[%add3A, %dma_wait3A_55, %dma_wait3A_56] : memref<32x100x100xi32, #tpu.memory_space<hbm>> -> memref<1x100x100xi32, #tpu.memory_space<hbm>>
      %dma_wait3A_58 = tpu.memref_squeeze %dma_wait3A_57 : memref<1x100x100xi32, #tpu.memory_space<hbm>> -> memref<100x100xi32, #tpu.memory_space<hbm>>
      tpu.wait_dma2 semaphore(%run_scoped3A : memref<!tpu.dma_semaphore, #tpu.memory_space<semaphore_mem>>) src(%dma_wait3A_58 : memref<100x100xi32, #tpu.memory_space<hbm>>) dst(%arg6 : memref<100x100xi32, #tpu.memory_space<vmem>>)
      tpu.yield
    }) : () -> ()
    "tpu.region"() ({
      %run_scoped3A = tpu.sem_alloc : memref<!tpu.dma_semaphore, #tpu.memory_space<semaphore_mem>>
      %dma_start3A_44 = arith.constant 0 : i32
      %dma_start3A_45 = arith.constant 0 : i32
      %dma_start3A_46 = tpu.memref_slice %arg4[%add3A, %dma_start3A_44, %dma_start3A_45] : memref<32x100x100xi32, #tpu.memory_space<hbm>> -> memref<1x100x100xi32, #tpu.memory_space<hbm>>
      %dma_start3A_47 = tpu.memref_squeeze %dma_start3A_46 : memref<1x100x100xi32, #tpu.memory_space<hbm>> -> memref<100x100xi32, #tpu.memory_space<hbm>>
      %dma_start3A_48 = arith.constant 0 : i32
      %dma_start3A_49 = arith.constant 0 : i32
      %dma_start3A_50 = tpu.memref_slice %arg4[%add3A, %dma_start3A_48, %dma_start3A_49] : memref<32x100x100xi32, #tpu.memory_space<hbm>> -> memref<1x100x100xi32, #tpu.memory_space<hbm>>
      %dma_start3A_51 = tpu.memref_squeeze %dma_start3A_50 : memref<1x100x100xi32, #tpu.memory_space<hbm>> -> memref<100x100xi32, #tpu.memory_space<hbm>>
      tpu.enqueue_dma source(%dma_start3A_51 : memref<100x100xi32, #tpu.memory_space<hbm>>) target(%arg7 : memref<100x100xi32, #tpu.memory_space<vmem>>) target_semaphore(%run_scoped3A : memref<!tpu.dma_semaphore, #tpu.memory_space<semaphore_mem>>)
      %dma_wait3A = arith.constant 0 : i32
      %dma_wait3A_52 = arith.constant 0 : i32
      %dma_wait3A_53 = tpu.memref_slice %arg4[%add3A, %dma_wait3A, %dma_wait3A_52] : memref<32x100x100xi32, #tpu.memory_space<hbm>> -> memref<1x100x100xi32, #tpu.memory_space<hbm>>
      %dma_wait3A_54 = tpu.memref_squeeze %dma_wait3A_53 : memref<1x100x100xi32, #tpu.memory_space<hbm>> -> memref<100x100xi32, #tpu.memory_space<hbm>>
      %dma_wait3A_55 = arith.constant 0 : i32
      %dma_wait3A_56 = arith.constant 0 : i32
      %dma_wait3A_57 = tpu.memref_slice %arg4[%add3A, %dma_wait3A_55, %dma_wait3A_56] : memref<32x100x100xi32, #tpu.memory_space<hbm>> -> memref<1x100x100xi32, #tpu.memory_space<hbm>>
      %dma_wait3A_58 = tpu.memref_squeeze %dma_wait3A_57 : memref<1x100x100xi32, #tpu.memory_space<hbm>> -> memref<100x100xi32, #tpu.memory_space<hbm>>
      tpu.wait_dma2 semaphore(%run_scoped3A : memref<!tpu.dma_semaphore, #tpu.memory_space<semaphore_mem>>) src(%dma_wait3A_58 : memref<100x100xi32, #tpu.memory_space<hbm>>) dst(%arg7 : memref<100x100xi32, #tpu.memory_space<vmem>>)
      tpu.yield
    }) : () -> ()
    %dma_start3A = arith.constant 0 : i32
    %dma_start3A_1 = arith.constant 0 : i32
    %dma_start3A_2 = arith.constant 0 : i32
    %dma_start3A_3 = arith.constant 0 : i32
    %dma_start3A_4 = tpu.memref_slice %arg8[%dma_start3A_1, %dma_start3A_2, %dma_start3A_3] : memref<2x100x128xf32, #tpu.memory_space<vmem>> -> memref<1x100x128xf32, #tpu.memory_space<vmem>>
    %dma_start3A_5 = tpu.memref_squeeze %dma_start3A_4 : memref<1x100x128xf32, #tpu.memory_space<vmem>> -> memref<100x128xf32, #tpu.memory_space<vmem>>
    %dma_start3A_6 = arith.constant 0 : i32
    %dma_start3A_7 = tpu.memref_slice %arg6[%dma_start3A, %dma_start3A_6] : memref<100x100xi32, #tpu.memory_space<vmem>> -> memref<1x100xi32, #tpu.memory_space<vmem>>
    %dma_start3A_8 = tpu.memref_squeeze %dma_start3A_7 : memref<1x100xi32, #tpu.memory_space<vmem>> -> memref<100xi32, #tpu.memory_space<vmem>>
    %dma_start3A_9 = arith.constant 0 : i32
    %dma_start3A_10 = arith.constant 0 : i32
    %dma_start3A_11 = tpu.memref_slice %arg2[%dma_start3A_9, %dma_start3A_10] : memref<10000x128xf32, #tpu.memory_space<hbm>> -> memref<10000x128xf32, #tpu.memory_space<hbm>>
    tpu.enqueue_indirect_dma source(%dma_start3A_11 : memref<10000x128xf32, #tpu.memory_space<hbm>>) target(%dma_start3A_5 : memref<100x128xf32, #tpu.memory_space<vmem>>) offsets(%dma_start3A_8 : memref<100xi32, #tpu.memory_space<vmem>>) semaphore(%arg11 : memref<!tpu.dma_semaphore, #tpu.memory_space<semaphore_mem>>)
    %dma_start3A_12 = arith.constant 1 : i32
    %dma_start3A_13 = arith.constant 1 : i32
    %dma_start3A_14 = arith.constant 0 : i32
    %dma_start3A_15 = arith.constant 0 : i32
    %dma_start3A_16 = tpu.memref_slice %arg8[%dma_start3A_13, %dma_start3A_14, %dma_start3A_15] : memref<2x100x128xf32, #tpu.memory_space<vmem>> -> memref<1x100x128xf32, #tpu.memory_space<vmem>>
    %dma_start3A_17 = tpu.memref_squeeze %dma_start3A_16 : memref<1x100x128xf32, #tpu.memory_space<vmem>> -> memref<100x128xf32, #tpu.memory_space<vmem>>
    %dma_start3A_18 = arith.constant 0 : i32
    %dma_start3A_19 = tpu.memref_slice %arg6[%dma_start3A_12, %dma_start3A_18] : memref<100x100xi32, #tpu.memory_space<vmem>> -> memref<1x100xi32, #tpu.memory_space<vmem>>
    %dma_start3A_20 = tpu.memref_squeeze %dma_start3A_19 : memref<1x100xi32, #tpu.memory_space<vmem>> -> memref<100xi32, #tpu.memory_space<vmem>>
    %dma_start3A_21 = arith.constant 0 : i32
    %dma_start3A_22 = arith.constant 0 : i32
    %dma_start3A_23 = tpu.memref_slice %arg2[%dma_start3A_21, %dma_start3A_22] : memref<10000x128xf32, #tpu.memory_space<hbm>> -> memref<10000x128xf32, #tpu.memory_space<hbm>>
    tpu.enqueue_indirect_dma source(%dma_start3A_23 : memref<10000x128xf32, #tpu.memory_space<hbm>>) target(%dma_start3A_17 : memref<100x128xf32, #tpu.memory_space<vmem>>) offsets(%dma_start3A_20 : memref<100xi32, #tpu.memory_space<vmem>>) semaphore(%arg12 : memref<!tpu.dma_semaphore, #tpu.memory_space<semaphore_mem>>)
    %scan3A = arith.constant 0 : i32
    %scan3A_24 = arith.constant 25 : i32
    %scan3A_25 = arith.addi %scan3A, %scan3A_24 : i32
    %scan3A_26 = arith.constant 1 : i32
    scf.for %scan3A_44 = %scan3A to %scan3A_25 step %scan3A_26  : i32 {
      %mul3A_45 = arith.constant 1 : i32
      %mul3A_46 = arith.muli %scan3A_44, %mul3A_45 : i32
      %add3A_47 = arith.constant 0 : i32
      %add3A_48 = arith.addi %add3A_47, %mul3A_46 : i32
      %broadcast_in_dim3A = arith.constant 0.000000e+00 : f32
      %broadcast_in_dim3A_49 = vector.broadcast %broadcast_in_dim3A : f32 to vector<16xf32>
      %swap3A = arith.index_cast %add3A_48 : i32 to index
      %swap3A_50 = arith.constant 0 : index
      %swap3A_51 = tpu.vector_load %arg9[%swap3A, %swap3A_50] {strides = array<i32>} : memref<25x128xf32, #tpu.memory_space<vmem>>, vector<16xf32>,
      tpu.vector_store %arg9[%swap3A, %swap3A_50], %broadcast_in_dim3A_49 {strides = array<i32>} : memref<25x128xf32, #tpu.memory_space<vmem>>, vector<16xf32>,
      %broadcast_in_dim3A_52 = arith.constant 0.000000e+00 : f32
      %broadcast_in_dim3A_53 = vector.broadcast %broadcast_in_dim3A_52 : f32 to vector<16xf32>
      %swap3A_54 = arith.index_cast %add3A_48 : i32 to index
      %swap3A_55 = arith.constant 16 : index
      %swap3A_56 = tpu.vector_load %arg9[%swap3A_54, %swap3A_55] {strides = array<i32>} : memref<25x128xf32, #tpu.memory_space<vmem>>, vector<16xf32>,
      tpu.vector_store %arg9[%swap3A_54, %swap3A_55], %broadcast_in_dim3A_53 {strides = array<i32>} : memref<25x128xf32, #tpu.memory_space<vmem>>, vector<16xf32>,
      %broadcast_in_dim3A_57 = arith.constant 0.000000e+00 : f32
      %broadcast_in_dim3A_58 = vector.broadcast %broadcast_in_dim3A_57 : f32 to vector<16xf32>
      %swap3A_59 = arith.index_cast %add3A_48 : i32 to index
      %swap3A_60 = arith.constant 32 : index
      %swap3A_61 = tpu.vector_load %arg9[%swap3A_59, %swap3A_60] {strides = array<i32>} : memref<25x128xf32, #tpu.memory_space<vmem>>, vector<16xf32>,
      tpu.vector_store %arg9[%swap3A_59, %swap3A_60], %broadcast_in_dim3A_58 {strides = array<i32>} : memref<25x128xf32, #tpu.memory_space<vmem>>, vector<16xf32>,
      %broadcast_in_dim3A_62 = arith.constant 0.000000e+00 : f32
      %broadcast_in_dim3A_63 = vector.broadcast %broadcast_in_dim3A_62 : f32 to vector<16xf32>
      %swap3A_64 = arith.index_cast %add3A_48 : i32 to index
      %swap3A_65 = arith.constant 48 : index
      %swap3A_66 = tpu.vector_load %arg9[%swap3A_64, %swap3A_65] {strides = array<i32>} : memref<25x128xf32, #tpu.memory_space<vmem>>, vector<16xf32>,
      tpu.vector_store %arg9[%swap3A_64, %swap3A_65], %broadcast_in_dim3A_63 {strides = array<i32>} : memref<25x128xf32, #tpu.memory_space<vmem>>, vector<16xf32>,
      %broadcast_in_dim3A_67 = arith.constant 0.000000e+00 : f32
      %broadcast_in_dim3A_68 = vector.broadcast %broadcast_in_dim3A_67 : f32 to vector<16xf32>
      %swap3A_69 = arith.index_cast %add3A_48 : i32 to index
      %swap3A_70 = arith.constant 64 : index
      %swap3A_71 = tpu.vector_load %arg9[%swap3A_69, %swap3A_70] {strides = array<i32>} : memref<25x128xf32, #tpu.memory_space<vmem>>, vector<16xf32>,
      tpu.vector_store %arg9[%swap3A_69, %swap3A_70], %broadcast_in_dim3A_68 {strides = array<i32>} : memref<25x128xf32, #tpu.memory_space<vmem>>, vector<16xf32>,
      %broadcast_in_dim3A_72 = arith.constant 0.000000e+00 : f32
      %broadcast_in_dim3A_73 = vector.broadcast %broadcast_in_dim3A_72 : f32 to vector<16xf32>
      %swap3A_74 = arith.index_cast %add3A_48 : i32 to index
      %swap3A_75 = arith.constant 80 : index
      %swap3A_76 = tpu.vector_load %arg9[%swap3A_74, %swap3A_75] {strides = array<i32>} : memref<25x128xf32, #tpu.memory_space<vmem>>, vector<16xf32>,
      tpu.vector_store %arg9[%swap3A_74, %swap3A_75], %broadcast_in_dim3A_73 {strides = array<i32>} : memref<25x128xf32, #tpu.memory_space<vmem>>, vector<16xf32>,
      %broadcast_in_dim3A_77 = arith.constant 0.000000e+00 : f32
      %broadcast_in_dim3A_78 = vector.broadcast %broadcast_in_dim3A_77 : f32 to vector<16xf32>
      %swap3A_79 = arith.index_cast %add3A_48 : i32 to index
      %swap3A_80 = arith.constant 96 : index
      %swap3A_81 = tpu.vector_load %arg9[%swap3A_79, %swap3A_80] {strides = array<i32>} : memref<25x128xf32, #tpu.memory_space<vmem>>, vector<16xf32>,
      tpu.vector_store %arg9[%swap3A_79, %swap3A_80], %broadcast_in_dim3A_78 {strides = array<i32>} : memref<25x128xf32, #tpu.memory_space<vmem>>, vector<16xf32>,
      %broadcast_in_dim3A_82 = arith.constant 0.000000e+00 : f32
      %broadcast_in_dim3A_83 = vector.broadcast %broadcast_in_dim3A_82 : f32 to vector<16xf32>
      %swap3A_84 = arith.index_cast %add3A_48 : i32 to index
      %swap3A_85 = arith.constant 112 : index
      %swap3A_86 = tpu.vector_load %arg9[%swap3A_84, %swap3A_85] {strides = array<i32>} : memref<25x128xf32, #tpu.memory_space<vmem>>, vector<16xf32>,
      tpu.vector_store %arg9[%swap3A_84, %swap3A_85], %broadcast_in_dim3A_83 {strides = array<i32>} : memref<25x128xf32, #tpu.memory_space<vmem>>, vector<16xf32>,
    }
    %scan3A_27 = arith.constant 25 : i32
    %scan3A_28 = arith.constant 0 : i32
    %scan3A_29 = arith.constant 25 : i32
    %scan3A_30 = arith.addi %scan3A_28, %scan3A_29 : i32
    %scan3A_31 = arith.constant 1 : i32
    scf.for %scan3A_44 = %scan3A_28 to %scan3A_30 step %scan3A_31  : i32 {
      %mul3A_45 = arith.constant 1 : i32
      %mul3A_46 = arith.muli %scan3A_44, %mul3A_45 : i32
      %add3A_47 = arith.constant 0 : i32
      %add3A_48 = arith.addi %add3A_47, %mul3A_46 : i32
      %mul3A_49 = arith.constant 625 : i32
      %mul3A_50 = arith.muli %arg1, %mul3A_49 : i32
      %mul3A_51 = arith.constant 25 : i32
      %mul3A_52 = arith.muli %add3A_48, %mul3A_51 : i32
      %add3A_53 = arith.addi %mul3A_50, %mul3A_52 : i32
      "tpu.region"() ({
        %run_scoped3A = tpu.sem_alloc : memref<!tpu.dma_semaphore, #tpu.memory_space<semaphore_mem>>
        %dma_start3A_54 = arith.constant 0 : i32
        %dma_start3A_55 = tpu.memref_slice %arg10[%add3A_53, %dma_start3A_54] : memref<10000x128xf32, #tpu.memory_space<vmem_shared>> -> memref<25x128xf32, #tpu.memory_space<vmem_shared>>
        %dma_start3A_56 = arith.constant 0 : i32
        %dma_start3A_57 = tpu.memref_slice %arg10[%add3A_53, %dma_start3A_56] : memref<10000x128xf32, #tpu.memory_space<vmem_shared>> -> memref<25x128xf32, #tpu.memory_space<vmem_shared>>
        tpu.enqueue_dma source(%arg9 : memref<25x128xf32, #tpu.memory_space<vmem>>) target(%dma_start3A_57 : memref<25x128xf32, #tpu.memory_space<vmem_shared>>) target_semaphore(%run_scoped3A : memref<!tpu.dma_semaphore, #tpu.memory_space<semaphore_mem>>)
        %dma_wait3A = arith.constant 0 : i32
        %dma_wait3A_58 = tpu.memref_slice %arg10[%add3A_53, %dma_wait3A] : memref<10000x128xf32, #tpu.memory_space<vmem_shared>> -> memref<25x128xf32, #tpu.memory_space<vmem_shared>>
        %dma_wait3A_59 = arith.constant 0 : i32
        %dma_wait3A_60 = tpu.memref_slice %arg10[%add3A_53, %dma_wait3A_59] : memref<10000x128xf32, #tpu.memory_space<vmem_shared>> -> memref<25x128xf32, #tpu.memory_space<vmem_shared>>
        tpu.wait_dma2 semaphore(%run_scoped3A : memref<!tpu.dma_semaphore, #tpu.memory_space<semaphore_mem>>) src(%arg9 : memref<25x128xf32, #tpu.memory_space<vmem>>) dst(%dma_wait3A_60 : memref<25x128xf32, #tpu.memory_space<vmem_shared>>)
        tpu.yield
      }) : () -> ()
    }
    %scan3A_32 = arith.constant 25 : i32
    %barrier3A = arith.constant 0 : index
    tpu.barrier barrier_id(%barrier3A)
    %scan3A_33 = arith.constant 0 : i32
    %scan3A_34 = arith.constant 50 : i32
    %scan3A_35 = arith.addi %scan3A_33, %scan3A_34 : i32
    %scan3A_36 = arith.constant 1 : i32
    scf.for %scan3A_44 = %scan3A_33 to %scan3A_35 step %scan3A_36  : i32 {
      %mul3A_45 = arith.constant 2 : i32
      %mul3A_46 = arith.muli %scan3A_44, %mul3A_45 : i32
      %add3A_47 = arith.constant 0 : i32
      %add3A_48 = arith.addi %add3A_47, %mul3A_46 : i32
      %dma_wait3A = arith.constant 0 : i32
      %dma_wait3A_49 = arith.constant 0 : i32
      %dma_wait3A_50 = arith.constant 0 : i32
      %dma_wait3A_51 = tpu.memref_slice %arg8[%dma_wait3A, %dma_wait3A_49, %dma_wait3A_50] : memref<2x100x128xf32, #tpu.memory_space<vmem>> -> memref<1x100x128xf32, #tpu.memory_space<vmem>>
      %dma_wait3A_52 = tpu.memref_squeeze %dma_wait3A_51 : memref<1x100x128xf32, #tpu.memory_space<vmem>> -> memref<100x128xf32, #tpu.memory_space<vmem>>
      %dma_wait3A_53 = arith.constant 0 : i32
      %dma_wait3A_54 = arith.constant 0 : i32
      %dma_wait3A_55 = tpu.memref_slice %arg2[%dma_wait3A_53, %dma_wait3A_54] : memref<10000x128xf32, #tpu.memory_space<hbm>> -> memref<100x128xf32, #tpu.memory_space<hbm>>
      %dma_wait3A_56 = arith.constant 0 : i32
      %dma_wait3A_57 = arith.constant 0 : i32
      %dma_wait3A_58 = tpu.memref_slice %arg8[%dma_wait3A, %dma_wait3A_56, %dma_wait3A_57] : memref<2x100x128xf32, #tpu.memory_space<vmem>> -> memref<1x100x128xf32, #tpu.memory_space<vmem>>
      %dma_wait3A_59 = tpu.memref_squeeze %dma_wait3A_58 : memref<1x100x128xf32, #tpu.memory_space<vmem>> -> memref<100x128xf32, #tpu.memory_space<vmem>>
      %dma_wait3A_60 = arith.constant 0 : i32
      %dma_wait3A_61 = arith.constant 0 : i32
      %dma_wait3A_62 = tpu.memref_slice %arg2[%dma_wait3A_60, %dma_wait3A_61] : memref<10000x128xf32, #tpu.memory_space<hbm>> -> memref<100x128xf32, #tpu.memory_space<hbm>>
      tpu.wait_dma2 semaphore(%arg11 : memref<!tpu.dma_semaphore, #tpu.memory_space<semaphore_mem>>) src(%dma_wait3A_62 : memref<100x128xf32, #tpu.memory_space<hbm>>) dst(%dma_wait3A_59 : memref<100x128xf32, #tpu.memory_space<vmem>>)
      %add3A_63 = arith.constant 0 : i32
      %add3A_64 = arith.addi %add3A_48, %add3A_63 : i32
      %run_scoped3A = arith.constant 0 : i32
      "tpu.region"() ({
        %run_scoped3A_98 = tpu.sem_alloc : memref<!tpu.dma_semaphore, #tpu.memory_space<semaphore_mem>>
        %dma_start3A_99 = arith.constant 0 : i32
        %dma_start3A_100 = arith.constant 0 : i32
        %dma_start3A_101 = tpu.memref_slice %arg8[%run_scoped3A, %dma_start3A_99, %dma_start3A_100] : memref<2x100x128xf32, #tpu.memory_space<vmem>> -> memref<1x100x128xf32, #tpu.memory_space<vmem>>
        %dma_start3A_102 = tpu.memref_squeeze %dma_start3A_101 : memref<1x100x128xf32, #tpu.memory_space<vmem>> -> memref<100x128xf32, #tpu.memory_space<vmem>>
        %dma_start3A_103 = arith.constant 0 : i32
        %dma_start3A_104 = tpu.memref_slice %arg7[%add3A_64, %dma_start3A_103] : memref<100x100xi32, #tpu.memory_space<vmem>> -> memref<1x100xi32, #tpu.memory_space<vmem>>
        %dma_start3A_105 = tpu.memref_squeeze %dma_start3A_104 : memref<1x100xi32, #tpu.memory_space<vmem>> -> memref<100xi32, #tpu.memory_space<vmem>>
        %dma_start3A_106 = arith.constant 0 : i32
        %dma_start3A_107 = arith.constant 0 : i32
        %dma_start3A_108 = tpu.memref_slice %arg10[%dma_start3A_106, %dma_start3A_107] : memref<10000x128xf32, #tpu.memory_space<vmem_shared>> -> memref<10000x128xf32, #tpu.memory_space<vmem_shared>>
        tpu.enqueue_indirect_dma source(%dma_start3A_102 : memref<100x128xf32, #tpu.memory_space<vmem>>) target(%dma_start3A_108 : memref<10000x128xf32, #tpu.memory_space<vmem_shared>>) offsets(%dma_start3A_105 : memref<100xi32, #tpu.memory_space<vmem>>) semaphore(%run_scoped3A_98 : memref<!tpu.dma_semaphore, #tpu.memory_space<semaphore_mem>>) {add = true}
        %dma_wait3A_109 = arith.constant 0 : i32
        %dma_wait3A_110 = arith.constant 0 : i32
        %dma_wait3A_111 = tpu.memref_slice %arg8[%run_scoped3A, %dma_wait3A_109, %dma_wait3A_110] : memref<2x100x128xf32, #tpu.memory_space<vmem>> -> memref<1x100x128xf32, #tpu.memory_space<vmem>>
        %dma_wait3A_112 = tpu.memref_squeeze %dma_wait3A_111 : memref<1x100x128xf32, #tpu.memory_space<vmem>> -> memref<100x128xf32, #tpu.memory_space<vmem>>
        %dma_wait3A_113 = arith.constant 0 : i32
        %dma_wait3A_114 = tpu.memref_slice %arg7[%add3A_64, %dma_wait3A_113] : memref<100x100xi32, #tpu.memory_space<vmem>> -> memref<1x100xi32, #tpu.memory_space<vmem>>
        %dma_wait3A_115 = tpu.memref_squeeze %dma_wait3A_114 : memref<1x100xi32, #tpu.memory_space<vmem>> -> memref<100xi32, #tpu.memory_space<vmem>>
        %dma_wait3A_116 = arith.constant 0 : i32
        %dma_wait3A_117 = arith.constant 0 : i32
        %dma_wait3A_118 = tpu.memref_slice %arg10[%dma_wait3A_116, %dma_wait3A_117] : memref<10000x128xf32, #tpu.memory_space<vmem_shared>> -> memref<10000x128xf32, #tpu.memory_space<vmem_shared>>
        tpu.wait_indirect_dma semaphore(%run_scoped3A_98 : memref<!tpu.dma_semaphore, #tpu.memory_space<semaphore_mem>>) src(%dma_wait3A_112 : memref<100x128xf32, #tpu.memory_space<vmem>>) dst(%dma_wait3A_118 : memref<10000x128xf32, #tpu.memory_space<vmem_shared>>)
        tpu.yield
      }) : () -> ()
      %add3A_65 = arith.constant 2 : i32
      %add3A_66 = arith.addi %add3A_48, %add3A_65 : i32
      %add3A_67 = arith.constant 0 : i32
      %add3A_68 = arith.addi %add3A_66, %add3A_67 : i32
      %lt3A = arith.constant 100 : i32
      %lt3A_69 = arith.cmpi slt, %add3A_68, %lt3A : i32
      %convert_element_type3A = arith.extui %lt3A_69 : i1 to i32
      %cond3A = arith.constant 0 : i32
      %cond3A_70 = arith.cmpi ne, %convert_element_type3A, %cond3A : i32
      scf.if %cond3A_70 {
        %dma_start3A_98 = arith.constant 0 : i32
        %dma_start3A_99 = arith.constant 0 : i32
        %dma_start3A_100 = arith.constant 0 : i32
        %dma_start3A_101 = tpu.memref_slice %arg8[%dma_start3A_98, %dma_start3A_99, %dma_start3A_100] : memref<2x100x128xf32, #tpu.memory_space<vmem>> -> memref<1x100x128xf32, #tpu.memory_space<vmem>>
        %dma_start3A_102 = tpu.memref_squeeze %dma_start3A_101 : memref<1x100x128xf32, #tpu.memory_space<vmem>> -> memref<100x128xf32, #tpu.memory_space<vmem>>
        %dma_start3A_103 = arith.constant 0 : i32
        %dma_start3A_104 = tpu.memref_slice %arg6[%add3A_68, %dma_start3A_103] : memref<100x100xi32, #tpu.memory_space<vmem>> -> memref<1x100xi32, #tpu.memory_space<vmem>>
        %dma_start3A_105 = tpu.memref_squeeze %dma_start3A_104 : memref<1x100xi32, #tpu.memory_space<vmem>> -> memref<100xi32, #tpu.memory_space<vmem>>
        %dma_start3A_106 = arith.constant 0 : i32
        %dma_start3A_107 = arith.constant 0 : i32
        %dma_start3A_108 = tpu.memref_slice %arg2[%dma_start3A_106, %dma_start3A_107] : memref<10000x128xf32, #tpu.memory_space<hbm>> -> memref<10000x128xf32, #tpu.memory_space<hbm>>
        tpu.enqueue_indirect_dma source(%dma_start3A_108 : memref<10000x128xf32, #tpu.memory_space<hbm>>) target(%dma_start3A_102 : memref<100x128xf32, #tpu.memory_space<vmem>>) offsets(%dma_start3A_105 : memref<100xi32, #tpu.memory_space<vmem>>) semaphore(%arg11 : memref<!tpu.dma_semaphore, #tpu.memory_space<semaphore_mem>>)
      } else {
      }
      %dma_wait3A_71 = arith.constant 1 : i32
      %dma_wait3A_72 = arith.constant 0 : i32
      %dma_wait3A_73 = arith.constant 0 : i32
      %dma_wait3A_74 = tpu.memref_slice %arg8[%dma_wait3A_71, %dma_wait3A_72, %dma_wait3A_73] : memref<2x100x128xf32, #tpu.memory_space<vmem>> -> memref<1x100x128xf32, #tpu.memory_space<vmem>>
      %dma_wait3A_75 = tpu.memref_squeeze %dma_wait3A_74 : memref<1x100x128xf32, #tpu.memory_space<vmem>> -> memref<100x128xf32, #tpu.memory_space<vmem>>
      %dma_wait3A_76 = arith.constant 0 : i32
      %dma_wait3A_77 = arith.constant 0 : i32
      %dma_wait3A_78 = tpu.memref_slice %arg2[%dma_wait3A_76, %dma_wait3A_77] : memref<10000x128xf32, #tpu.memory_space<hbm>> -> memref<100x128xf32, #tpu.memory_space<hbm>>
      %dma_wait3A_79 = arith.constant 0 : i32
      %dma_wait3A_80 = arith.constant 0 : i32
      %dma_wait3A_81 = tpu.memref_slice %arg8[%dma_wait3A_71, %dma_wait3A_79, %dma_wait3A_80] : memref<2x100x128xf32, #tpu.memory_space<vmem>> -> memref<1x100x128xf32, #tpu.memory_space<vmem>>
      %dma_wait3A_82 = tpu.memref_squeeze %dma_wait3A_81 : memref<1x100x128xf32, #tpu.memory_space<vmem>> -> memref<100x128xf32, #tpu.memory_space<vmem>>
      %dma_wait3A_83 = arith.constant 0 : i32
      %dma_wait3A_84 = arith.constant 0 : i32
      %dma_wait3A_85 = tpu.memref_slice %arg2[%dma_wait3A_83, %dma_wait3A_84] : memref<10000x128xf32, #tpu.memory_space<hbm>> -> memref<100x128xf32, #tpu.memory_space<hbm>>
      tpu.wait_dma2 semaphore(%arg12 : memref<!tpu.dma_semaphore, #tpu.memory_space<semaphore_mem>>) src(%dma_wait3A_85 : memref<100x128xf32, #tpu.memory_space<hbm>>) dst(%dma_wait3A_82 : memref<100x128xf32, #tpu.memory_space<vmem>>)
      %add3A_86 = arith.constant 1 : i32
      %add3A_87 = arith.addi %add3A_48, %add3A_86 : i32
      %run_scoped3A_88 = arith.constant 1 : i32
      "tpu.region"() ({
        %run_scoped3A_98 = tpu.sem_alloc : memref<!tpu.dma_semaphore, #tpu.memory_space<semaphore_mem>>
        %dma_start3A_99 = arith.constant 0 : i32
        %dma_start3A_100 = arith.constant 0 : i32
        %dma_start3A_101 = tpu.memref_slice %arg8[%run_scoped3A_88, %dma_start3A_99, %dma_start3A_100] : memref<2x100x128xf32, #tpu.memory_space<vmem>> -> memref<1x100x128xf32, #tpu.memory_space<vmem>>
        %dma_start3A_102 = tpu.memref_squeeze %dma_start3A_101 : memref<1x100x128xf32, #tpu.memory_space<vmem>> -> memref<100x128xf32, #tpu.memory_space<vmem>>
        %dma_start3A_103 = arith.constant 0 : i32
        %dma_start3A_104 = tpu.memref_slice %arg7[%add3A_87, %dma_start3A_103] : memref<100x100xi32, #tpu.memory_space<vmem>> -> memref<1x100xi32, #tpu.memory_space<vmem>>
        %dma_start3A_105 = tpu.memref_squeeze %dma_start3A_104 : memref<1x100xi32, #tpu.memory_space<vmem>> -> memref<100xi32, #tpu.memory_space<vmem>>
        %dma_start3A_106 = arith.constant 0 : i32
        %dma_start3A_107 = arith.constant 0 : i32
        %dma_start3A_108 = tpu.memref_slice %arg10[%dma_start3A_106, %dma_start3A_107] : memref<10000x128xf32, #tpu.memory_space<vmem_shared>> -> memref<10000x128xf32, #tpu.memory_space<vmem_shared>>
        tpu.enqueue_indirect_dma source(%dma_start3A_102 : memref<100x128xf32, #tpu.memory_space<vmem>>) target(%dma_start3A_108 : memref<10000x128xf32, #tpu.memory_space<vmem_shared>>) offsets(%dma_start3A_105 : memref<100xi32, #tpu.memory_space<vmem>>) semaphore(%run_scoped3A_98 : memref<!tpu.dma_semaphore, #tpu.memory_space<semaphore_mem>>) {add = true}
        %dma_wait3A_109 = arith.constant 0 : i32
        %dma_wait3A_110 = arith.constant 0 : i32
        %dma_wait3A_111 = tpu.memref_slice %arg8[%run_scoped3A_88, %dma_wait3A_109, %dma_wait3A_110] : memref<2x100x128xf32, #tpu.memory_space<vmem>> -> memref<1x100x128xf32, #tpu.memory_space<vmem>>
        %dma_wait3A_112 = tpu.memref_squeeze %dma_wait3A_111 : memref<1x100x128xf32, #tpu.memory_space<vmem>> -> memref<100x128xf32, #tpu.memory_space<vmem>>
        %dma_wait3A_113 = arith.constant 0 : i32
        %dma_wait3A_114 = tpu.memref_slice %arg7[%add3A_87, %dma_wait3A_113] : memref<100x100xi32, #tpu.memory_space<vmem>> -> memref<1x100xi32, #tpu.memory_space<vmem>>
        %dma_wait3A_115 = tpu.memref_squeeze %dma_wait3A_114 : memref<1x100xi32, #tpu.memory_space<vmem>> -> memref<100xi32, #tpu.memory_space<vmem>>
        %dma_wait3A_116 = arith.constant 0 : i32
        %dma_wait3A_117 = arith.constant 0 : i32
        %dma_wait3A_118 = tpu.memref_slice %arg10[%dma_wait3A_116, %dma_wait3A_117] : memref<10000x128xf32, #tpu.memory_space<vmem_shared>> -> memref<10000x128xf32, #tpu.memory_space<vmem_shared>>
        tpu.wait_indirect_dma semaphore(%run_scoped3A_98 : memref<!tpu.dma_semaphore, #tpu.memory_space<semaphore_mem>>) src(%dma_wait3A_112 : memref<100x128xf32, #tpu.memory_space<vmem>>) dst(%dma_wait3A_118 : memref<10000x128xf32, #tpu.memory_space<vmem_shared>>)
        tpu.yield
      }) : () -> ()
      %add3A_89 = arith.constant 2 : i32
      %add3A_90 = arith.addi %add3A_48, %add3A_89 : i32
      %add3A_91 = arith.constant 1 : i32
      %add3A_92 = arith.addi %add3A_90, %add3A_91 : i32
      %lt3A_93 = arith.constant 100 : i32
      %lt3A_94 = arith.cmpi slt, %add3A_92, %lt3A_93 : i32
      %convert_element_type3A_95 = arith.extui %lt3A_94 : i1 to i32
      %cond3A_96 = arith.constant 0 : i32
      %cond3A_97 = arith.cmpi ne, %convert_element_type3A_95, %cond3A_96 : i32
      scf.if %cond3A_97 {
        %dma_start3A_98 = arith.constant 1 : i32
        %dma_start3A_99 = arith.constant 0 : i32
        %dma_start3A_100 = arith.constant 0 : i32
        %dma_start3A_101 = tpu.memref_slice %arg8[%dma_start3A_98, %dma_start3A_99, %dma_start3A_100] : memref<2x100x128xf32, #tpu.memory_space<vmem>> -> memref<1x100x128xf32, #tpu.memory_space<vmem>>
        %dma_start3A_102 = tpu.memref_squeeze %dma_start3A_101 : memref<1x100x128xf32, #tpu.memory_space<vmem>> -> memref<100x128xf32, #tpu.memory_space<vmem>>
        %dma_start3A_103 = arith.constant 0 : i32
        %dma_start3A_104 = tpu.memref_slice %arg6[%add3A_92, %dma_start3A_103] : memref<100x100xi32, #tpu.memory_space<vmem>> -> memref<1x100xi32, #tpu.memory_space<vmem>>
        %dma_start3A_105 = tpu.memref_squeeze %dma_start3A_104 : memref<1x100xi32, #tpu.memory_space<vmem>> -> memref<100xi32, #tpu.memory_space<vmem>>
        %dma_start3A_106 = arith.constant 0 : i32
        %dma_start3A_107 = arith.constant 0 : i32
        %dma_start3A_108 = tpu.memref_slice %arg2[%dma_start3A_106, %dma_start3A_107] : memref<10000x128xf32, #tpu.memory_space<hbm>> -> memref<10000x128xf32, #tpu.memory_space<hbm>>
        tpu.enqueue_indirect_dma source(%dma_start3A_108 : memref<10000x128xf32, #tpu.memory_space<hbm>>) target(%dma_start3A_102 : memref<100x128xf32, #tpu.memory_space<vmem>>) offsets(%dma_start3A_105 : memref<100xi32, #tpu.memory_space<vmem>>) semaphore(%arg12 : memref<!tpu.dma_semaphore, #tpu.memory_space<semaphore_mem>>)
      } else {
      }
    }
    %scan3A_37 = arith.constant 50 : i32
    %barrier3A_38 = arith.constant 0 : index
    tpu.barrier barrier_id(%barrier3A_38)
    %scan3A_39 = arith.constant 0 : i32
    %scan3A_40 = arith.constant 25 : i32
    %scan3A_41 = arith.addi %scan3A_39, %scan3A_40 : i32
    %scan3A_42 = arith.constant 1 : i32
    scf.for %scan3A_44 = %scan3A_39 to %scan3A_41 step %scan3A_42  : i32 {
      %mul3A_45 = arith.constant 1 : i32
      %mul3A_46 = arith.muli %scan3A_44, %mul3A_45 : i32
      %add3A_47 = arith.constant 0 : i32
      %add3A_48 = arith.addi %add3A_47, %mul3A_46 : i32
      %mul3A_49 = arith.constant 625 : i32
      %mul3A_50 = arith.muli %arg1, %mul3A_49 : i32
      %mul3A_51 = arith.constant 25 : i32
      %mul3A_52 = arith.muli %add3A_48, %mul3A_51 : i32
      %add3A_53 = arith.addi %mul3A_50, %mul3A_52 : i32
      "tpu.region"() ({
        %run_scoped3A = tpu.sem_alloc : memref<!tpu.dma_semaphore, #tpu.memory_space<semaphore_mem>>
        %dma_start3A_54 = arith.constant 0 : i32
        %dma_start3A_55 = tpu.memref_slice %arg10[%add3A_53, %dma_start3A_54] : memref<10000x128xf32, #tpu.memory_space<vmem_shared>> -> memref<25x128xf32, #tpu.memory_space<vmem_shared>>
        %dma_start3A_56 = arith.constant 0 : i32
        %dma_start3A_57 = tpu.memref_slice %arg10[%add3A_53, %dma_start3A_56] : memref<10000x128xf32, #tpu.memory_space<vmem_shared>> -> memref<25x128xf32, #tpu.memory_space<vmem_shared>>
        tpu.enqueue_dma source(%dma_start3A_57 : memref<25x128xf32, #tpu.memory_space<vmem_shared>>) target(%arg9 : memref<25x128xf32, #tpu.memory_space<vmem>>) target_semaphore(%run_scoped3A : memref<!tpu.dma_semaphore, #tpu.memory_space<semaphore_mem>>)
        %dma_wait3A = arith.constant 0 : i32
        %dma_wait3A_58 = tpu.memref_slice %arg10[%add3A_53, %dma_wait3A] : memref<10000x128xf32, #tpu.memory_space<vmem_shared>> -> memref<25x128xf32, #tpu.memory_space<vmem_shared>>
        %dma_wait3A_59 = arith.constant 0 : i32
        %dma_wait3A_60 = tpu.memref_slice %arg10[%add3A_53, %dma_wait3A_59] : memref<10000x128xf32, #tpu.memory_space<vmem_shared>> -> memref<25x128xf32, #tpu.memory_space<vmem_shared>>
        tpu.wait_dma2 semaphore(%run_scoped3A : memref<!tpu.dma_semaphore, #tpu.memory_space<semaphore_mem>>) src(%dma_wait3A_60 : memref<25x128xf32, #tpu.memory_space<vmem_shared>>) dst(%arg9 : memref<25x128xf32, #tpu.memory_space<vmem>>)
        tpu.yield
      }) : () -> ()
      "tpu.region"() ({
        %run_scoped3A = tpu.sem_alloc : memref<!tpu.dma_semaphore, #tpu.memory_space<semaphore_mem>>
        %dma_start3A_54 = arith.constant 0 : i32
        %dma_start3A_55 = tpu.memref_slice %arg5[%arg0, %add3A_53, %dma_start3A_54] : memref<2x10000x128xf32, #tpu.memory_space<hbm>> -> memref<1x25x128xf32, #tpu.memory_space<hbm>>
        %dma_start3A_56 = tpu.memref_squeeze %dma_start3A_55 : memref<1x25x128xf32, #tpu.memory_space<hbm>> -> memref<25x128xf32, #tpu.memory_space<hbm>>
        %dma_start3A_57 = arith.constant 0 : i32
        %dma_start3A_58 = tpu.memref_slice %arg5[%arg0, %add3A_53, %dma_start3A_57] : memref<2x10000x128xf32, #tpu.memory_space<hbm>> -> memref<1x25x128xf32, #tpu.memory_space<hbm>>
        %dma_start3A_59 = tpu.memref_squeeze %dma_start3A_58 : memref<1x25x128xf32, #tpu.memory_space<hbm>> -> memref<25x128xf32, #tpu.memory_space<hbm>>
        tpu.enqueue_dma source(%arg9 : memref<25x128xf32, #tpu.memory_space<vmem>>) target(%dma_start3A_59 : memref<25x128xf32, #tpu.memory_space<hbm>>) target_semaphore(%run_scoped3A : memref<!tpu.dma_semaphore, #tpu.memory_space<semaphore_mem>>)
        %dma_wait3A = arith.constant 0 : i32
        %dma_wait3A_60 = tpu.memref_slice %arg5[%arg0, %add3A_53, %dma_wait3A] : memref<2x10000x128xf32, #tpu.memory_space<hbm>> -> memref<1x25x128xf32, #tpu.memory_space<hbm>>
        %dma_wait3A_61 = tpu.memref_squeeze %dma_wait3A_60 : memref<1x25x128xf32, #tpu.memory_space<hbm>> -> memref<25x128xf32, #tpu.memory_space<hbm>>
        %dma_wait3A_62 = arith.constant 0 : i32
        %dma_wait3A_63 = tpu.memref_slice %arg5[%arg0, %add3A_53, %dma_wait3A_62] : memref<2x10000x128xf32, #tpu.memory_space<hbm>> -> memref<1x25x128xf32, #tpu.memory_space<hbm>>
        %dma_wait3A_64 = tpu.memref_squeeze %dma_wait3A_63 : memref<1x25x128xf32, #tpu.memory_space<hbm>> -> memref<25x128xf32, #tpu.memory_space<hbm>>
        tpu.wait_dma2 semaphore(%run_scoped3A : memref<!tpu.dma_semaphore, #tpu.memory_space<semaphore_mem>>) src(%arg9 : memref<25x128xf32, #tpu.memory_space<vmem>>) dst(%dma_wait3A_64 : memref<25x128xf32, #tpu.memory_space<hbm>>)
        tpu.yield
      }) : () -> ()
    }
    %scan3A_43 = arith.constant 25 : i32
    return
  }
}

#map = affine_map<(d0, d1) -> (0)>
#map1 = affine_map<(d0, d1) -> (0, 0)>
module attributes {stable_mosaic.version = 14 : i64} {
  func.func @_pool_body(%arg0: i32, %arg1: i32, %arg2: memref<10000xi32, #tpu.memory_space<hbm>>, %arg3: memref<10000x128xf32, #tpu.memory_space<hbm>>, %arg4: memref<512x128xf32, #tpu.memory_space<hbm>>, %arg5: memref<512x128xf32, #tpu.memory_space<hbm>>, %arg6: memref<16xi32, #tpu.memory_space<vmem>>, %arg7: memref<512xi32, #tpu.memory_space<vmem>>, %arg8: memref<16xi32, #tpu.memory_space<vmem>>, %arg9: memref<16xi32, #tpu.memory_space<vmem>>, %arg10: memref<16x128xf32, #tpu.memory_space<vmem>>, %arg11: memref<512xi32, #tpu.memory_space<vmem_shared>>, %arg12: memref<!tpu.dma_semaphore, #tpu.memory_space<semaphore_mem>>) attributes {dimension_semantics = [#tpu.dimension_semantics<core_parallel>, #tpu.dimension_semantics<subcore_parallel>], iteration_bounds = array<i64: 2, 16>, scalar_prefetch = 0 : i64, scratch_operands = 7 : i64, tpu.core_type = #tpu.core_type<sc_vector_subcore>, window_params = [{transform_indices = #map}, {transform_indices = #map1}, {transform_indices = #map1}, {transform_indices = #map1}]} {
    %mul3A = arith.constant 2 : i32
    %mul3A_0 = arith.muli %arg1, %mul3A : i32
    %add3A = arith.addi %mul3A_0, %arg0 : i32
    %iota3A = tpu.iota {dimensions = array<i32: 0>} : vector<16xi32>
    %eq3A = arith.constant 0 : i32
    %eq3A_1 = arith.cmpi eq, %arg1, %eq3A : i32
    %convert_element_type3A = arith.extui %eq3A_1 : i1 to i32
    %cond3A = arith.constant 0 : i32
    %cond3A_2 = arith.cmpi ne, %convert_element_type3A, %cond3A : i32
    scf.if %cond3A_2 {
      %scan3A = arith.constant 0 : i32
      %scan3A_24 = arith.constant 32 : i32
      %scan3A_25 = arith.addi %scan3A, %scan3A_24 : i32
      %scan3A_26 = arith.constant 1 : i32
      scf.for %scan3A_40 = %scan3A to %scan3A_25 step %scan3A_26  : i32 {
        %mul3A_41 = arith.constant 1 : i32
        %mul3A_42 = arith.muli %scan3A_40, %mul3A_41 : i32
        %add3A_43 = arith.constant 0 : i32
        %add3A_44 = arith.addi %add3A_43, %mul3A_42 : i32
        %broadcast_in_dim3A_45 = arith.constant 0 : i32
        %broadcast_in_dim3A_46 = vector.broadcast %broadcast_in_dim3A_45 : i32 to vector<16xi32>
        %mul3A_47 = arith.constant 16 : i32
        %mul3A_48 = arith.muli %add3A_44, %mul3A_47 : i32
        %swap3A_49 = arith.index_cast %mul3A_48 : i32 to index
        %swap3A_50 = tpu.vector_load %arg7[%swap3A_49] {strides = array<i32>} : memref<512xi32, #tpu.memory_space<vmem>>, vector<16xi32>,
        tpu.vector_store %arg7[%swap3A_49], %broadcast_in_dim3A_46 {strides = array<i32>} : memref<512xi32, #tpu.memory_space<vmem>>, vector<16xi32>,
      }
      %scan3A_27 = arith.constant 32 : i32
      %sub3A = arith.constant 1 : i32
      %sub3A_28 = vector.broadcast %sub3A : i32 to vector<16xi32>
      %sub3A_29 = arith.subi %iota3A, %sub3A_28 : vector<16xi32>
      %max3A = arith.constant 0 : i32
      %max3A_30 = vector.broadcast %max3A : i32 to vector<16xi32>
      %max3A_31 = arith.maxsi %sub3A_29, %max3A_30 : vector<16xi32>
      %broadcast_in_dim3A = vector.shape_cast %max3A_31 : vector<16xi32> to vector<16x1xi32>
      %scan3A_32 = arith.constant 0 : i32
      %scan3A_33 = arith.constant -1 : i32
      %scan3A_34 = arith.constant 0 : i32
      %scan3A_35 = arith.constant 625 : i32
      %scan3A_36 = arith.addi %scan3A_34, %scan3A_35 : i32
      %scan3A_37 = arith.constant 1 : i32
      %scan3A_38:2 = scf.for %scan3A_40 = %scan3A_34 to %scan3A_36 step %scan3A_37 iter_args(%scan3A_41 = %scan3A_32, %scan3A_42 = %scan3A_33) -> (i32, i32)  : i32 {
        %mul3A_43 = arith.constant 1 : i32
        %mul3A_44 = arith.muli %scan3A_40, %mul3A_43 : i32
        %add3A_45 = arith.constant 0 : i32
        %add3A_46 = arith.addi %add3A_45, %mul3A_44 : i32
        %mul3A_47 = arith.constant 16 : i32
        %mul3A_48 = arith.muli %add3A_46, %mul3A_47 : i32
        "tpu.region"() ({
          %run_scoped3A = tpu.sem_alloc : memref<!tpu.dma_semaphore, #tpu.memory_space<semaphore_mem>>
          %dma_start3A_88 = tpu.memref_slice %arg2[%mul3A_48] : memref<10000xi32, #tpu.memory_space<hbm>> -> memref<16xi32, #tpu.memory_space<hbm>>
          %dma_start3A_89 = tpu.memref_slice %arg2[%mul3A_48] : memref<10000xi32, #tpu.memory_space<hbm>> -> memref<16xi32, #tpu.memory_space<hbm>>
          tpu.enqueue_dma source(%dma_start3A_89 : memref<16xi32, #tpu.memory_space<hbm>>) target(%arg6 : memref<16xi32, #tpu.memory_space<vmem>>) target_semaphore(%run_scoped3A : memref<!tpu.dma_semaphore, #tpu.memory_space<semaphore_mem>>)
          %dma_wait3A_90 = tpu.memref_slice %arg2[%mul3A_48] : memref<10000xi32, #tpu.memory_space<hbm>> -> memref<16xi32, #tpu.memory_space<hbm>>
          %dma_wait3A_91 = tpu.memref_slice %arg2[%mul3A_48] : memref<10000xi32, #tpu.memory_space<hbm>> -> memref<16xi32, #tpu.memory_space<hbm>>
          tpu.wait_dma2 semaphore(%run_scoped3A : memref<!tpu.dma_semaphore, #tpu.memory_space<semaphore_mem>>) src(%dma_wait3A_91 : memref<16xi32, #tpu.memory_space<hbm>>) dst(%arg6 : memref<16xi32, #tpu.memory_space<vmem>>)
          tpu.yield
        }) : () -> ()
        %get3A_49 = arith.constant 0 : index
        %get3A_50 = tpu.vector_load %arg6[%get3A_49] {strides = array<i32>} : memref<16xi32, #tpu.memory_space<vmem>>, vector<16xi32>,
        %gather3A = vector.shape_cast %broadcast_in_dim3A : vector<16x1xi32> to vector<16xi32>
        %gather3A_51 = tpu.dynamic_gather %get3A_50[%gather3A] in [0] : vector<16xi32>, vector<16xi32> -> vector<16xi32>
        %eq3A_52 = arith.constant 0 : i32
        %eq3A_53 = vector.broadcast %eq3A_52 : i32 to vector<16xi32>
        %eq3A_54 = arith.cmpi eq, %iota3A, %eq3A_53 : vector<16xi32>
        %broadcast_in_dim3A_55 = vector.broadcast %scan3A_42 : i32 to vector<16xi32>
        %select_n3A = arith.select %eq3A_54, %broadcast_in_dim3A_55, %gather3A_51 : vector<16xi1>, vector<16xi32>
        %ne3A = arith.cmpi ne, %get3A_50, %select_n3A : vector<16xi32>
        %jit3A = arith.constant 1 : i32
        %jit3A_56 = arith.constant 0 : i32
        %broadcast_in_dim3A_57 = vector.broadcast %jit3A : i32 to vector<16xi32>
        %broadcast_in_dim3A_58 = vector.broadcast %jit3A_56 : i32 to vector<16xi32>
        %select_n3A_59 = arith.select %ne3A, %broadcast_in_dim3A_57, %broadcast_in_dim3A_58 : vector<16xi1>, vector<16xi32>
        %broadcast_in_dim3A_60 = arith.constant true
        %broadcast_in_dim3A_61 = vector.broadcast %broadcast_in_dim3A_60 : i1 to vector<16xi1>
        %masked_cumsum3A = tpu.scan <sum>, %select_n3A_59 masked %broadcast_in_dim3A_61 : vector<16xi32>, vector<16xi1> -> vector<16xi32>
        %add3A_62 = vector.broadcast %scan3A_41 : i32 to vector<16xi32>
        %add3A_63 = arith.addi %add3A_62, %masked_cumsum3A : vector<16xi32>
        %sub3A_64 = arith.constant 1 : i32
        %sub3A_65 = vector.broadcast %sub3A_64 : i32 to vector<16xi32>
        %sub3A_66 = arith.subi %add3A_63, %sub3A_65 : vector<16xi32>
        %mul3A_67 = arith.constant 16 : i32
        %mul3A_68 = arith.muli %add3A_46, %mul3A_67 : i32
        %add3A_69 = vector.broadcast %mul3A_68 : i32 to vector<16xi32>
        %add3A_70 = arith.addi %add3A_69, %iota3A : vector<16xi32>
        tpu.vector_store_idx %arg7[%sub3A_66], %add3A_70 masked %ne3A : memref<512xi32, #tpu.memory_space<vmem>>[vector<16xi32>], vector<16xi32>, vector<16xi1>
        %reduce_sum3A = arith.constant true
        %reduce_sum3A_71 = vector.broadcast %reduce_sum3A : i1 to vector<16xi1>
        %reduce_sum3A_72 = tpu.scan <sum>, %select_n3A_59 masked %reduce_sum3A_71 : vector<16xi32>, vector<16xi1> -> vector<16xi32>
        %reduce_sum3A_73 = vector.extract %reduce_sum3A_72[15] : i32 from vector<16xi32>
        %add3A_74 = arith.addi %scan3A_41, %reduce_sum3A_73 : i32
        %eq3A_75 = arith.constant 15 : i32
        %eq3A_76 = vector.broadcast %eq3A_75 : i32 to vector<16xi32>
        %eq3A_77 = arith.cmpi eq, %iota3A, %eq3A_76 : vector<16xi32>
        %jit3A_78 = arith.constant -2147483648 : i32
        %broadcast_in_dim3A_79 = vector.broadcast %jit3A_78 : i32 to vector<16xi32>
        %select_n3A_80 = arith.select %eq3A_77, %get3A_50, %broadcast_in_dim3A_79 : vector<16xi1>, vector<16xi32>
        %reduce_max3A = arith.constant true
        %reduce_max3A_81 = vector.broadcast %reduce_max3A : i1 to vector<16xi1>
        %reduce_max3A_82 = arith.constant -2147483648 : i32
        %reduce_max3A_83 = vector.broadcast %reduce_max3A_82 : i32 to vector<16xi32>
        %reduce_max3A_84 = arith.xori %select_n3A_80, %reduce_max3A_83 : vector<16xi32>
        %reduce_max3A_85 = tpu.scan <max>, %reduce_max3A_84 masked %reduce_max3A_81 : vector<16xi32>, vector<16xi1> -> vector<16xi32>
        %reduce_max3A_86 = arith.xori %reduce_max3A_85, %reduce_max3A_83 : vector<16xi32>
        %reduce_max3A_87 = vector.extract %reduce_max3A_86[15] : i32 from vector<16xi32>
        scf.yield %add3A_74, %reduce_max3A_87 : i32, i32
      }
      %scan3A_39 = arith.constant 625 : i32
      "tpu.region"() ({
        %run_scoped3A = tpu.sem_alloc : memref<!tpu.dma_semaphore, #tpu.memory_space<semaphore_mem>>
        tpu.enqueue_dma source(%arg7 : memref<512xi32, #tpu.memory_space<vmem>>) target(%arg11 : memref<512xi32, #tpu.memory_space<vmem_shared>>) target_semaphore(%run_scoped3A : memref<!tpu.dma_semaphore, #tpu.memory_space<semaphore_mem>>)
        tpu.wait_dma2 semaphore(%run_scoped3A : memref<!tpu.dma_semaphore, #tpu.memory_space<semaphore_mem>>) src(%arg7 : memref<512xi32, #tpu.memory_space<vmem>>) dst(%arg11 : memref<512xi32, #tpu.memory_space<vmem_shared>>)
        tpu.yield
      }) : () -> ()
    } else {
    }
    %barrier3A = arith.constant 0 : index
    tpu.barrier barrier_id(%barrier3A)
    %mul3A_3 = arith.constant 16 : i32
    %mul3A_4 = arith.muli %add3A, %mul3A_3 : i32
    "tpu.region"() ({
      %run_scoped3A = tpu.sem_alloc : memref<!tpu.dma_semaphore, #tpu.memory_space<semaphore_mem>>
      %dma_start3A_24 = tpu.memref_slice %arg11[%mul3A_4] : memref<512xi32, #tpu.memory_space<vmem_shared>> -> memref<16xi32, #tpu.memory_space<vmem_shared>>
      %dma_start3A_25 = tpu.memref_slice %arg11[%mul3A_4] : memref<512xi32, #tpu.memory_space<vmem_shared>> -> memref<16xi32, #tpu.memory_space<vmem_shared>>
      tpu.enqueue_dma source(%dma_start3A_25 : memref<16xi32, #tpu.memory_space<vmem_shared>>) target(%arg6 : memref<16xi32, #tpu.memory_space<vmem>>) target_semaphore(%run_scoped3A : memref<!tpu.dma_semaphore, #tpu.memory_space<semaphore_mem>>)
      %dma_wait3A_26 = tpu.memref_slice %arg11[%mul3A_4] : memref<512xi32, #tpu.memory_space<vmem_shared>> -> memref<16xi32, #tpu.memory_space<vmem_shared>>
      %dma_wait3A_27 = tpu.memref_slice %arg11[%mul3A_4] : memref<512xi32, #tpu.memory_space<vmem_shared>> -> memref<16xi32, #tpu.memory_space<vmem_shared>>
      tpu.wait_dma2 semaphore(%run_scoped3A : memref<!tpu.dma_semaphore, #tpu.memory_space<semaphore_mem>>) src(%dma_wait3A_27 : memref<16xi32, #tpu.memory_space<vmem_shared>>) dst(%arg6 : memref<16xi32, #tpu.memory_space<vmem>>)
      tpu.yield
    }) : () -> ()
    %get3A = arith.constant 0 : index
    %get3A_5 = tpu.vector_load %arg6[%get3A] {strides = array<i32>} : memref<16xi32, #tpu.memory_space<vmem>>, vector<16xi32>,
    %min3A = arith.constant 9998 : i32
    %min3A_6 = vector.broadcast %min3A : i32 to vector<16xi32>
    %min3A_7 = arith.minsi %get3A_5, %min3A_6 : vector<16xi32>
    %swap3A = arith.constant 0 : index
    %swap3A_8 = tpu.vector_load %arg8[%swap3A] {strides = array<i32>} : memref<16xi32, #tpu.memory_space<vmem>>, vector<16xi32>,
    tpu.vector_store %arg8[%swap3A], %min3A_7 {strides = array<i32>} : memref<16xi32, #tpu.memory_space<vmem>>, vector<16xi32>,
    %add3A_9 = arith.constant 1 : i32
    %add3A_10 = vector.broadcast %add3A_9 : i32 to vector<16xi32>
    %add3A_11 = arith.addi %min3A_7, %add3A_10 : vector<16xi32>
    %swap3A_12 = arith.constant 0 : index
    %swap3A_13 = tpu.vector_load %arg9[%swap3A_12] {strides = array<i32>} : memref<16xi32, #tpu.memory_space<vmem>>, vector<16xi32>,
    tpu.vector_store %arg9[%swap3A_12], %add3A_11 {strides = array<i32>} : memref<16xi32, #tpu.memory_space<vmem>>, vector<16xi32>,
    %dma_start3A = arith.constant 0 : i32
    %dma_start3A_14 = arith.constant 0 : i32
    %dma_start3A_15 = tpu.memref_slice %arg3[%dma_start3A, %dma_start3A_14] : memref<10000x128xf32, #tpu.memory_space<hbm>> -> memref<10000x128xf32, #tpu.memory_space<hbm>>
    tpu.enqueue_indirect_dma source(%dma_start3A_15 : memref<10000x128xf32, #tpu.memory_space<hbm>>) target(%arg10 : memref<16x128xf32, #tpu.memory_space<vmem>>) offsets(%arg8 : memref<16xi32, #tpu.memory_space<vmem>>) semaphore(%arg12 : memref<!tpu.dma_semaphore, #tpu.memory_space<semaphore_mem>>)
    %dma_wait3A = arith.constant 0 : i32
    %dma_wait3A_16 = arith.constant 0 : i32
    %dma_wait3A_17 = tpu.memref_slice %arg3[%dma_wait3A, %dma_wait3A_16] : memref<10000x128xf32, #tpu.memory_space<hbm>> -> memref<10000x128xf32, #tpu.memory_space<hbm>>
    tpu.wait_indirect_dma semaphore(%arg12 : memref<!tpu.dma_semaphore, #tpu.memory_space<semaphore_mem>>) src(%dma_wait3A_17 : memref<10000x128xf32, #tpu.memory_space<hbm>>) dst(%arg10 : memref<16x128xf32, #tpu.memory_space<vmem>>)
    "tpu.region"() ({
      %run_scoped3A = tpu.sem_alloc : memref<!tpu.dma_semaphore, #tpu.memory_space<semaphore_mem>>
      %dma_start3A_24 = arith.constant 0 : i32
      %dma_start3A_25 = tpu.memref_slice %arg4[%mul3A_4, %dma_start3A_24] : memref<512x128xf32, #tpu.memory_space<hbm>> -> memref<16x128xf32, #tpu.memory_space<hbm>>
      %dma_start3A_26 = arith.constant 0 : i32
      %dma_start3A_27 = tpu.memref_slice %arg4[%mul3A_4, %dma_start3A_26] : memref<512x128xf32, #tpu.memory_space<hbm>> -> memref<16x128xf32, #tpu.memory_space<hbm>>
      tpu.enqueue_dma source(%arg10 : memref<16x128xf32, #tpu.memory_space<vmem>>) target(%dma_start3A_27 : memref<16x128xf32, #tpu.memory_space<hbm>>) target_semaphore(%run_scoped3A : memref<!tpu.dma_semaphore, #tpu.memory_space<semaphore_mem>>)
      %dma_wait3A_28 = arith.constant 0 : i32
      %dma_wait3A_29 = tpu.memref_slice %arg4[%mul3A_4, %dma_wait3A_28] : memref<512x128xf32, #tpu.memory_space<hbm>> -> memref<16x128xf32, #tpu.memory_space<hbm>>
      %dma_wait3A_30 = arith.constant 0 : i32
      %dma_wait3A_31 = tpu.memref_slice %arg4[%mul3A_4, %dma_wait3A_30] : memref<512x128xf32, #tpu.memory_space<hbm>> -> memref<16x128xf32, #tpu.memory_space<hbm>>
      tpu.wait_dma2 semaphore(%run_scoped3A : memref<!tpu.dma_semaphore, #tpu.memory_space<semaphore_mem>>) src(%arg10 : memref<16x128xf32, #tpu.memory_space<vmem>>) dst(%dma_wait3A_31 : memref<16x128xf32, #tpu.memory_space<hbm>>)
      tpu.yield
    }) : () -> ()
    %dma_start3A_18 = arith.constant 0 : i32
    %dma_start3A_19 = arith.constant 0 : i32
    %dma_start3A_20 = tpu.memref_slice %arg3[%dma_start3A_18, %dma_start3A_19] : memref<10000x128xf32, #tpu.memory_space<hbm>> -> memref<10000x128xf32, #tpu.memory_space<hbm>>
    tpu.enqueue_indirect_dma source(%dma_start3A_20 : memref<10000x128xf32, #tpu.memory_space<hbm>>) target(%arg10 : memref<16x128xf32, #tpu.memory_space<vmem>>) offsets(%arg9 : memref<16xi32, #tpu.memory_space<vmem>>) semaphore(%arg12 : memref<!tpu.dma_semaphore, #tpu.memory_space<semaphore_mem>>)
    %dma_wait3A_21 = arith.constant 0 : i32
    %dma_wait3A_22 = arith.constant 0 : i32
    %dma_wait3A_23 = tpu.memref_slice %arg3[%dma_wait3A_21, %dma_wait3A_22] : memref<10000x128xf32, #tpu.memory_space<hbm>> -> memref<10000x128xf32, #tpu.memory_space<hbm>>
    tpu.wait_indirect_dma semaphore(%arg12 : memref<!tpu.dma_semaphore, #tpu.memory_space<semaphore_mem>>) src(%dma_wait3A_23 : memref<10000x128xf32, #tpu.memory_space<hbm>>) dst(%arg10 : memref<16x128xf32, #tpu.memory_space<vmem>>)
    "tpu.region"() ({
      %run_scoped3A = tpu.sem_alloc : memref<!tpu.dma_semaphore, #tpu.memory_space<semaphore_mem>>
      %dma_start3A_24 = arith.constant 0 : i32
      %dma_start3A_25 = tpu.memref_slice %arg5[%mul3A_4, %dma_start3A_24] : memref<512x128xf32, #tpu.memory_space<hbm>> -> memref<16x128xf32, #tpu.memory_space<hbm>>
      %dma_start3A_26 = arith.constant 0 : i32
      %dma_start3A_27 = tpu.memref_slice %arg5[%mul3A_4, %dma_start3A_26] : memref<512x128xf32, #tpu.memory_space<hbm>> -> memref<16x128xf32, #tpu.memory_space<hbm>>
      tpu.enqueue_dma source(%arg10 : memref<16x128xf32, #tpu.memory_space<vmem>>) target(%dma_start3A_27 : memref<16x128xf32, #tpu.memory_space<hbm>>) target_semaphore(%run_scoped3A : memref<!tpu.dma_semaphore, #tpu.memory_space<semaphore_mem>>)
      %dma_wait3A_28 = arith.constant 0 : i32
      %dma_wait3A_29 = tpu.memref_slice %arg5[%mul3A_4, %dma_wait3A_28] : memref<512x128xf32, #tpu.memory_space<hbm>> -> memref<16x128xf32, #tpu.memory_space<hbm>>
      %dma_wait3A_30 = arith.constant 0 : i32
      %dma_wait3A_31 = tpu.memref_slice %arg5[%mul3A_4, %dma_wait3A_30] : memref<512x128xf32, #tpu.memory_space<hbm>> -> memref<16x128xf32, #tpu.memory_space<hbm>>
      tpu.wait_dma2 semaphore(%run_scoped3A : memref<!tpu.dma_semaphore, #tpu.memory_space<semaphore_mem>>) src(%arg10 : memref<16x128xf32, #tpu.memory_space<vmem>>) dst(%dma_wait3A_31 : memref<16x128xf32, #tpu.memory_space<hbm>>)
      tpu.yield
    }) : () -> ()
    return
  }
}

module attributes {stable_mosaic.version = 14 : i64} {
  func.func @body(%arg0: i32, %arg1: memref<2000x128xf32, #tpu.memory_space<vmem>>, %arg2: memref<2000x128xf32, #tpu.memory_space<vmem>>, %arg3: memref<2000x128xf32, #tpu.memory_space<vmem>>, %arg4: memref<2000x16xf32, #tpu.memory_space<vmem>>, %arg5: memref<2000x16xf32, #tpu.memory_space<vmem>>, %arg6: memref<128x128xf32, #tpu.memory_space<vmem>>, %arg7: memref<128x128xf32, #tpu.memory_space<vmem>>, %arg8: memref<1x128xf32, #tpu.memory_space<vmem>>, %arg9: memref<2000x128xf32, #tpu.memory_space<vmem>>) attributes {dimension_semantics = [#tpu.dimension_semantics<arbitrary>], iteration_bounds = array<i64: 5>, scalar_prefetch = 0 : i64, scratch_operands = 0 : i64, tpu.core_type = #tpu.core_type<tc>, window_params = [{transform_indices = @transform_0, window_bounds = array<i64: 2000, 128>}, {transform_indices = @transform_1, window_bounds = array<i64: 2000, 128>}, {transform_indices = @transform_2, window_bounds = array<i64: 2000, 128>}, {transform_indices = @transform_3, window_bounds = array<i64: 2000, 16>}, {transform_indices = @transform_4, window_bounds = array<i64: 2000, 16>}, {pipeline_mode = #tpu.pipeline_mode<synchronous>, transform_indices = @transform_5, window_bounds = array<i64: 128, 128>}, {pipeline_mode = #tpu.pipeline_mode<synchronous>, transform_indices = @transform_6, window_bounds = array<i64: 128, 128>}, {pipeline_mode = #tpu.pipeline_mode<synchronous>, transform_indices = @transform_7, window_bounds = array<i64: 1, 128>}, {transform_indices = @transform_8, window_bounds = array<i64: 2000, 128>}]} {
    %get3A = arith.constant 0 : index
    %get3A_0 = arith.constant 0 : index
    %get3A_1 = vector.load %arg2[%get3A, %get3A_0] : memref<2000x128xf32, #tpu.memory_space<vmem>>, vector<2000x128xf32>
    %get3A_2 = arith.constant 0 : index
    %get3A_3 = arith.constant 0 : index
    %get3A_4 = vector.load %arg3[%get3A_2, %get3A_3] : memref<2000x128xf32, #tpu.memory_space<vmem>>, vector<2000x128xf32>
    %add3A = arith.addf %get3A_1, %get3A_4 : vector<2000x128xf32>
    %get3A_5 = arith.constant 0 : index
    %get3A_6 = arith.constant 0 : index
    %get3A_7 = vector.load %arg4[%get3A_5, %get3A_6] : memref<2000x16xf32, #tpu.memory_space<vmem>>, vector<2000x1xf32>
    %get3A_8 = arith.constant 0 : index
    %get3A_9 = arith.constant 0 : index
    %get3A_10 = vector.load %arg5[%get3A_8, %get3A_9] : memref<2000x16xf32, #tpu.memory_space<vmem>>, vector<2000x1xf32>
    %add3A_11 = arith.addf %get3A_7, %get3A_10 : vector<2000x1xf32>
    %max3A = arith.constant 1.000000e+00 : f32
    %max3A_12 = vector.broadcast %max3A : f32 to vector<2000x1xf32>
    %max3A_13 = arith.maximumf %add3A_11, %max3A_12 : vector<2000x1xf32>
    %div3A = vector.broadcast %max3A_13 : vector<2000x1xf32> to vector<2000x128xf32>
    %div3A_14 = arith.divf %add3A, %div3A : vector<2000x128xf32>
    %get3A_15 = arith.constant 0 : index
    %get3A_16 = arith.constant 0 : index
    %get3A_17 = vector.load %arg6[%get3A_15, %get3A_16] : memref<128x128xf32, #tpu.memory_space<vmem>>, vector<128x128xf32>
    %dot_general3A = arith.constant dense<0.000000e+00> : vector<2000x128xf32>
    %dot_general3A_18 = tpu.matmul %div3A_14, %get3A_17, %dot_general3A {dimension_numbers = #tpu.dot_dimension_numbers<[1], [0], [0], [1], [0, 0, 1, 1], [], []>, transpose_lhs_hint = false} : vector<2000x128xf32>, vector<128x128xf32>, vector<2000x128xf32> -> vector<2000x128xf32>
    %get3A_19 = arith.constant 0 : index
    %get3A_20 = arith.constant 0 : index
    %get3A_21 = vector.load %arg1[%get3A_19, %get3A_20] : memref<2000x128xf32, #tpu.memory_space<vmem>>, vector<2000x128xf32>
    %get3A_22 = arith.constant 0 : index
    %get3A_23 = arith.constant 0 : index
    %get3A_24 = vector.load %arg7[%get3A_22, %get3A_23] : memref<128x128xf32, #tpu.memory_space<vmem>>, vector<128x128xf32>
    %dot_general3A_25 = arith.constant dense<0.000000e+00> : vector<2000x128xf32>
    %dot_general3A_26 = tpu.matmul %get3A_21, %get3A_24, %dot_general3A_25 {dimension_numbers = #tpu.dot_dimension_numbers<[1], [0], [0], [1], [0, 0, 1, 1], [], []>, transpose_lhs_hint = false} : vector<2000x128xf32>, vector<128x128xf32>, vector<2000x128xf32> -> vector<2000x128xf32>
    %add3A_27 = arith.addf %dot_general3A_18, %dot_general3A_26 : vector<2000x128xf32>
    %get3A_28 = arith.constant 0 : index
    %get3A_29 = arith.constant 0 : index
    %get3A_30 = vector.load %arg8[%get3A_28, %get3A_29] : memref<1x128xf32, #tpu.memory_space<vmem>>, vector<1x128xf32>
    %add3A_31 = vector.broadcast %get3A_30 : vector<1x128xf32> to vector<2000x128xf32>
    %add3A_32 = arith.addf %add3A_27, %add3A_31 : vector<2000x128xf32>
    %max3A_33 = arith.constant 0.000000e+00 : f32
    %max3A_34 = vector.broadcast %max3A_33 : f32 to vector<2000x128xf32>
    %max3A_35 = arith.maximumf %add3A_32, %max3A_34 : vector<2000x128xf32>
    %swap3A = arith.constant 0 : index
    %swap3A_36 = arith.constant 0 : index
    %swap3A_37 = vector.load %arg9[%swap3A, %swap3A_36] : memref<2000x128xf32, #tpu.memory_space<vmem>>, vector<2000x128xf32>
    tpu.vector_store %arg9[%swap3A, %swap3A_36], %max3A_35 {strides = array<i32>} : memref<2000x128xf32, #tpu.memory_space<vmem>>, vector<2000x128xf32>,
    return
  }
  func.func @transform_0(%arg0: i32) -> (i32, i32) {
    %c0_i32 = arith.constant 0 : i32
    %c0_i32_0 = arith.constant 0 : i32
    return %arg0, %c0_i32 : i32, i32
  }
  func.func @transform_1(%arg0: i32) -> (i32, i32) {
    %c0_i32 = arith.constant 0 : i32
    %c0_i32_0 = arith.constant 0 : i32
    return %arg0, %c0_i32 : i32, i32
  }
  func.func @transform_2(%arg0: i32) -> (i32, i32) {
    %c0_i32 = arith.constant 0 : i32
    %c0_i32_0 = arith.constant 0 : i32
    return %arg0, %c0_i32 : i32, i32
  }
  func.func @transform_3(%arg0: i32) -> (i32, i32) {
    %c0_i32 = arith.constant 0 : i32
    %c0_i32_0 = arith.constant 0 : i32
    return %arg0, %c0_i32 : i32, i32
  }
  func.func @transform_4(%arg0: i32) -> (i32, i32) {
    %c0_i32 = arith.constant 0 : i32
    %c0_i32_0 = arith.constant 0 : i32
    return %arg0, %c0_i32 : i32, i32
  }
  func.func @transform_5(%arg0: i32) -> (i32, i32) {
    %c0_i32 = arith.constant 0 : i32
    %c0_i32_0 = arith.constant 0 : i32
    %c0_i32_1 = arith.constant 0 : i32
    return %c0_i32, %c0_i32_0 : i32, i32
  }
  func.func @transform_6(%arg0: i32) -> (i32, i32) {
    %c0_i32 = arith.constant 0 : i32
    %c0_i32_0 = arith.constant 0 : i32
    %c0_i32_1 = arith.constant 0 : i32
    return %c0_i32, %c0_i32_0 : i32, i32
  }
  func.func @transform_7(%arg0: i32) -> (i32, i32) {
    %c0_i32 = arith.constant 0 : i32
    %c0_i32_0 = arith.constant 0 : i32
    %c0_i32_1 = arith.constant 0 : i32
    return %c0_i32, %c0_i32_0 : i32, i32
  }
  func.func @transform_8(%arg0: i32) -> (i32, i32) {
    %c0_i32 = arith.constant 0 : i32
    %c0_i32_0 = arith.constant 0 : i32
    return %arg0, %c0_i32 : i32, i32
  }
}

module attributes {stable_mosaic.version = 14 : i64} {
  func.func @body(%arg0: i32, %arg1: memref<2000x128xf32, #tpu.memory_space<vmem>>, %arg2: memref<2000x128xf32, #tpu.memory_space<vmem>>, %arg3: memref<2000x128xf32, #tpu.memory_space<vmem>>, %arg4: memref<2000x16xf32, #tpu.memory_space<vmem>>, %arg5: memref<2000x16xf32, #tpu.memory_space<vmem>>, %arg6: memref<128x128xf32, #tpu.memory_space<vmem>>, %arg7: memref<128x128xf32, #tpu.memory_space<vmem>>, %arg8: memref<1x128xf32, #tpu.memory_space<vmem>>, %arg9: memref<2000x128xf32, #tpu.memory_space<vmem>>) attributes {dimension_semantics = [#tpu.dimension_semantics<arbitrary>], iteration_bounds = array<i64: 5>, scalar_prefetch = 0 : i64, scratch_operands = 0 : i64, tpu.core_type = #tpu.core_type<tc>, window_params = [{transform_indices = @transform_0, window_bounds = array<i64: 2000, 128>}, {transform_indices = @transform_1, window_bounds = array<i64: 2000, 128>}, {transform_indices = @transform_2, window_bounds = array<i64: 2000, 128>}, {transform_indices = @transform_3, window_bounds = array<i64: 2000, 16>}, {transform_indices = @transform_4, window_bounds = array<i64: 2000, 16>}, {pipeline_mode = #tpu.pipeline_mode<synchronous>, transform_indices = @transform_5, window_bounds = array<i64: 128, 128>}, {pipeline_mode = #tpu.pipeline_mode<synchronous>, transform_indices = @transform_6, window_bounds = array<i64: 128, 128>}, {pipeline_mode = #tpu.pipeline_mode<synchronous>, transform_indices = @transform_7, window_bounds = array<i64: 1, 128>}, {transform_indices = @transform_8, window_bounds = array<i64: 2000, 128>}]} {
    %get3A = arith.constant 0 : index
    %get3A_0 = arith.constant 0 : index
    %get3A_1 = vector.load %arg2[%get3A, %get3A_0] : memref<2000x128xf32, #tpu.memory_space<vmem>>, vector<2000x128xf32>
    %get3A_2 = arith.constant 0 : index
    %get3A_3 = arith.constant 0 : index
    %get3A_4 = vector.load %arg3[%get3A_2, %get3A_3] : memref<2000x128xf32, #tpu.memory_space<vmem>>, vector<2000x128xf32>
    %add3A = arith.addf %get3A_1, %get3A_4 : vector<2000x128xf32>
    %get3A_5 = arith.constant 0 : index
    %get3A_6 = arith.constant 0 : index
    %get3A_7 = vector.load %arg4[%get3A_5, %get3A_6] : memref<2000x16xf32, #tpu.memory_space<vmem>>, vector<2000x1xf32>
    %get3A_8 = arith.constant 0 : index
    %get3A_9 = arith.constant 0 : index
    %get3A_10 = vector.load %arg5[%get3A_8, %get3A_9] : memref<2000x16xf32, #tpu.memory_space<vmem>>, vector<2000x1xf32>
    %add3A_11 = arith.addf %get3A_7, %get3A_10 : vector<2000x1xf32>
    %max3A = arith.constant 1.000000e+00 : f32
    %max3A_12 = vector.broadcast %max3A : f32 to vector<2000x1xf32>
    %max3A_13 = arith.maximumf %add3A_11, %max3A_12 : vector<2000x1xf32>
    %div3A = vector.broadcast %max3A_13 : vector<2000x1xf32> to vector<2000x128xf32>
    %div3A_14 = arith.divf %add3A, %div3A : vector<2000x128xf32>
    %get3A_15 = arith.constant 0 : index
    %get3A_16 = arith.constant 0 : index
    %get3A_17 = vector.load %arg6[%get3A_15, %get3A_16] : memref<128x128xf32, #tpu.memory_space<vmem>>, vector<128x128xf32>
    %dot_general3A = arith.constant dense<0.000000e+00> : vector<2000x128xf32>
    %dot_general3A_18 = tpu.matmul %div3A_14, %get3A_17, %dot_general3A {dimension_numbers = #tpu.dot_dimension_numbers<[1], [0], [0], [1], [0, 0, 1, 1], [], []>, transpose_lhs_hint = false} : vector<2000x128xf32>, vector<128x128xf32>, vector<2000x128xf32> -> vector<2000x128xf32>
    %get3A_19 = arith.constant 0 : index
    %get3A_20 = arith.constant 0 : index
    %get3A_21 = vector.load %arg1[%get3A_19, %get3A_20] : memref<2000x128xf32, #tpu.memory_space<vmem>>, vector<2000x128xf32>
    %get3A_22 = arith.constant 0 : index
    %get3A_23 = arith.constant 0 : index
    %get3A_24 = vector.load %arg7[%get3A_22, %get3A_23] : memref<128x128xf32, #tpu.memory_space<vmem>>, vector<128x128xf32>
    %dot_general3A_25 = arith.constant dense<0.000000e+00> : vector<2000x128xf32>
    %dot_general3A_26 = tpu.matmul %get3A_21, %get3A_24, %dot_general3A_25 {dimension_numbers = #tpu.dot_dimension_numbers<[1], [0], [0], [1], [0, 0, 1, 1], [], []>, transpose_lhs_hint = false} : vector<2000x128xf32>, vector<128x128xf32>, vector<2000x128xf32> -> vector<2000x128xf32>
    %add3A_27 = arith.addf %dot_general3A_18, %dot_general3A_26 : vector<2000x128xf32>
    %get3A_28 = arith.constant 0 : index
    %get3A_29 = arith.constant 0 : index
    %get3A_30 = vector.load %arg8[%get3A_28, %get3A_29] : memref<1x128xf32, #tpu.memory_space<vmem>>, vector<1x128xf32>
    %add3A_31 = vector.broadcast %get3A_30 : vector<1x128xf32> to vector<2000x128xf32>
    %add3A_32 = arith.addf %add3A_27, %add3A_31 : vector<2000x128xf32>
    %swap3A = arith.constant 0 : index
    %swap3A_33 = arith.constant 0 : index
    %swap3A_34 = vector.load %arg9[%swap3A, %swap3A_33] : memref<2000x128xf32, #tpu.memory_space<vmem>>, vector<2000x128xf32>
    tpu.vector_store %arg9[%swap3A, %swap3A_33], %add3A_32 {strides = array<i32>} : memref<2000x128xf32, #tpu.memory_space<vmem>>, vector<2000x128xf32>,
    return
  }
  func.func @transform_0(%arg0: i32) -> (i32, i32) {
    %c0_i32 = arith.constant 0 : i32
    %c0_i32_0 = arith.constant 0 : i32
    return %arg0, %c0_i32 : i32, i32
  }
  func.func @transform_1(%arg0: i32) -> (i32, i32) {
    %c0_i32 = arith.constant 0 : i32
    %c0_i32_0 = arith.constant 0 : i32
    return %arg0, %c0_i32 : i32, i32
  }
  func.func @transform_2(%arg0: i32) -> (i32, i32) {
    %c0_i32 = arith.constant 0 : i32
    %c0_i32_0 = arith.constant 0 : i32
    return %arg0, %c0_i32 : i32, i32
  }
  func.func @transform_3(%arg0: i32) -> (i32, i32) {
    %c0_i32 = arith.constant 0 : i32
    %c0_i32_0 = arith.constant 0 : i32
    return %arg0, %c0_i32 : i32, i32
  }
  func.func @transform_4(%arg0: i32) -> (i32, i32) {
    %c0_i32 = arith.constant 0 : i32
    %c0_i32_0 = arith.constant 0 : i32
    return %arg0, %c0_i32 : i32, i32
  }
  func.func @transform_5(%arg0: i32) -> (i32, i32) {
    %c0_i32 = arith.constant 0 : i32
    %c0_i32_0 = arith.constant 0 : i32
    %c0_i32_1 = arith.constant 0 : i32
    return %c0_i32, %c0_i32_0 : i32, i32
  }
  func.func @transform_6(%arg0: i32) -> (i32, i32) {
    %c0_i32 = arith.constant 0 : i32
    %c0_i32_0 = arith.constant 0 : i32
    %c0_i32_1 = arith.constant 0 : i32
    return %c0_i32, %c0_i32_0 : i32, i32
  }
  func.func @transform_7(%arg0: i32) -> (i32, i32) {
    %c0_i32 = arith.constant 0 : i32
    %c0_i32_0 = arith.constant 0 : i32
    %c0_i32_1 = arith.constant 0 : i32
    return %c0_i32, %c0_i32_0 : i32, i32
  }
  func.func @transform_8(%arg0: i32) -> (i32, i32) {
    %c0_i32 = arith.constant 0 : i32
    %c0_i32_0 = arith.constant 0 : i32
    return %arg0, %c0_i32 : i32, i32
  }
}

module attributes {stable_mosaic.version = 14 : i64} {
  func.func @body(%arg0: memref<512x128xf32, #tpu.memory_space<vmem>>, %arg1: memref<512x128xf32, #tpu.memory_space<vmem>>, %arg2: memref<128x128xf32, #tpu.memory_space<vmem>>, %arg3: memref<1x128xf32, #tpu.memory_space<vmem>>, %arg4: memref<128x1xf32, #tpu.memory_space<vmem>>, %arg5: memref<1x1xf32, #tpu.memory_space<vmem>>, %arg6: memref<512x1xf32, #tpu.memory_space<vmem>>) attributes {dimension_semantics = [], scalar_prefetch = 0 : i64, scratch_operands = 0 : i64, tpu.core_type = #tpu.core_type<tc>} {
    %get3A = arith.constant 0 : index
    %get3A_0 = arith.constant 0 : index
    %get3A_1 = vector.load %arg0[%get3A, %get3A_0] : memref<512x128xf32, #tpu.memory_space<vmem>>, vector<512x128xf32>
    %get3A_2 = arith.constant 0 : index
    %get3A_3 = arith.constant 0 : index
    %get3A_4 = vector.load %arg1[%get3A_2, %get3A_3] : memref<512x128xf32, #tpu.memory_space<vmem>>, vector<512x128xf32>
    %mul3A = arith.mulf %get3A_1, %get3A_4 : vector<512x128xf32>
    %get3A_5 = arith.constant 0 : index
    %get3A_6 = arith.constant 0 : index
    %get3A_7 = vector.load %arg2[%get3A_5, %get3A_6] : memref<128x128xf32, #tpu.memory_space<vmem>>, vector<128x128xf32>
    %dot_general3A = arith.constant dense<0.000000e+00> : vector<512x128xf32>
    %dot_general3A_8 = tpu.matmul %mul3A, %get3A_7, %dot_general3A {dimension_numbers = #tpu.dot_dimension_numbers<[1], [0], [0], [1], [0, 0, 1, 1], [], []>, transpose_lhs_hint = false} : vector<512x128xf32>, vector<128x128xf32>, vector<512x128xf32> -> vector<512x128xf32>
    %get3A_9 = arith.constant 0 : index
    %get3A_10 = arith.constant 0 : index
    %get3A_11 = vector.load %arg3[%get3A_9, %get3A_10] : memref<1x128xf32, #tpu.memory_space<vmem>>, vector<1x128xf32>
    %add3A = vector.broadcast %get3A_11 : vector<1x128xf32> to vector<512x128xf32>
    %add3A_12 = arith.addf %dot_general3A_8, %add3A : vector<512x128xf32>
    %max3A = arith.constant 0.000000e+00 : f32
    %max3A_13 = vector.broadcast %max3A : f32 to vector<512x128xf32>
    %max3A_14 = arith.maximumf %add3A_12, %max3A_13 : vector<512x128xf32>
    %get3A_15 = arith.constant 0 : index
    %get3A_16 = arith.constant 0 : index
    %get3A_17 = vector.load %arg4[%get3A_15, %get3A_16] : memref<128x1xf32, #tpu.memory_space<vmem>>, vector<128x1xf32>
    %dot_general3A_18 = arith.constant dense<0.000000e+00> : vector<512x1xf32>
    %dot_general3A_19 = tpu.matmul %max3A_14, %get3A_17, %dot_general3A_18 {dimension_numbers = #tpu.dot_dimension_numbers<[1], [0], [0], [1], [0, 0, 1, 1], [], []>, transpose_lhs_hint = false} : vector<512x128xf32>, vector<128x1xf32>, vector<512x1xf32> -> vector<512x1xf32>
    %get3A_20 = arith.constant 0 : index
    %get3A_21 = arith.constant 0 : index
    %get3A_22 = vector.load %arg5[%get3A_20, %get3A_21] : memref<1x1xf32, #tpu.memory_space<vmem>>, vector<1x1xf32>
    %add3A_23 = vector.broadcast %get3A_22 : vector<1x1xf32> to vector<512x1xf32>
    %add3A_24 = arith.addf %dot_general3A_19, %add3A_23 : vector<512x1xf32>
    %swap3A = arith.constant 0 : index
    %swap3A_25 = arith.constant 0 : index
    %swap3A_26 = vector.load %arg6[%swap3A, %swap3A_25] : memref<512x1xf32, #tpu.memory_space<vmem>>, vector<512x1xf32>
    tpu.vector_store %arg6[%swap3A, %swap3A_25], %add3A_24 {strides = array<i32>} : memref<512x1xf32, #tpu.memory_space<vmem>>, vector<512x1xf32>,
    return
  }
}

</mosaic_0001>

<sc_bundles>
// kernel: kernel.12.cloned.1.call-start
scs
__scs_entry_jumppad:
0x0: {  	(pc) =	sbr.rel $0x88, $3  }
0x1: {  	(tag) =	ssettag $0x0;
	lr =	simm.s32 $0x1  }
0x2: {  	[smem:$0x3F90] =	sst lr;
	_ =	strace $0xD0000000  }
0x3: {  	_ = 	snop  }
0x4: {  	_ = 	snop  }
0x5: {  	_ = 	snop  }
0x6: {  	_ = 	snop  }
0x7: {  	_ = 	snop  }
__scs_overlays_trampoline_lowered:
0x8: {  	[smem:$0x3F9F] =	sst s0  }
0x9: {  	[smem:$0x3FA0] =	sst s1  }
0xa: {  	[smem:$0x3FA1] =	sst s2  }
0xb: {  	[smem:$0x3FA2] =	sst s3  }
0xc: {  	[smem:$0x3FA3] =	sst s4  }
0xd: {  	[smem:$0x3FA4] =	sst s5  }
0xe: {  	[smem:$0x3FA5] =	sst s6  }
0xf: {  	[smem:$0x3FA6] =	sst s7  }
0x10: {  	[smem:$0x3FA7] =	sst s8  }
0x11: {  	[smem:$0x3FA8] =	sst s9;
	s0 =	simm.s32 @!p0 $0x0  }
0x12: {  	s1 =	sld [smem:$0x3F8E];
	s0 =	simm.s32 @p0 $0x1  }
0x13: {  	[smem:$0x3FA9] =	sst s0;
	s0 =	simm.s32 @!p1 $0x0  }
0x14: {  	s2 =	sld [smem:$0x3F8D];
	s0 =	simm.s32 @p1 $0x1  }
0x15: {  	[smem:$0x3FAA] =	sst s0;
	s0 =	simm.s32 @!p2 $0x0  }
0x16: {  	s3 =	sld [smem:$0x3FDB];
	s0 =	simm.s32 @p2 $0x1  }
0x17: {  	s4 =	simm.s32 $0x1BF5;
	[smem:$0x3FAC] =	sst s0  }
0x18: {  	s0 =	sld [smem:$0x3F8F];
	_ =	swait.ge [sflag:s4], $0x0  }
0x19: {  	s7 =	sld [smem:$0x3F90]  }
0x1a: {  	s8 =	sadd.s32 $0xFFFFE003, lr  }
0x1b: {  	s9 =	sadd.s32 $0xFFFFFEF7, lr;
	s5 =	simm.s32 $0xFFFFFFFF;
	p2 =	slt.u32 s8, $0xFFFFF086  }
0x1c: {  	p1 =	slt.u32 s9, $0xF7A;
	s5 =	simm.s32 @!p2 $0x0  }
0x1d: {  	s5 =	simm.s32 @p1 $0x1;
	p0 =	seq.s32 s7, s2  }
0x1e: {  	s7 =	smul.u32 @!p0 $0xF7A, s2;
	p2 =	seq.s32 @!p0 s5, $0x0  }
0x1f: {  	s9 =	smul.u32 $0xF7A, s1;
	s8 =	simm.s32 @!p0 $0x1BF5;
	p2 =	por !p2, p0  }
0x20: {  	[sflag:s8] =	ssyncset.s32 @!p0 $0xFFFFF086;
	s6 =	sadd.s32 @!p0 s3, s7;
	s7 =	simm.s32 @!p0 $0x108  }
0x21: {  	s3 =	sadd.s32 s3, s9;
	s6 =	sadd.s32 @!p0 $0x88, s6;
	s7 =	simm.s32 @p2 $0x1082  }
0x22: {  	[simem:s7], [sflag:s8] =	dma.local @!p0 [hbm:s6], $0xF7A  }
0x23: {  	s9 =	sor.u32 $0xD0000000, s2;
	s6 =	simm.s32 $0x108;
	_ =	swait.ge @!p0 [sflag:s8], $0x0  }
0x24: {  	s3 =	sadd.s32 $0x88, s3;
	s6 =	simm.s32 @!p1 $0x1082;
	[sflag:s4] =	ssyncset.s32 $0xFFFFF086  }
0x25: {  	[simem:s6], [sflag:s4] =	dma.local [hbm:s3], $0xF7A  }
0x26: {  	[smem:$0x3F90] =	sst s1;
	(tag) =	ssettag s2;
	_ =	strace s9  }
0x27: {  	s1 =	sld [smem:$0x3FA0]  }
0x28: {  	s2 =	sld [smem:$0x3FA1]  }
0x29: {  	s4 =	sld [smem:$0x3FA3]  }
0x2a: {  	p0 =	seq.s32 s5, $0x0;
	s5 =	sld [smem:$0x3FA4]  }
0x2b: {  	s6 =	sld [smem:$0x3FA5]  }
0x2c: {  	s7 =	sld [smem:$0x3FA6]  }
0x2d: {  	s3 =	simm.s32 $0x108;
	s8 =	sld [smem:$0x3FA7]  }
0x2e: {  	s3 =	simm.s32 @!p0 $0x1082;
	s9 =	sld [smem:$0x3FA8]  }
0x2f: {  	lr =	sadd.s32 s0, s3;
	s0 =	sld [smem:$0x3F9F]  }
0x30: {  	s3 =	sld [smem:$0x3FA2]  }
0x31: {  	[smem:$0x3FAB] =	sst s10  }
0x32: {  	s10 =	sld [smem:$0x3FA9];
	_ =	sdelay $0x3  }
0x33: {  	p0 =	seq.s32 s10, $0x1;
	s10 =	sld [smem:$0x3FAB];
	_ =	sdelay $0x3  }
0x34: {  	[smem:$0x3FAB] =	sst s10  }
0x35: {  	s10 =	sld [smem:$0x3FAA];
	_ =	sdelay $0x3  }
0x36: {  	p1 =	seq.s32 s10, $0x1;
	s10 =	sld [smem:$0x3FAB];
	_ =	sdelay $0x3  }
0x37: {  	[smem:$0x3FAB] =	sst s10  }
0x38: {  	s10 =	sld [smem:$0x3FAC]  }
0x39: {  	_ = 	snop;
	(pc) =	sbr.ind lr, $3  }
0x3a: {  	_ = 	snop  }
0x3b: {  	_ = 	snop  }
0x3c: {  	p2 =	seq.s32 s10, $0x1;
	s10 =	sld [smem:$0x3FAB]  }
0x3d: {  	_ =	shalt  }
0x3e: {  	_ =	shalt  }
0x3f: {  	_ =	shalt  }
0x40: {  	_ =	shalt  }
0x41: {  	_ =	shalt  }
0x42: {  	_ =	shalt  }
0x43: {  	_ =	shalt  }
0x44: {  	_ =	shalt  }
0x45: {  	_ =	shalt  }
0x46: {  	_ =	shalt  }
0x47: {  	_ =	shalt  }
0x48: {  	_ =	shalt  }
0x49: {  	_ =	shalt  }
0x4a: {  	_ =	shalt  }
0x4b: {  	_ =	shalt  }
0x4c: {  	_ =	shalt  }
0x4d: {  	_ =	shalt  }
0x4e: {  	_ =	shalt  }
0x4f: {  	_ =	shalt  }
0x50: {  	_ =	shalt  }
0x51: {  	_ =	shalt  }
0x52: {  	_ =	shalt  }
0x53: {  	_ =	shalt  }
0x54: {  	_ =	shalt  }
0x55: {  	_ =	shalt  }
0x56: {  	_ =	shalt  }
0x57: {  	_ =	shalt  }
0x58: {  	_ =	shalt  }
0x59: {  	_ =	shalt  }
0x5a: {  	_ =	shalt  }
0x5b: {  	_ =	shalt  }
0x5c: {  	_ =	shalt  }
0x5d: {  	_ =	shalt  }
0x5e: {  	_ =	shalt  }
0x5f: {  	_ =	shalt  }
0x60: {  	_ =	shalt  }
0x61: {  	_ =	shalt  }
0x62: {  	_ =	shalt  }
0x63: {  	_ =	shalt  }
0x64: {  	_ =	shalt  }
0x65: {  	_ =	shalt  }
0x66: {  	_ =	shalt  }
0x67: {  	_ =	shalt  }
0x68: {  	_ =	shalt  }
0x69: {  	_ =	shalt  }
0x6a: {  	_ =	shalt  }
0x6b: {  	_ =	shalt  }
0x6c: {  	_ =	shalt  }
0x6d: {  	_ =	shalt  }
0x6e: {  	_ =	shalt  }
0x6f: {  	_ =	shalt  }
0x70: {  	_ =	shalt  }
0x71: {  	_ =	shalt  }
0x72: {  	_ =	shalt  }
0x73: {  	_ =	shalt  }
0x74: {  	_ =	shalt  }
0x75: {  	_ =	shalt  }
0x76: {  	_ =	shalt  }
0x77: {  	_ =	shalt  }
0x78: {  	_ =	shalt  }
0x79: {  	_ =	shalt  }
0x7a: {  	_ =	shalt  }
0x7b: {  	_ =	shalt  }
0x7c: {  	_ =	shalt  }
0x7d: {  	_ =	shalt  }
0x7e: {  	_ =	shalt  }
0x7f: {  	_ =	shalt  }
0x80: {  	_ =	shalt  }
0x81: {  	_ =	shalt  }
0x82: {  	_ =	shalt  }
0x83: {  	_ =	shalt  }
0x84: {  	_ =	shalt  }
0x85: {  	_ =	shalt  }
0x86: {  	_ =	shalt  }
0x87: {  	_ =	shalt  }
.Lfunc_end0:
.L_simem_size_0:
called_computation_lowered:
.L_overlay_start_0:
0x88: {  	s2 =	sld [smem:$0x3FD9]  }
0x89: {  	s3 =	sld [smem:$0x3FFE];
	_ =	sdelay $0x1  }
0x8a: {  	s1 =	srdreg.scid  }
0x8b: {  	s0 =	sand.u32 $0x1, s1  }
0x8c: {  	s17 =	sshll.u32 s0, $0xA;
	s2 =	sadd.s32 s3, s2  }
0x8d: {  	s2 =	sadd.s32 s2, s17  }
0x8e: {  	[smem:$0x3FB7] =	sst s2  }
0x8f: {  	_ = 	snop  }
0x90: {  	(tm) =	ssettm $0x1  }
0x91: {  	s18 =	sld [smem:$0x3FFB];
	_ =	sdelay $0x3  }
0x92: {  	_ =	strace s18  }
0x93: {  	s2 =	sld [smem:$0x3FFC];
	_ =	sdelay $0x3  }
0x94: {  	_ =	strace s2  }
0x95: {  	s2 =	sld [smem:$0x3FFD];
	_ =	sdelay $0x3  }
0x96: {  	_ =	strace s2  }
0x97: {  	_ =	strace $0x8FFFFFFF  }
0x98: {  	s19 =	sld [smem:$0x3FDB];
	_ =	sdelay $0x1  }
0x99: {  	s20 =	simm.s32 $_scs_section_size  }
0x9a: {  	s4 =	simm.s32 $_size__tile_overlayer_lowered;
	s5 =	simm.s32 $_tile_overlayer_lowered  }
0x9b: {  	s6 =	simm.s32 $0x1BFF;
	s21 =	sshll.u32 s5, $0x1;
	s3 =	sadd.s32 s20, s19  }
0x9c: {  	s22 =	simm.s32 $0x0;
	s4 =	sshll.u32 s4, $0x1;
	s5 =	sadd.s32 s21, s3  }
0x9d: {  	[timem:s22], [sflag:s6] =	dma.local [hbm:s5], s4  }
0x9e: {  	_ =	swait.ge [sflag:s6], s4  }
0x9f: {  	s4 =	ssub.s32 $0x0, s4;
	[sflag:s6] =	ssyncset.done $0x0  }
0xa0: {  	[sflag:s6] =	ssyncadd.s32 s4;
	_ =	sdelay $0x1  }
0xa1: {  	s23 =	simm.s32 $0x1B8B  }
0xa2: {  	_ =	swait.ge [sflag:s23], $0x1  }
0xa3: {  	[sflag:s23] =	ssyncset.done $0x0  }
0xa4: {  	[sflag:s23] =	ssyncadd.s32 $0xFFFFFFFF  }
0xa5: {  	s4 =	sld [smem:$0x0]  }
0xa6: {  	s5 =	sand.u32 $0xFFFFFFFE, s1  }
0xa7: {  	p0 =	sne.s32 s1, s5  }
0xa8: {  	s5 =	sshll.u32 @p0 s5, $0xE  }
0xa9: {  	s5 =	sadd.s32 @p0 $0x11B8D, s5;
	s6 =	sshll.u32 @p0 s4, $0x11  }
0xaa: {  	s5 =	sor.u32 @p0 s6, s5  }
0xab: {  	[sflag:s5] =	ssyncadd.remote.s32 @p0 $0x1;
	_ =	sdelay $0x1  }
0xac: {  	s5 =	simm.s32 @p0 $0x1B8D  }
0xad: {  	_ =	swait.eq @p0 [sflag:s5], $0x1  }
0xae: {  	[sflag:s5] =	ssyncadd.s32 @p0 $0xFFFFFFFF  }
0xaf: {  	s6 =	sshll.u32 @!p0 s1, $0xE  }
0xb0: {  	s6 =	sor.u32 @!p0 $0x4000, s6;
	s5 =	simm.s32 @!p0 $0x1B8D  }
0xb1: {  	s4 =	sshll.u32 @!p0 s4, $0x11;
	s6 =	sadd.s32 @!p0 $0x11B8D, s6;
	_ =	swait.eq @!p0 [sflag:s5], $0x1  }
0xb2: {  	s4 =	sor.u32 @!p0 s4, s6;
	[sflag:s5] =	ssyncadd.s32 @!p0 $0xFFFFFFFF  }
0xb3: {  	s25 =	simm.s32 $0x1B8E;
	s24 =	sld [smem:$0x3FFE];
	[sflag:s4] =	ssyncadd.remote.s32 @!p0 $0x1  }
0xb4: {  	s26 =	simm.s32 $execute0_lowered;
	[smem:$0x3FD2] =	sst s25  }
0xb5: {  	s5 =	sshll.u32 s26, $0x1;
	_ =	strace $0x80000049;
	[dreg:$0x1] =	wrdreg $0xFFFFFFFF  }
0xb6: {  	s28 =	simm.s32 $_size_execute0_lowered;
	s3 =	sadd.s32 s3, s5;
	[dreg:$0x0] =	wrdreg $0x0  }
0xb7: {  	s5 =	sshll.u32 s28, $0x1;
	[dreg:$0x2] =	wrdreg s3  }
0xb8: {  	[dreg:$0x3] =	wrdreg s5  }
0xb9: {  	[dreg:$0x4] =	wrdreg $0xC0  }
0xba: {  	_ =	task [dreg:s22], $0x5FFFF  }
0xbb: {  	[dreg:$0x1] =	wrdreg $0xFFFFFFFF  }
0xbc: {  	[dreg:$0x0] =	wrdreg $0x60  }
0xbd: {  	[dreg:$0x2] =	wrdreg s24  }
0xbe: {  	[dreg:$0x3] =	wrdreg $0x30700  }
0xbf: {  	[dreg:$0x4] =	wrdreg $0x9  }
0xc0: {  	_ =	task.clear_ibuf [dreg:s22], $0x5FFFF;
	_ =	strace $0x90000049  }
0xc1: {  	s29 =	simm.s32 $0x9;
	_ =	strace $0x8000004B  }
0xc2: {  	_ =	swait.ge [sflag:s29], $0x1  }
0xc3: {  	[sflag:s29] =	ssyncadd.s32 $0xFFFFFFFF  }
0xc4: {  	_ =	strace $0x9000004B  }
0xc5: {  	_ =	sfence  }
0xc6: {  	s30 =	sld [smem:$0x0];
	_ =	sdelay $0x2  }
0xc7: {  	s31 =	sshll.u32 s1, $0xD;
	s1 =	sshrl.u32 s1, $0x2  }
0xc8: {  	s4 =	sand.u32 $0x4000, s31;
	s1 =	sadd.s32 s1, s30  }
0xc9: {  	s0 =	sor.u32 s4, s0;
	s1 =	sshll.u32 s1, $0x11  }
0xca: {  	s0 =	sor.u32 s1, s0  }
0xcb: {  	s0 =	sadd.s32 $0x8F2B, s0  }
0xcc: {  	[sflag:s0] =	ssyncadd.remote.s32 $0x1  }
0xcd: {  	_ =	sfence.sel $0xFFFF  }
0xce: {  	[dreg:$0x0] =	wrdreg $0xFFFFFFFF;
	(pc) =	sbr.abs _section_cstart, $3  }
0xcf: {  	[dreg:$0x1] =	wrdreg $0xFFFFFFFF  }
0xd0: {  	_ =	task.clear_ibuf [dreg:s22], $0x2FFFF;
	_ =	strace $0x9FFFFFFF  }
0xd1: {  	(tm) =	ssettm $0x7FFFFFFF  }
tec
execute0_lowered:
.L_overlay_start_1:
0x0: {  	(tag) =	ssettag $0x1  }
0x1: {  	s4 =	rddreg [dreg:$0x0]  }
0x2: {  	s2 =	rddreg [dreg:$0x1];
	s3 =	srdreg.scid  }
0x3: {  	s0 =	rddreg [dreg:$0x2];
	s1 =	stileid.u32  }
0x4: {  	s10 =	simm.s32 $0x64;
	s11 =	simm.s32 $0x28A0;
	s8 =	smul.u32 $0x2710, s1  }
0x5: {  	s12 =	simm.s32 $0x0;
	s5 =	sand.u32 $0x1, s3;
	s31 =	smul.u32 $0x9C40, s1  }
0x6: {  	s3 =	simm.s32 $0x0;
	s6 =	sshll.u32 s1, $0x1;
	s7 =	smul.u32 $0x27100, s5  }
0x7: {  	[smem:$0x7FF] =	sst s3;
	s6 =	sor.u32 s5, s6;
	s5 =	ssub.s32 $0x2, s5  }
0x8: {  	_ =	strace $0x8000004A;
	s6 =	smul.u32 $0x514, s6;
	s9 =	sshrl.u32 s5, $0x1  }
0x9: {  	s7 =	sadd.s32 s8, s7;
	s5 =	ssub.s32 s5, s9;
	s8 =	sshrl.u32 s31, $0x2  }
0xa: {  	s9 =	simm.s32 $0x2EE0;
	s6 =	sadd.s32 s6, s4;
	s7 =	sshrl.u32 s7, $0x3  }
0xb: {  	s5 =	smax.u32 s5, $0x1;
	s7 =	sadd.s32 s7, s4;
	s4 =	sadd.s32 $0x2B800, s6  }
0xc: {  	v0 =	vimm.f32 $1.000000000e+00;
	v1 =	vimm.f32 $0.0e+00;
	s6 =	sadd.s32 s8, s2;
	s8 =	simm.s32 $0x1;
	s7 =	sadd.s32 $0x35C00, s7  }
.LBB2_1:
0xd: {  	[tilespmem:s3], [sflag:$0x1] =	stream.linear.gather [hbm4b:s4+s3], $0x28A0, $0x38;
	[tilespmem:$0x5780] =	vst v63  }
0xe: {  	_ =	swait.ge [sflag:s8], $0x28A0  }
0xf: {  	[sflag:s8] =	ssyncset.done $0x0  }
0x10: {  	s13 =	simm.s32 $0x40;
	s14 =	simm.s32 $0x0;
	[sflag:s8] =	ssyncadd.s32 $0xFFFFD760  }
.LBB2_2:
0x11: {  	p0 =	sne.s32 s13, $0x18C0;
	[tilespmem:s14+$0x28A0] =	vst v0;
	s14 =	smov.u32 s13;
	s13 =	sadd.s32 $0x40, s13  }
.Ltmp0:
0x12: {  	(pc) =	sbr.rel @p0 .LBB2_2-.Ltmp0, $2  }
0x13: {  	_ =	sdelay $0x2  }
0x14: {  	s14 =	sshra.s32 s14, $0x2  }
0x15: {  	[tilespmem:s14+$0x28A0] =	vst v0  }
0x16: {  	[tilespmem:$0x2EE0] =	vst v1  }
0x17: {  	[tilespmem:$0x2EF0] =	vst v1  }
0x18: {  	[tilespmem:$0x2F00] =	vst v1  }
0x19: {  	[tilespmem:$0x2F10] =	vst v1  }
0x1a: {  	[tilespmem:$0x2F20] =	vst v1  }
0x1b: {  	[tilespmem:$0x2F30] =	vst v1  }
0x1c: {  	[tilespmem:$0x2F40] =	vst v1  }
0x1d: {  	[tilespmem:$0x2F50] =	vst v1  }
0x1e: {  	[tilespmem:$0x2F60] =	vst v1  }
0x1f: {  	[tilespmem:$0x2F70] =	vst v1  }
0x20: {  	[tilespmem:$0x2F80] =	vst v1  }
0x21: {  	[tilespmem:$0x2F90] =	vst v1  }
0x22: {  	[tilespmem:$0x2FA0] =	vst v1  }
0x23: {  	[tilespmem:$0x2FB0] =	vst v1  }
0x24: {  	[tilespmem:$0x2FC0] =	vst v1  }
0x25: {  	[tilespmem:$0x2FD0] =	vst v1  }
0x26: {  	[tilespmem:$0x2FE0] =	vst v1  }
0x27: {  	[tilespmem:$0x2FF0] =	vst v1  }
0x28: {  	[tilespmem:$0x3000] =	vst v1  }
0x29: {  	[tilespmem:$0x3010] =	vst v1  }
0x2a: {  	[tilespmem:$0x3020] =	vst v1  }
0x2b: {  	[tilespmem:$0x3030] =	vst v1  }
0x2c: {  	[tilespmem:$0x3040] =	vst v1  }
0x2d: {  	[tilespmem:$0x3050] =	vst v1  }
0x2e: {  	s13 =	sadd.s32 $0x0, s6;
	[tilespmem:$0x3060] =	vst v1  }
0x2f: {  	[spmem:s13] =	stream.linear.scatter [tilespmem:s9], [sflag:$0x1], $0x190, $0x38;
	[tilespmem:$0x5780] =	vst v63  }
0x30: {  	s13 =	simm.s32 $0x640;
	_ =	swait.ge [sflag:s8], $0x190  }
.LBB2_4:
0x31: {  	s14 =	sshra.s32 s13, $0x2;
	[sflag:s8] =	ssyncset.done $0x0;
	p0 =	sne.s32 s13, $0x9600  }
.Ltmp1:
0x32: {  	s14 =	sadd.s32 s14, s6;
	[sflag:s8] =	ssyncadd.s32 $0xFFFFFE70;
	(pc) =	sbr.rel @p0 .LBB2_4-.Ltmp1, $3  }
0x33: {  	[spmem:s14] =	stream.linear.scatter [tilespmem:s9], [sflag:$0x1], $0x190, $0x38;
	[tilespmem:$0x5780] =	vst v63  }
0x34: {  	s13 =	sadd.s32 $0x640, s13;
	_ =	sdelay $0x1  }
0x35: {  	_ =	swait.ge [sflag:s8], $0x190  }
0x36: {  	[sflag:s8] =	ssyncset.done $0x0  }
0x37: {  	[sflag:s8] =	ssyncadd.s32 $0xFFFFFE70  }
0x38: {  	s13 =	simm.s32 $0x0;
	[bflag:$0x0] =	sbarrier.arrive $0xFFFF  }
0x39: {  	[spmem:s2] =	stream.indirect.scatter.add.f32 [tilespmem:s11], [sflag:$0x1], $0x10, s13, s10, $0xb8;
	[tilespmem:$0x5780] =	vst v63  }
0x3a: {  	_ =	swait.ge [sflag:s8], $0x640  }
0x3b: {  	s13 =	simm.s32 $0x1A0;
	[sflag:s8] =	ssyncset.done $0x0  }
.LBB2_6:
0x3c: {  	s14 =	sshra.s32 s13, $0x2;
	[sflag:s8] =	ssyncadd.s32 $0xFFFFF9C0;
	p0 =	sne.s32 s13, $0xA0E0  }
0x3d: {  	[spmem:s2] =	stream.indirect.scatter.add.f32 [tilespmem:s11], [sflag:$0x1], $0x10, s14, s10, $0xb8;
	[tilespmem:$0x5780] =	vst v63  }
.Ltmp2:
0x3e: {  	_ = 	snop;
	(pc) =	sbr.rel @p0 .LBB2_6-.Ltmp2, $4  }
0x3f: {  	_ = 	snop  }
0x40: {  	s13 =	sadd.s32 $0x1A0, s13  }
0x41: {  	_ =	swait.ge [sflag:s8], $0x640  }
0x42: {  	[sflag:s8] =	ssyncset.done $0x0  }
0x43: {  	[sflag:s8] =	ssyncadd.s32 $0xFFFFF9C0  }
0x44: {  	[bflag:$0x0] =	sbarrier.arrive $0xFFFF  }
0x45: {  	[tilespmem:s9], [sflag:$0x1] =	stream.linear.gather [spmem:s6], $0x190, $0x38;
	[tilespmem:$0x5780] =	vst v63  }
0x46: {  	_ =	swait.ge [sflag:s8], $0x190  }
0x47: {  	[sflag:s8] =	ssyncset.done $0x0  }
0x48: {  	s13 =	sadd.s32 $0x0, s7;
	[sflag:s8] =	ssyncadd.s32 $0xFFFFFE70  }
0x49: {  	[hbm4b:s13+s3] =	stream.linear.scatter [tilespmem:s9], [sflag:$0x1], $0x190, $0x38;
	[tilespmem:$0x5780] =	vst v63  }
0x4a: {  	_ =	swait.ge [sflag:s8], $0x190  }
0x4b: {  	s14 =	smov.u32 s6;
	s13 =	simm.s32 $0x32;
	[sflag:s8] =	ssyncset.done $0x0  }
.LBB2_8:
0x4c: {  	p0 =	sne.s32 s13, $0x4B0;
	[sflag:s8] =	ssyncadd.s32 $0xFFFFFE70;
	s14 =	sadd.s32 $0x190, s14  }
0x4d: {  	[tilespmem:s9], [sflag:$0x1] =	stream.linear.gather [spmem:s14], $0x190, $0x38;
	[tilespmem:$0x5780] =	vst v63  }
0x4e: {  	s15 =	smov.u32 s13;
	s13 =	sadd.s32 $0x32, s13;
	_ =	swait.ge [sflag:s8], $0x190  }
.Ltmp3:
0x4f: {  	[sflag:s8] =	ssyncset.done $0x0;
	(pc) =	sbr.rel @p0 .LBB2_8-.Ltmp3, $4  }
0x50: {  	s15 =	sadd.s32 s15, s7;
	[sflag:s8] =	ssyncadd.s32 $0xFFFFFE70  }
0x51: {  	[hbm4b:s15+s3] =	stream.linear.scatter [tilespmem:s9], [sflag:$0x1], $0x190, $0x38;
	[tilespmem:$0x5780] =	vst v63  }
0x52: {  	_ =	swait.ge [sflag:s8], $0x190  }
0x53: {  	[sflag:s8] =	ssyncset.done $0x0  }
0x54: {  	s12 =	sadd.s32 $0x1, s12  }
0x55: {  	p0 =	sne.s32 s12, s5  }
.Ltmp4:
0x56: {  	_ = 	snop;
	(pc) =	sbr.rel @p0 .LBB2_1-.Ltmp4, $2  }
0x57: {  	_ =	sdelay $0x2  }
0x58: {  	[sflag:s8] =	ssyncadd.s32 $0xFFFFFE70  }
0x59: {  	_ =	sfence.sel $0x180000  }
0x5a: {  	[bflag:$0x0] =	sbarrier.arrive $0xFFFF  }
0x5b: {  	p0 =	sne.s32 s1, $0x0;
	_ =	strace $0x9000004A  }
0x5c: {  	s0 =	sadd.s32 @!p0 $0x100000, s0;
	[bflag:$0x2] =	sbarrier.arrive $0xFFFF  }
0x5d: {  	[sflag:s0] =	ssyncadd.tile.s32 @!p0 $0x1;
	_ =	shalt  }
.Lfunc_end2:
_tile_overlayer_lowered:
.L_overlay_start_2:
0x5e: {  	(tag) =	ssettag $0x2  }
0x5f: {  	s0 =	rddreg [dreg:$0x0];
	s2 =	stileid.u32  }
0x60: {  	s1 =	rddreg [dreg:$0x1];
	p0 =	sne.s32 s2, $0x0  }
0x61: {  	s3 =	rddreg [dreg:$0x2];
	[bflag:$0x3] =	sbarrier.arrive $0xFFFF;
	s2 =	simm.s32 @!p0 $0x1C01  }
0x62: {  	[timem:s3], [sflag:s2] =	dma.local @!p0 [hbm:s0], s1  }
0x63: {  	s0 =	simm.s32 @!p0 $0x1  }
0x64: {  	_ =	swait.ge @!p0 [sflag:s0], s1  }
0x65: {  	s1 =	ssub.s32 @!p0 $0x0, s1;
	[sflag:s0] =	ssyncset.done @!p0 $0x0  }
0x66: {  	[sflag:s0] =	ssyncadd.s32 @!p0 s1  }
0x67: {  	[bflag:$0x3] =	sbarrier.arrive $0xFFFF  }
0x68: {  	_ =	shalt  }

// kernel: kernel.15.cloned.1.call-start
scs
__scs_entry_jumppad:
0x0: {  	(pc) =	sbr.rel $0x88, $3  }
0x1: {  	(tag) =	ssettag $0x0;
	lr =	simm.s32 $0x1  }
0x2: {  	[smem:$0x3F90] =	sst lr;
	_ =	strace $0xD0000000  }
0x3: {  	_ = 	snop  }
0x4: {  	_ = 	snop  }
0x5: {  	_ = 	snop  }
0x6: {  	_ = 	snop  }
0x7: {  	_ = 	snop  }
__scs_overlays_trampoline_lowered:
0x8: {  	[smem:$0x3F9F] =	sst s0  }
0x9: {  	[smem:$0x3FA0] =	sst s1  }
0xa: {  	[smem:$0x3FA1] =	sst s2  }
0xb: {  	[smem:$0x3FA2] =	sst s3  }
0xc: {  	[smem:$0x3FA3] =	sst s4  }
0xd: {  	[smem:$0x3FA4] =	sst s5  }
0xe: {  	[smem:$0x3FA5] =	sst s6  }
0xf: {  	[smem:$0x3FA6] =	sst s7  }
0x10: {  	[smem:$0x3FA7] =	sst s8  }
0x11: {  	[smem:$0x3FA8] =	sst s9;
	s0 =	simm.s32 @!p0 $0x0  }
0x12: {  	s1 =	sld [smem:$0x3F8E];
	s0 =	simm.s32 @p0 $0x1  }
0x13: {  	[smem:$0x3FA9] =	sst s0;
	s0 =	simm.s32 @!p1 $0x0  }
0x14: {  	s2 =	sld [smem:$0x3F8D];
	s0 =	simm.s32 @p1 $0x1  }
0x15: {  	[smem:$0x3FAA] =	sst s0;
	s0 =	simm.s32 @!p2 $0x0  }
0x16: {  	s3 =	sld [smem:$0x3FDB];
	s0 =	simm.s32 @p2 $0x1  }
0x17: {  	s4 =	simm.s32 $0x1BF5;
	[smem:$0x3FAC] =	sst s0  }
0x18: {  	s0 =	sld [smem:$0x3F8F];
	_ =	swait.ge [sflag:s4], $0x0  }
0x19: {  	s7 =	sld [smem:$0x3F90]  }
0x1a: {  	s8 =	sadd.s32 $0xFFFFE003, lr  }
0x1b: {  	s9 =	sadd.s32 $0xFFFFFEF7, lr;
	s5 =	simm.s32 $0xFFFFFFFF;
	p2 =	slt.u32 s8, $0xFFFFF086  }
0x1c: {  	p1 =	slt.u32 s9, $0xF7A;
	s5 =	simm.s32 @!p2 $0x0  }
0x1d: {  	s5 =	simm.s32 @p1 $0x1;
	p0 =	seq.s32 s7, s2  }
0x1e: {  	s7 =	smul.u32 @!p0 $0xF7A, s2;
	p2 =	seq.s32 @!p0 s5, $0x0  }
0x1f: {  	s9 =	smul.u32 $0xF7A, s1;
	s8 =	simm.s32 @!p0 $0x1BF5;
	p2 =	por !p2, p0  }
0x20: {  	[sflag:s8] =	ssyncset.s32 @!p0 $0xFFFFF086;
	s6 =	sadd.s32 @!p0 s3, s7;
	s7 =	simm.s32 @!p0 $0x108  }
0x21: {  	s3 =	sadd.s32 s3, s9;
	s6 =	sadd.s32 @!p0 $0x88, s6;
	s7 =	simm.s32 @p2 $0x1082  }
0x22: {  	[simem:s7], [sflag:s8] =	dma.local @!p0 [hbm:s6], $0xF7A  }
0x23: {  	s9 =	sor.u32 $0xD0000000, s2;
	s6 =	simm.s32 $0x108;
	_ =	swait.ge @!p0 [sflag:s8], $0x0  }
0x24: {  	s3 =	sadd.s32 $0x88, s3;
	s6 =	simm.s32 @!p1 $0x1082;
	[sflag:s4] =	ssyncset.s32 $0xFFFFF086  }
0x25: {  	[simem:s6], [sflag:s4] =	dma.local [hbm:s3], $0xF7A  }
0x26: {  	[smem:$0x3F90] =	sst s1;
	(tag) =	ssettag s2;
	_ =	strace s9  }
0x27: {  	s1 =	sld [smem:$0x3FA0]  }
0x28: {  	s2 =	sld [smem:$0x3FA1]  }
0x29: {  	s4 =	sld [smem:$0x3FA3]  }
0x2a: {  	p0 =	seq.s32 s5, $0x0;
	s5 =	sld [smem:$0x3FA4]  }
0x2b: {  	s6 =	sld [smem:$0x3FA5]  }
0x2c: {  	s7 =	sld [smem:$0x3FA6]  }
0x2d: {  	s3 =	simm.s32 $0x108;
	s8 =	sld [smem:$0x3FA7]  }
0x2e: {  	s3 =	simm.s32 @!p0 $0x1082;
	s9 =	sld [smem:$0x3FA8]  }
0x2f: {  	lr =	sadd.s32 s0, s3;
	s0 =	sld [smem:$0x3F9F]  }
0x30: {  	s3 =	sld [smem:$0x3FA2]  }
0x31: {  	[smem:$0x3FAB] =	sst s10  }
0x32: {  	s10 =	sld [smem:$0x3FA9];
	_ =	sdelay $0x3  }
0x33: {  	p0 =	seq.s32 s10, $0x1;
	s10 =	sld [smem:$0x3FAB];
	_ =	sdelay $0x3  }
0x34: {  	[smem:$0x3FAB] =	sst s10  }
0x35: {  	s10 =	sld [smem:$0x3FAA];
	_ =	sdelay $0x3  }
0x36: {  	p1 =	seq.s32 s10, $0x1;
	s10 =	sld [smem:$0x3FAB];
	_ =	sdelay $0x3  }
0x37: {  	[smem:$0x3FAB] =	sst s10  }
0x38: {  	s10 =	sld [smem:$0x3FAC]  }
0x39: {  	_ = 	snop;
	(pc) =	sbr.ind lr, $3  }
0x3a: {  	_ = 	snop  }
0x3b: {  	_ = 	snop  }
0x3c: {  	p2 =	seq.s32 s10, $0x1;
	s10 =	sld [smem:$0x3FAB]  }
0x3d: {  	_ =	shalt  }
0x3e: {  	_ =	shalt  }
0x3f: {  	_ =	shalt  }
0x40: {  	_ =	shalt  }
0x41: {  	_ =	shalt  }
0x42: {  	_ =	shalt  }
0x43: {  	_ =	shalt  }
0x44: {  	_ =	shalt  }
0x45: {  	_ =	shalt  }
0x46: {  	_ =	shalt  }
0x47: {  	_ =	shalt  }
0x48: {  	_ =	shalt  }
0x49: {  	_ =	shalt  }
0x4a: {  	_ =	shalt  }
0x4b: {  	_ =	shalt  }
0x4c: {  	_ =	shalt  }
0x4d: {  	_ =	shalt  }
0x4e: {  	_ =	shalt  }
0x4f: {  	_ =	shalt  }
0x50: {  	_ =	shalt  }
0x51: {  	_ =	shalt  }
0x52: {  	_ =	shalt  }
0x53: {  	_ =	shalt  }
0x54: {  	_ =	shalt  }
0x55: {  	_ =	shalt  }
0x56: {  	_ =	shalt  }
0x57: {  	_ =	shalt  }
0x58: {  	_ =	shalt  }
0x59: {  	_ =	shalt  }
0x5a: {  	_ =	shalt  }
0x5b: {  	_ =	shalt  }
0x5c: {  	_ =	shalt  }
0x5d: {  	_ =	shalt  }
0x5e: {  	_ =	shalt  }
0x5f: {  	_ =	shalt  }
0x60: {  	_ =	shalt  }
0x61: {  	_ =	shalt  }
0x62: {  	_ =	shalt  }
0x63: {  	_ =	shalt  }
0x64: {  	_ =	shalt  }
0x65: {  	_ =	shalt  }
0x66: {  	_ =	shalt  }
0x67: {  	_ =	shalt  }
0x68: {  	_ =	shalt  }
0x69: {  	_ =	shalt  }
0x6a: {  	_ =	shalt  }
0x6b: {  	_ =	shalt  }
0x6c: {  	_ =	shalt  }
0x6d: {  	_ =	shalt  }
0x6e: {  	_ =	shalt  }
0x6f: {  	_ =	shalt  }
0x70: {  	_ =	shalt  }
0x71: {  	_ =	shalt  }
0x72: {  	_ =	shalt  }
0x73: {  	_ =	shalt  }
0x74: {  	_ =	shalt  }
0x75: {  	_ =	shalt  }
0x76: {  	_ =	shalt  }
0x77: {  	_ =	shalt  }
0x78: {  	_ =	shalt  }
0x79: {  	_ =	shalt  }
0x7a: {  	_ =	shalt  }
0x7b: {  	_ =	shalt  }
0x7c: {  	_ =	shalt  }
0x7d: {  	_ =	shalt  }
0x7e: {  	_ =	shalt  }
0x7f: {  	_ =	shalt  }
0x80: {  	_ =	shalt  }
0x81: {  	_ =	shalt  }
0x82: {  	_ =	shalt  }
0x83: {  	_ =	shalt  }
0x84: {  	_ =	shalt  }
0x85: {  	_ =	shalt  }
0x86: {  	_ =	shalt  }
0x87: {  	_ =	shalt  }
.Lfunc_end0:
.L_simem_size_0:
called_computation.1_lowered:
.L_overlay_start_0:
0x88: {  	s2 =	sld [smem:$0x3FD9]  }
0x89: {  	s3 =	sld [smem:$0x3FFE];
	_ =	sdelay $0x1  }
0x8a: {  	s1 =	srdreg.scid  }
0x8b: {  	s0 =	sand.u32 $0x1, s1  }
0x8c: {  	s17 =	sshll.u32 s0, $0xA;
	s2 =	sadd.s32 s3, s2  }
0x8d: {  	s2 =	sadd.s32 s2, s17  }
0x8e: {  	[smem:$0x3FB7] =	sst s2  }
0x8f: {  	_ = 	snop  }
0x90: {  	s2 =	sld [smem:$0x3FC9]  }
0x91: {  	s18 =	sld [smem:$0x3FC6];
	(tm) =	ssettm $0x1  }
0x92: {  	s4 =	sld [smem:$0x3FFB];
	_ =	sdelay $0x3  }
0x93: {  	_ =	strace s4  }
0x94: {  	s4 =	sld [smem:$0x3FFC];
	_ =	sdelay $0x3  }
0x95: {  	_ =	strace s4  }
0x96: {  	s4 =	sld [smem:$0x3FFD];
	_ =	sdelay $0x3  }
0x97: {  	_ =	strace s4  }
0x98: {  	_ =	strace $0x8FFFFFFF  }
0x99: {  	s19 =	sld [smem:$0x3FDB];
	_ =	sdelay $0x1  }
0x9a: {  	s5 =	simm.s32 $_scs_section_size  }
0x9b: {  	s6 =	simm.s32 $_size__tile_overlayer_lowered;
	s7 =	simm.s32 $_tile_overlayer_lowered  }
0x9c: {  	s22 =	simm.s32 $0x1BFF;
	s21 =	sshll.u32 s7, $0x1;
	s4 =	sadd.s32 s5, s19  }
0x9d: {  	s8 =	simm.s32 $0x0;
	s20 =	sshll.u32 s6, $0x1;
	s6 =	sadd.s32 s21, s4  }
0x9e: {  	[timem:s8], [sflag:s22] =	dma.local [hbm:s6], s20  }
0x9f: {  	_ =	swait.ge [sflag:s22], s20  }
0xa0: {  	s5 =	ssub.s32 $0x0, s20;
	[sflag:s22] =	ssyncset.done $0x0  }
0xa1: {  	[sflag:s22] =	ssyncadd.s32 s5;
	_ =	sdelay $0x1  }
0xa2: {  	s23 =	simm.s32 $0x1B8B  }
0xa3: {  	_ =	swait.ge [sflag:s23], $0x1  }
0xa4: {  	[sflag:s23] =	ssyncset.done $0x0  }
0xa5: {  	s25 =	simm.s32 $0x1B8E;
	s24 =	sld [smem:$0x3FFE];
	[sflag:s23] =	ssyncadd.s32 $0xFFFFFFFF  }
0xa6: {  	s26 =	simm.s32 $execute0_lowered;
	[smem:$0x3FD2] =	sst s25  }
0xa7: {  	s6 =	sshll.u32 s26, $0x1;
	_ =	strace $0x80000046;
	[dreg:$0x1] =	wrdreg $0xFFFFFFFF  }
0xa8: {  	s28 =	simm.s32 $_size_execute0_lowered;
	s4 =	sadd.s32 s4, s6;
	[dreg:$0x0] =	wrdreg $0x0  }
0xa9: {  	s6 =	sshll.u32 s28, $0x1;
	[dreg:$0x2] =	wrdreg s4  }
0xaa: {  	[dreg:$0x3] =	wrdreg s6  }
0xab: {  	[dreg:$0x4] =	wrdreg $0xC0  }
0xac: {  	_ =	task [dreg:s8], $0x5FFFF  }
0xad: {  	[dreg:$0x1] =	wrdreg $0xFFFFFFFF  }
0xae: {  	[dreg:$0x0] =	wrdreg $0x60  }
0xaf: {  	[dreg:$0x2] =	wrdreg s2  }
0xb0: {  	[dreg:$0x3] =	wrdreg s18  }
0xb1: {  	[dreg:$0x4] =	wrdreg s24  }
0xb2: {  	[dreg:$0x5] =	wrdreg $0xA  }
0xb3: {  	_ =	task.clear_ibuf [dreg:s8], $0x6FFFF;
	_ =	strace $0x90000046  }
0xb4: {  	s29 =	simm.s32 $0xA;
	_ =	strace $0x80000048  }
0xb5: {  	_ =	swait.ge [sflag:s29], $0x1  }
0xb6: {  	[sflag:s29] =	ssyncadd.s32 $0xFFFFFFFF  }
0xb7: {  	_ =	strace $0x90000048  }
0xb8: {  	_ =	sfence  }
0xb9: {  	s30 =	sld [smem:$0x0];
	_ =	sdelay $0x2  }
0xba: {  	s31 =	sshll.u32 s1, $0xD;
	s1 =	sshrl.u32 s1, $0x2  }
0xbb: {  	s3 =	sand.u32 $0x4000, s31;
	s1 =	sadd.s32 s1, s30  }
0xbc: {  	s0 =	sor.u32 s3, s0;
	s1 =	sshll.u32 s1, $0x11  }
0xbd: {  	s0 =	sor.u32 s1, s0  }
0xbe: {  	s0 =	sadd.s32 $0x8F2B, s0  }
0xbf: {  	[sflag:s0] =	ssyncadd.remote.s32 $0x1  }
0xc0: {  	_ =	sfence.sel $0xFFFF  }
0xc1: {  	[dreg:$0x0] =	wrdreg $0xFFFFFFFF;
	(pc) =	sbr.abs _section_cstart, $3  }
0xc2: {  	[dreg:$0x1] =	wrdreg $0xFFFFFFFF  }
0xc3: {  	_ =	task.clear_ibuf [dreg:s8], $0x2FFFF;
	_ =	strace $0x9FFFFFFF  }
0xc4: {  	(tm) =	ssettm $0x7FFFFFFF  }
0xc5: {  	_ =	shalt  }
tec
execute0_lowered:
.L_overlay_start_1:
0x0: {  	(tag) =	ssettag $0x1  }
0x1: {  	s6 =	rddreg [dreg:$0x0]  }
0x2: {  	s1 =	rddreg [dreg:$0x1]  }
0x3: {  	s4 =	rddreg [dreg:$0x2]  }
0x4: {  	s0 =	rddreg [dreg:$0x3];
	s3 =	simm.s32 $0x0;
	s5 =	srdreg.scid  }
0x5: {  	s2 =	stileid.u32;
	s11 =	simm.s32 $0x0;
	[smem:$0x7FF] =	sst s3  }
0x6: {  	s5 =	sand.u32 $0x1, s5;
	s8 =	sshll.u32 s2, $0x1;
	s9 =	sshll.u32 s2, $0x9  }
0x7: {  	s26 =	sshll.u32 s2, $0x5;
	_ =	strace $0x80000047;
	s7 =	ssub.s32 $0x2, s5  }
0x8: {  	s8 =	sor.u32 s5, s8;
	s9 =	sadd.s32 s9, s4;
	s4 =	simm.s32 $0x14  }
0x9: {  	s28 =	sshll.u32 s5, $0x4;
	s29 =	sshll.u32 s5, $0x8;
	s10 =	sshrl.u32 s7, $0x1  }
0xa: {  	p0 =	slt.u32 s8, $0x11;
	s8 =	sor.u32 s28, s26;
	s31 =	sadd.s32 s29, s9  }
0xb: {  	s9 =	simm.s32 $0x10;
	s7 =	ssub.s32 s7, s10;
	s4 =	simm.s32 @!p0 $0x13  }
0xc: {  	s30 =	sshrl.u32 s8, $0x3;
	s8 =	simm.s32 $0x2;
	s10 =	simm.s32 $0x1  }
0xd: {  	s5 =	smax.u32 s7, $0x1;
	s6 =	sadd.s32 s30, s6;
	s7 =	sadd.s32 $0x4600, s31  }
.LBB2_1:
0xe: {  	[tilespmem:s3], [sflag:$0x2] =	stream.linear.gather [hbm4b:s6+s3], $0x10, $0x38;
	[tilespmem:$0x810] =	vst v63  }
0xf: {  	_ =	swait.ge [sflag:s8], $0x10  }
0x10: {  	[sflag:s8] =	ssyncset.done $0x0  }
0x11: {  	[sflag:s8] =	ssyncadd.s32 $0xFFFFFFF0  }
0x12: {  	[tilespmem:s9], [sflag:$0x1] =	stream.indirect.gather [hbm4b:s1+s9], $0x80, s3, s9, $0xb8;
	[tilespmem:$0x810] =	vst v63  }
0x13: {  	p0 =	sne.s32 s4, $0x1;
	_ =	swait.ge [sflag:s10], $0x800  }
.Ltmp0:
0x14: {  	[sflag:s10] =	ssyncset.done $0x0;
	(pc) =	sbr.rel @!p0 .LBB2_3-.Ltmp0, $4  }
0x15: {  	[sflag:s10] =	ssyncadd.s32 $0xFFFFF800  }
0x16: {  	[hbm4b:s7+s3] =	stream.linear.scatter [tilespmem:s9], [sflag:$0x2], $0x800, $0x38;
	[tilespmem:$0x810] =	vst v63  }
0x17: {  	s12 =	sadd.s32 $0xFFFFFFFF, s4;
	_ =	swait.ge [sflag:s8], $0x800  }
0x18: {  	s13 =	smov.u32 s6;
	s14 =	smov.u32 s7;
	[sflag:s8] =	ssyncset.done $0x0  }
.LBB2_2:
0x19: {  	[sflag:s8] =	ssyncadd.s32 $0xFFFFF800;
	s13 =	sadd.s32 $0x40, s13;
	s14 =	sadd.s32 $0x2000, s14  }
0x1a: {  	[tilespmem:s3], [sflag:$0x2] =	stream.linear.gather [hbm4b:s13+s3], $0x10, $0x38;
	[tilespmem:$0x810] =	vst v63  }
0x1b: {  	p0 =	sne.s32 s12, $0x1;
	s12 =	sadd.s32 $0xFFFFFFFF, s12;
	_ =	swait.ge [sflag:s8], $0x10  }
0x1c: {  	[sflag:s8] =	ssyncset.done $0x0  }
0x1d: {  	[sflag:s8] =	ssyncadd.s32 $0xFFFFFFF0  }
0x1e: {  	[tilespmem:s9], [sflag:$0x1] =	stream.indirect.gather [hbm4b:s1+s9], $0x80, s3, s9, $0xb8;
	[tilespmem:$0x810] =	vst v63  }
0x1f: {  	_ =	swait.ge [sflag:s10], $0x800  }
.Ltmp1:
0x20: {  	[sflag:s10] =	ssyncset.done $0x0;
	(pc) =	sbr.rel @p0 .LBB2_2-.Ltmp1, $4  }
0x21: {  	[sflag:s10] =	ssyncadd.s32 $0xFFFFF800  }
0x22: {  	[hbm4b:s14+s3] =	stream.linear.scatter [tilespmem:s9], [sflag:$0x2], $0x800, $0x38;
	[tilespmem:$0x810] =	vst v63  }
0x23: {  	_ =	swait.ge [sflag:s8], $0x800  }
0x24: {  	[sflag:s8] =	ssyncset.done $0x0  }
.LBB2_3:
0x25: {  	s11 =	sadd.s32 $0x1, s11  }
0x26: {  	p0 =	sne.s32 s11, s5  }
.Ltmp2:
0x27: {  	_ = 	snop;
	(pc) =	sbr.rel @p0 .LBB2_1-.Ltmp2, $2  }
0x28: {  	_ =	sdelay $0x2  }
0x29: {  	[sflag:s8] =	ssyncadd.s32 $0xFFFFF800  }
0x2a: {  	_ =	sfence.sel $0x180000  }
0x2b: {  	[bflag:$0x0] =	sbarrier.arrive $0xFFFF  }
0x2c: {  	p0 =	sne.s32 s2, $0x0;
	_ =	strace $0x90000047  }
0x2d: {  	s0 =	sadd.s32 @!p0 $0x100000, s0;
	[bflag:$0x2] =	sbarrier.arrive $0xFFFF  }
0x2e: {  	[sflag:s0] =	ssyncadd.tile.s32 @!p0 $0x1;
	_ =	shalt  }
.Lfunc_end2:
_tile_overlayer_lowered:
.L_overlay_start_2:
0x2f: {  	(tag) =	ssettag $0x2  }
0x30: {  	s0 =	rddreg [dreg:$0x0];
	s2 =	stileid.u32  }
0x31: {  	s1 =	rddreg [dreg:$0x1];
	p0 =	sne.s32 s2, $0x0  }
0x32: {  	s3 =	rddreg [dreg:$0x2];
	[bflag:$0x3] =	sbarrier.arrive $0xFFFF;
	s2 =	simm.s32 @!p0 $0x1C02  }
0x33: {  	[timem:s3], [sflag:s2] =	dma.local @!p0 [hbm:s0], s1  }
0x34: {  	s0 =	simm.s32 @!p0 $0x2  }
0x35: {  	_ =	swait.ge @!p0 [sflag:s0], s1  }
0x36: {  	s1 =	ssub.s32 @!p0 $0x0, s1;
	[sflag:s0] =	ssyncset.done @!p0 $0x0  }
0x37: {  	[sflag:s0] =	ssyncadd.s32 @!p0 s1  }
0x38: {  	[bflag:$0x3] =	sbarrier.arrive $0xFFFF  }
0x39: {  	_ =	shalt  }

// kernel: kernel.18.cloned.1.call-start
scs
__scs_entry_jumppad:
0x0: {  	(pc) =	sbr.rel $0x88, $3  }
0x1: {  	(tag) =	ssettag $0x0;
	lr =	simm.s32 $0x1  }
0x2: {  	[smem:$0x3F90] =	sst lr;
	_ =	strace $0xD0000000  }
0x3: {  	_ = 	snop  }
0x4: {  	_ = 	snop  }
0x5: {  	_ = 	snop  }
0x6: {  	_ = 	snop  }
0x7: {  	_ = 	snop  }
__scs_overlays_trampoline_lowered:
0x8: {  	[smem:$0x3F9F] =	sst s0  }
0x9: {  	[smem:$0x3FA0] =	sst s1  }
0xa: {  	[smem:$0x3FA1] =	sst s2  }
0xb: {  	[smem:$0x3FA2] =	sst s3  }
0xc: {  	[smem:$0x3FA3] =	sst s4  }
0xd: {  	[smem:$0x3FA4] =	sst s5  }
0xe: {  	[smem:$0x3FA5] =	sst s6  }
0xf: {  	[smem:$0x3FA6] =	sst s7  }
0x10: {  	[smem:$0x3FA7] =	sst s8  }
0x11: {  	[smem:$0x3FA8] =	sst s9;
	s0 =	simm.s32 @!p0 $0x0  }
0x12: {  	s1 =	sld [smem:$0x3F8E];
	s0 =	simm.s32 @p0 $0x1  }
0x13: {  	[smem:$0x3FA9] =	sst s0;
	s0 =	simm.s32 @!p1 $0x0  }
0x14: {  	s2 =	sld [smem:$0x3F8D];
	s0 =	simm.s32 @p1 $0x1  }
0x15: {  	[smem:$0x3FAA] =	sst s0;
	s0 =	simm.s32 @!p2 $0x0  }
0x16: {  	s3 =	sld [smem:$0x3FDB];
	s0 =	simm.s32 @p2 $0x1  }
0x17: {  	s4 =	simm.s32 $0x1BF5;
	[smem:$0x3FAC] =	sst s0  }
0x18: {  	s0 =	sld [smem:$0x3F8F];
	_ =	swait.ge [sflag:s4], $0x0  }
0x19: {  	s7 =	sld [smem:$0x3F90]  }
0x1a: {  	s8 =	sadd.s32 $0xFFFFE003, lr  }
0x1b: {  	s9 =	sadd.s32 $0xFFFFFEF7, lr;
	s5 =	simm.s32 $0xFFFFFFFF;
	p2 =	slt.u32 s8, $0xFFFFF086  }
0x1c: {  	p1 =	slt.u32 s9, $0xF7A;
	s5 =	simm.s32 @!p2 $0x0  }
0x1d: {  	s5 =	simm.s32 @p1 $0x1;
	p0 =	seq.s32 s7, s2  }
0x1e: {  	s7 =	smul.u32 @!p0 $0xF7A, s2;
	p2 =	seq.s32 @!p0 s5, $0x0  }
0x1f: {  	s9 =	smul.u32 $0xF7A, s1;
	s8 =	simm.s32 @!p0 $0x1BF5;
	p2 =	por !p2, p0  }
0x20: {  	[sflag:s8] =	ssyncset.s32 @!p0 $0xFFFFF086;
	s6 =	sadd.s32 @!p0 s3, s7;
	s7 =	simm.s32 @!p0 $0x108  }
0x21: {  	s3 =	sadd.s32 s3, s9;
	s6 =	sadd.s32 @!p0 $0x88, s6;
	s7 =	simm.s32 @p2 $0x1082  }
0x22: {  	[simem:s7], [sflag:s8] =	dma.local @!p0 [hbm:s6], $0xF7A  }
0x23: {  	s9 =	sor.u32 $0xD0000000, s2;
	s6 =	simm.s32 $0x108;
	_ =	swait.ge @!p0 [sflag:s8], $0x0  }
0x24: {  	s3 =	sadd.s32 $0x88, s3;
	s6 =	simm.s32 @!p1 $0x1082;
	[sflag:s4] =	ssyncset.s32 $0xFFFFF086  }
0x25: {  	[simem:s6], [sflag:s4] =	dma.local [hbm:s3], $0xF7A  }
0x26: {  	[smem:$0x3F90] =	sst s1;
	(tag) =	ssettag s2;
	_ =	strace s9  }
0x27: {  	s1 =	sld [smem:$0x3FA0]  }
0x28: {  	s2 =	sld [smem:$0x3FA1]  }
0x29: {  	s4 =	sld [smem:$0x3FA3]  }
0x2a: {  	p0 =	seq.s32 s5, $0x0;
	s5 =	sld [smem:$0x3FA4]  }
0x2b: {  	s6 =	sld [smem:$0x3FA5]  }
0x2c: {  	s7 =	sld [smem:$0x3FA6]  }
0x2d: {  	s3 =	simm.s32 $0x108;
	s8 =	sld [smem:$0x3FA7]  }
0x2e: {  	s3 =	simm.s32 @!p0 $0x1082;
	s9 =	sld [smem:$0x3FA8]  }
0x2f: {  	lr =	sadd.s32 s0, s3;
	s0 =	sld [smem:$0x3F9F]  }
0x30: {  	s3 =	sld [smem:$0x3FA2]  }
0x31: {  	[smem:$0x3FAB] =	sst s10  }
0x32: {  	s10 =	sld [smem:$0x3FA9];
	_ =	sdelay $0x3  }
0x33: {  	p0 =	seq.s32 s10, $0x1;
	s10 =	sld [smem:$0x3FAB];
	_ =	sdelay $0x3  }
0x34: {  	[smem:$0x3FAB] =	sst s10  }
0x35: {  	s10 =	sld [smem:$0x3FAA];
	_ =	sdelay $0x3  }
0x36: {  	p1 =	seq.s32 s10, $0x1;
	s10 =	sld [smem:$0x3FAB];
	_ =	sdelay $0x3  }
0x37: {  	[smem:$0x3FAB] =	sst s10  }
0x38: {  	s10 =	sld [smem:$0x3FAC]  }
0x39: {  	_ = 	snop;
	(pc) =	sbr.ind lr, $3  }
0x3a: {  	_ = 	snop  }
0x3b: {  	_ = 	snop  }
0x3c: {  	p2 =	seq.s32 s10, $0x1;
	s10 =	sld [smem:$0x3FAB]  }
0x3d: {  	_ =	shalt  }
0x3e: {  	_ =	shalt  }
0x3f: {  	_ =	shalt  }
0x40: {  	_ =	shalt  }
0x41: {  	_ =	shalt  }
0x42: {  	_ =	shalt  }
0x43: {  	_ =	shalt  }
0x44: {  	_ =	shalt  }
0x45: {  	_ =	shalt  }
0x46: {  	_ =	shalt  }
0x47: {  	_ =	shalt  }
0x48: {  	_ =	shalt  }
0x49: {  	_ =	shalt  }
0x4a: {  	_ =	shalt  }
0x4b: {  	_ =	shalt  }
0x4c: {  	_ =	shalt  }
0x4d: {  	_ =	shalt  }
0x4e: {  	_ =	shalt  }
0x4f: {  	_ =	shalt  }
0x50: {  	_ =	shalt  }
0x51: {  	_ =	shalt  }
0x52: {  	_ =	shalt  }
0x53: {  	_ =	shalt  }
0x54: {  	_ =	shalt  }
0x55: {  	_ =	shalt  }
0x56: {  	_ =	shalt  }
0x57: {  	_ =	shalt  }
0x58: {  	_ =	shalt  }
0x59: {  	_ =	shalt  }
0x5a: {  	_ =	shalt  }
0x5b: {  	_ =	shalt  }
0x5c: {  	_ =	shalt  }
0x5d: {  	_ =	shalt  }
0x5e: {  	_ =	shalt  }
0x5f: {  	_ =	shalt  }
0x60: {  	_ =	shalt  }
0x61: {  	_ =	shalt  }
0x62: {  	_ =	shalt  }
0x63: {  	_ =	shalt  }
0x64: {  	_ =	shalt  }
0x65: {  	_ =	shalt  }
0x66: {  	_ =	shalt  }
0x67: {  	_ =	shalt  }
0x68: {  	_ =	shalt  }
0x69: {  	_ =	shalt  }
0x6a: {  	_ =	shalt  }
0x6b: {  	_ =	shalt  }
0x6c: {  	_ =	shalt  }
0x6d: {  	_ =	shalt  }
0x6e: {  	_ =	shalt  }
0x6f: {  	_ =	shalt  }
0x70: {  	_ =	shalt  }
0x71: {  	_ =	shalt  }
0x72: {  	_ =	shalt  }
0x73: {  	_ =	shalt  }
0x74: {  	_ =	shalt  }
0x75: {  	_ =	shalt  }
0x76: {  	_ =	shalt  }
0x77: {  	_ =	shalt  }
0x78: {  	_ =	shalt  }
0x79: {  	_ =	shalt  }
0x7a: {  	_ =	shalt  }
0x7b: {  	_ =	shalt  }
0x7c: {  	_ =	shalt  }
0x7d: {  	_ =	shalt  }
0x7e: {  	_ =	shalt  }
0x7f: {  	_ =	shalt  }
0x80: {  	_ =	shalt  }
0x81: {  	_ =	shalt  }
0x82: {  	_ =	shalt  }
0x83: {  	_ =	shalt  }
0x84: {  	_ =	shalt  }
0x85: {  	_ =	shalt  }
0x86: {  	_ =	shalt  }
0x87: {  	_ =	shalt  }
.Lfunc_end0:
.L_simem_size_0:
called_computation.2_lowered:
.L_overlay_start_0:
0x88: {  	s2 =	sld [smem:$0x3FD9]  }
0x89: {  	s3 =	sld [smem:$0x3FFE];
	_ =	sdelay $0x1  }
0x8a: {  	s1 =	srdreg.scid  }
0x8b: {  	s0 =	sand.u32 $0x1, s1  }
0x8c: {  	s17 =	sshll.u32 s0, $0xA;
	s2 =	sadd.s32 s3, s2  }
0x8d: {  	s2 =	sadd.s32 s2, s17  }
0x8e: {  	[smem:$0x3FB7] =	sst s2  }
0x8f: {  	_ = 	snop  }
0x90: {  	(tm) =	ssettm $0x1  }
0x91: {  	s18 =	sld [smem:$0x3FFB];
	_ =	sdelay $0x3  }
0x92: {  	_ =	strace s18  }
0x93: {  	s2 =	sld [smem:$0x3FFC];
	_ =	sdelay $0x3  }
0x94: {  	_ =	strace s2  }
0x95: {  	s2 =	sld [smem:$0x3FFD];
	_ =	sdelay $0x3  }
0x96: {  	_ =	strace s2  }
0x97: {  	_ =	strace $0x8FFFFFFF  }
0x98: {  	s19 =	sld [smem:$0x3FDB];
	_ =	sdelay $0x1  }
0x99: {  	s20 =	simm.s32 $_scs_section_size  }
0x9a: {  	s4 =	simm.s32 $_size__tile_overlayer_lowered;
	s5 =	simm.s32 $_tile_overlayer_lowered  }
0x9b: {  	s6 =	simm.s32 $0x1BFF;
	s21 =	sshll.u32 s5, $0x1;
	s3 =	sadd.s32 s20, s19  }
0x9c: {  	s22 =	simm.s32 $0x0;
	s4 =	sshll.u32 s4, $0x1;
	s5 =	sadd.s32 s21, s3  }
0x9d: {  	[timem:s22], [sflag:s6] =	dma.local [hbm:s5], s4  }
0x9e: {  	_ =	swait.ge [sflag:s6], s4  }
0x9f: {  	s4 =	ssub.s32 $0x0, s4;
	[sflag:s6] =	ssyncset.done $0x0  }
0xa0: {  	[sflag:s6] =	ssyncadd.s32 s4;
	_ =	sdelay $0x1  }
0xa1: {  	s23 =	simm.s32 $0x1B8B  }
0xa2: {  	_ =	swait.ge [sflag:s23], $0x1  }
0xa3: {  	[sflag:s23] =	ssyncset.done $0x0  }
0xa4: {  	[sflag:s23] =	ssyncadd.s32 $0xFFFFFFFF  }
0xa5: {  	s4 =	sld [smem:$0x0]  }
0xa6: {  	s5 =	sand.u32 $0xFFFFFFFE, s1  }
0xa7: {  	p0 =	sne.s32 s1, s5  }
0xa8: {  	s5 =	sshll.u32 @p0 s5, $0xE  }
0xa9: {  	s5 =	sadd.s32 @p0 $0x11B8D, s5;
	s6 =	sshll.u32 @p0 s4, $0x11  }
0xaa: {  	s5 =	sor.u32 @p0 s6, s5  }
0xab: {  	[sflag:s5] =	ssyncadd.remote.s32 @p0 $0x1;
	_ =	sdelay $0x1  }
0xac: {  	s5 =	simm.s32 @p0 $0x1B8D  }
0xad: {  	_ =	swait.eq @p0 [sflag:s5], $0x1  }
0xae: {  	[sflag:s5] =	ssyncadd.s32 @p0 $0xFFFFFFFF  }
0xaf: {  	s6 =	sshll.u32 @!p0 s1, $0xE  }
0xb0: {  	s6 =	sor.u32 @!p0 $0x4000, s6;
	s5 =	simm.s32 @!p0 $0x1B8D  }
0xb1: {  	s4 =	sshll.u32 @!p0 s4, $0x11;
	s6 =	sadd.s32 @!p0 $0x11B8D, s6;
	_ =	swait.eq @!p0 [sflag:s5], $0x1  }
0xb2: {  	s4 =	sor.u32 @!p0 s4, s6;
	[sflag:s5] =	ssyncadd.s32 @!p0 $0xFFFFFFFF  }
0xb3: {  	s25 =	simm.s32 $0x1B8E;
	s24 =	sld [smem:$0x3FFE];
	[sflag:s4] =	ssyncadd.remote.s32 @!p0 $0x1  }
0xb4: {  	s26 =	simm.s32 $execute0_lowered;
	[smem:$0x3FD2] =	sst s25  }
0xb5: {  	s5 =	sshll.u32 s26, $0x1;
	_ =	strace $0x8000004C;
	[dreg:$0x1] =	wrdreg $0xFFFFFFFF  }
0xb6: {  	s28 =	simm.s32 $_size_execute0_lowered;
	s3 =	sadd.s32 s3, s5;
	[dreg:$0x0] =	wrdreg $0x0  }
0xb7: {  	s5 =	sshll.u32 s28, $0x1;
	[dreg:$0x2] =	wrdreg s3  }
0xb8: {  	[dreg:$0x3] =	wrdreg s5  }
0xb9: {  	[dreg:$0x4] =	wrdreg $0xC0  }
0xba: {  	_ =	task [dreg:s22], $0x5FFFF  }
0xbb: {  	[dreg:$0x1] =	wrdreg $0xFFFFFFFF  }
0xbc: {  	[dreg:$0x0] =	wrdreg $0x60  }
0xbd: {  	[dreg:$0x2] =	wrdreg s24  }
0xbe: {  	[dreg:$0x3] =	wrdreg $0xC1C00  }
0xbf: {  	[dreg:$0x4] =	wrdreg $0xA  }
0xc0: {  	_ =	task.clear_ibuf [dreg:s22], $0x5FFFF;
	_ =	strace $0x9000004C  }
0xc1: {  	s29 =	simm.s32 $0xA;
	_ =	strace $0x8000004E  }
0xc2: {  	_ =	swait.ge [sflag:s29], $0x1  }
0xc3: {  	[sflag:s29] =	ssyncadd.s32 $0xFFFFFFFF  }
0xc4: {  	_ =	strace $0x9000004E  }
0xc5: {  	_ =	sfence  }
0xc6: {  	s30 =	sld [smem:$0x0];
	_ =	sdelay $0x2  }
0xc7: {  	s31 =	sshll.u32 s1, $0xD;
	s1 =	sshrl.u32 s1, $0x2  }
0xc8: {  	s4 =	sand.u32 $0x4000, s31;
	s1 =	sadd.s32 s1, s30  }
0xc9: {  	s0 =	sor.u32 s4, s0;
	s1 =	sshll.u32 s1, $0x11  }
0xca: {  	s0 =	sor.u32 s1, s0  }
0xcb: {  	s0 =	sadd.s32 $0x8F2B, s0  }
0xcc: {  	[sflag:s0] =	ssyncadd.remote.s32 $0x1  }
0xcd: {  	_ =	sfence.sel $0xFFFF  }
0xce: {  	[dreg:$0x0] =	wrdreg $0xFFFFFFFF;
	(pc) =	sbr.abs _section_cstart, $3  }
0xcf: {  	[dreg:$0x1] =	wrdreg $0xFFFFFFFF  }
0xd0: {  	_ =	task.clear_ibuf [dreg:s22], $0x2FFFF;
	_ =	strace $0x9FFFFFFF  }
0xd1: {  	(tm) =	ssettm $0x7FFFFFFF  }
tec
execute0_lowered:
.L_overlay_start_1:
0x0: {  	(tag) =	ssettag $0x1  }
0x1: {  	s5 =	rddreg [dreg:$0x0]  }
0x2: {  	s1 =	rddreg [dreg:$0x1]  }
0x3: {  	s2 =	srdreg.scid;
	s0 =	rddreg [dreg:$0x2];
	s3 =	simm.s32 $0x0  }
0x4: {  	s12 =	simm.s32 $0x64;
	s13 =	simm.s32 $0x5140;
	s14 =	simm.s32 $0x68  }
0x5: {  	s15 =	simm.s32 $0x8340;
	s16 =	simm.s32 $0xB540;
	s17 =	simm.s32 $0x1  }
0x6: {  	s18 =	simm.s32 $0x2;
	s19 =	simm.s32 $0x5070;
	s20 =	simm.s32 $0x50D8  }
0x7: {  	s21 =	simm.s32 $0x0;
	s6 =	sand.u32 $0x1, s2;
	s2 =	stileid.u32  }
0x8: {  	[smem:$0x7FF] =	sst s3;
	s4 =	sadd.s32 $0x4600, s5;
	s7 =	smul.u32 $0x138800, s6  }
0x9: {  	s8 =	sshll.u32 s2, $0x1;
	s9 =	smul.u32 $0x13880, s2;
	_ =	strace $0x8000004D  }
0xa: {  	s10 =	smul.u32 $0x4E200, s2;
	s8 =	sor.u32 s6, s8;
	s6 =	ssub.s32 $0x2, s6  }
0xb: {  	s8 =	smul.u32 $0x514, s8;
	s7 =	sadd.s32 s9, s7;
	s29 =	sshrl.u32 s6, $0x1  }
0xc: {  	s31 =	sshrl.u32 s10, $0x2;
	s10 =	simm.s32 $0x3;
	s7 =	sshrl.u32 s7, $0x3  }
0xd: {  	s30 =	ssub.s32 s6, s29;
	s8 =	sadd.s32 s8, s5;
	s11 =	sadd.s32 s7, s5  }
0xe: {  	s7 =	smax.u32 s30, $0x1;
	s5 =	sadd.s32 $0x3FA00, s8;
	s6 =	sadd.s32 $0x2B800, s8  }
0xf: {  	v0 =	vimm.f32 $0.0e+00;
	s8 =	sadd.s32 s31, s1;
	s9 =	sadd.s32 $0x49E00, s11;
	s11 =	simm.s32 $0x28A0  }
.LBB2_1:
0x10: {  	[tilespmem:s3], [sflag:$0x3] =	stream.linear.gather [hbm4b:s5+s3], $0x28A0, $0x38;
	[tilespmem:$0x1FA40] =	vst v63  }
0x11: {  	_ =	swait.ge [sflag:s10], $0x28A0  }
0x12: {  	[sflag:s10] =	ssyncset.done $0x0  }
0x13: {  	[sflag:s10] =	ssyncadd.s32 $0xFFFFD760  }
0x14: {  	[tilespmem:s11], [sflag:$0x3] =	stream.linear.gather [hbm4b:s6+s3], $0x28A0, $0x38;
	[tilespmem:$0x1FA40] =	vst v63  }
0x15: {  	_ =	swait.ge [sflag:s10], $0x28A0  }
0x16: {  	[sflag:s10] =	ssyncset.done $0x0  }
0x17: {  	[sflag:s10] =	ssyncadd.s32 $0xFFFFD760  }
0x18: {  	[tilespmem:s13], [sflag:$0x1] =	stream.indirect.gather [hbm4b:s4+s12], $0x80, s3, s12, $0xb8;
	[tilespmem:$0x1FA40] =	vst v63  }
0x19: {  	s22 =	simm.s32 $0x0;
	s23 =	simm.s32 $0x200  }
0x1a: {  	[tilespmem:s15], [sflag:$0x2] =	stream.indirect.gather [hbm4b:s4+s12], $0x80, s14, s12, $0xb8;
	[tilespmem:$0x1FA40] =	vst v63  }
.LBB2_2:
0x1b: {  	p0 =	sne.s32 s23, $0x3000;
	[tilespmem:s22+$0xB5B0] =	vst v0  }
0x1c: {  	[tilespmem:s22+$0xB540] =	vst v0  }
0x1d: {  	[tilespmem:s22+$0xB550] =	vst v0  }
.Ltmp0:
0x1e: {  	[tilespmem:s22+$0xB560] =	vst v0;
	(pc) =	sbr.rel @p0 .LBB2_2-.Ltmp0, $4  }
0x1f: {  	[tilespmem:s22+$0xB570] =	vst v0  }
0x20: {  	[tilespmem:s22+$0xB580] =	vst v0  }
0x21: {  	[tilespmem:s22+$0xB590] =	vst v0  }
0x22: {  	[tilespmem:s22+$0xB5A0] =	vst v0;
	s22 =	sshra.s32 s23, $0x2;
	s23 =	sadd.s32 $0x200, s23  }
0x23: {  	[tilespmem:s22+$0xB5B0] =	vst v0  }
0x24: {  	[tilespmem:s22+$0xB540] =	vst v0  }
0x25: {  	[tilespmem:s22+$0xB550] =	vst v0  }
0x26: {  	[tilespmem:s22+$0xB560] =	vst v0  }
0x27: {  	[tilespmem:s22+$0xB570] =	vst v0  }
0x28: {  	[tilespmem:s22+$0xB580] =	vst v0  }
0x29: {  	[tilespmem:s22+$0xB590] =	vst v0  }
0x2a: {  	[tilespmem:s22+$0xB5A0] =	vst v0;
	s31 =	sadd.s32 $0x0, s8  }
0x2b: {  	[spmem:s31] =	stream.linear.scatter [tilespmem:s16], [sflag:$0x3], $0xC80, $0x38;
	[tilespmem:$0x1FA40] =	vst v63  }
0x2c: {  	s22 =	simm.s32 $0x3200;
	_ =	swait.ge [sflag:s10], $0xC80  }
.LBB2_4:
0x2d: {  	s23 =	sshra.s32 s22, $0x2;
	[sflag:s10] =	ssyncset.done $0x0;
	p0 =	sne.s32 s22, $0x4B000  }
.Ltmp1:
0x2e: {  	s23 =	sadd.s32 s23, s8;
	[sflag:s10] =	ssyncadd.s32 $0xFFFFF380;
	(pc) =	sbr.rel @p0 .LBB2_4-.Ltmp1, $3  }
0x2f: {  	[spmem:s23] =	stream.linear.scatter [tilespmem:s16], [sflag:$0x3], $0xC80, $0x38;
	[tilespmem:$0x1FA40] =	vst v63  }
0x30: {  	s22 =	sadd.s32 $0x3200, s22;
	_ =	sdelay $0x1  }
0x31: {  	_ =	swait.ge [sflag:s10], $0xC80  }
0x32: {  	[sflag:s10] =	ssyncset.done $0x0  }
0x33: {  	[sflag:s10] =	ssyncadd.s32 $0xFFFFF380  }
0x34: {  	[bflag:$0x0] =	sbarrier.arrive $0xFFFF  }
0x35: {  	_ =	swait.ge [sflag:s17], $0x3200  }
0x36: {  	[sflag:s17] =	ssyncset.done $0x0  }
0x37: {  	s22 =	simm.s32 $0x28A0;
	[sflag:s17] =	ssyncadd.s32 $0xFFFFCE00  }
0x38: {  	[spmem:s1] =	stream.indirect.scatter.add.f32 [tilespmem:s13], [sflag:$0x3], $0x80, s22, s12, $0xb8;
	[tilespmem:$0x1FA40] =	vst v63  }
0x39: {  	_ =	swait.ge [sflag:s10], $0x3200  }
0x3a: {  	[sflag:s10] =	ssyncset.done $0x0  }
0x3b: {  	s30 =	simm.s32 $0xD0;
	[sflag:s10] =	ssyncadd.s32 $0xFFFFCE00  }
0x3c: {  	[tilespmem:s13], [sflag:$0x1] =	stream.indirect.gather [hbm4b:s4+s12], $0x80, s30, s12, $0xb8;
	[tilespmem:$0x1FA40] =	vst v63  }
0x3d: {  	_ =	swait.ge [sflag:s18], $0x3200  }
0x3e: {  	[sflag:s18] =	ssyncset.done $0x0  }
0x3f: {  	s31 =	simm.s32 $0x2908;
	[sflag:s18] =	ssyncadd.s32 $0xFFFFCE00  }
0x40: {  	[spmem:s1] =	stream.indirect.scatter.add.f32 [tilespmem:s15], [sflag:$0x3], $0x80, s31, s12, $0xb8;
	[tilespmem:$0x1FA40] =	vst v63  }
0x41: {  	_ =	swait.ge [sflag:s10], $0x3200  }
0x42: {  	[sflag:s10] =	ssyncset.done $0x0  }
0x43: {  	s23 =	simm.s32 $0x138;
	s22 =	simm.s32 $0x340;
	[sflag:s10] =	ssyncadd.s32 $0xFFFFCE00  }
.LBB2_6:
0x44: {  	[tilespmem:s15], [sflag:$0x2] =	stream.indirect.gather [hbm4b:s4+s12], $0x80, s23, s12, $0xb8;
	[tilespmem:$0x1FA40] =	vst v63  }
0x45: {  	s23 =	smov.u32 s22  }
0x46: {  	p0 =	sne.s32 s22, $0x9C00;
	s22 =	sadd.s32 $0x340, s22;
	_ =	swait.ge [sflag:s17], $0x3200  }
0x47: {  	s23 =	sshra.s32 s23, $0x2;
	[sflag:s17] =	ssyncset.done $0x0  }
0x48: {  	s24 =	sadd.s32 $0x28A0, s23;
	[sflag:s17] =	ssyncadd.s32 $0xFFFFCE00  }
0x49: {  	[spmem:s1] =	stream.indirect.scatter.add.f32 [tilespmem:s13], [sflag:$0x3], $0x80, s24, s12, $0xb8;
	[tilespmem:$0x1FA40] =	vst v63  }
0x4a: {  	_ =	swait.ge [sflag:s10], $0x3200  }
0x4b: {  	[sflag:s10] =	ssyncset.done $0x0  }
0x4c: {  	s24 =	sadd.s32 $0xD0, s23;
	[sflag:s10] =	ssyncadd.s32 $0xFFFFCE00  }
0x4d: {  	[tilespmem:s13], [sflag:$0x1] =	stream.indirect.gather [hbm4b:s4+s12], $0x80, s24, s12, $0xb8;
	[tilespmem:$0x1FA40] =	vst v63  }
0x4e: {  	_ =	swait.ge [sflag:s18], $0x3200  }
0x4f: {  	[sflag:s18] =	ssyncset.done $0x0  }
.Ltmp2:
0x50: {  	s24 =	sadd.s32 $0x2908, s23;
	[sflag:s18] =	ssyncadd.s32 $0xFFFFCE00;
	(pc) =	sbr.rel @p0 .LBB2_6-.Ltmp2, $4  }
0x51: {  	[spmem:s1] =	stream.indirect.scatter.add.f32 [tilespmem:s15], [sflag:$0x3], $0x80, s24, s12, $0xb8;
	[tilespmem:$0x1FA40] =	vst v63  }
0x52: {  	_ =	swait.ge [sflag:s10], $0x3200  }
0x53: {  	[sflag:s10] =	ssyncset.done $0x0  }
0x54: {  	s23 =	sadd.s32 $0x138, s23;
	[sflag:s10] =	ssyncadd.s32 $0xFFFFCE00  }
0x55: {  	[tilespmem:s15], [sflag:$0x2] =	stream.indirect.gather [hbm4b:s4+s12], $0x80, s23, s12, $0xb8;
	[tilespmem:$0x1FA40] =	vst v63  }
0x56: {  	_ =	swait.ge [sflag:s17], $0x3200  }
0x57: {  	[sflag:s17] =	ssyncset.done $0x0  }
0x58: {  	[sflag:s17] =	ssyncadd.s32 $0xFFFFCE00  }
0x59: {  	[spmem:s1] =	stream.indirect.scatter.add.f32 [tilespmem:s13], [sflag:$0x3], $0x80, s19, s12, $0xb8;
	[tilespmem:$0x1FA40] =	vst v63  }
0x5a: {  	_ =	swait.ge [sflag:s10], $0x3200  }
0x5b: {  	[sflag:s10] =	ssyncset.done $0x0  }
0x5c: {  	[sflag:s10] =	ssyncadd.s32 $0xFFFFCE00  }
0x5d: {  	_ =	swait.ge [sflag:s18], $0x3200  }
0x5e: {  	[sflag:s18] =	ssyncset.done $0x0  }
0x5f: {  	[sflag:s18] =	ssyncadd.s32 $0xFFFFCE00  }
0x60: {  	[spmem:s1] =	stream.indirect.scatter.add.f32 [tilespmem:s15], [sflag:$0x3], $0x80, s20, s12, $0xb8;
	[tilespmem:$0x1FA40] =	vst v63  }
0x61: {  	_ =	swait.ge [sflag:s10], $0x3200  }
0x62: {  	[sflag:s10] =	ssyncset.done $0x0  }
0x63: {  	[sflag:s10] =	ssyncadd.s32 $0xFFFFCE00  }
0x64: {  	[bflag:$0x0] =	sbarrier.arrive $0xFFFF  }
0x65: {  	[tilespmem:s16], [sflag:$0x3] =	stream.linear.gather [spmem:s8], $0xC80, $0x38;
	[tilespmem:$0x1FA40] =	vst v63  }
0x66: {  	_ =	swait.ge [sflag:s10], $0xC80  }
0x67: {  	[sflag:s10] =	ssyncset.done $0x0  }
0x68: {  	s22 =	sadd.s32 $0x0, s9;
	[sflag:s10] =	ssyncadd.s32 $0xFFFFF380  }
0x69: {  	[hbm4b:s22+s3] =	stream.linear.scatter [tilespmem:s16], [sflag:$0x3], $0xC80, $0x38;
	[tilespmem:$0x1FA40] =	vst v63  }
0x6a: {  	_ =	swait.ge [sflag:s10], $0xC80  }
0x6b: {  	s23 =	smov.u32 s8;
	s22 =	simm.s32 $0x190;
	[sflag:s10] =	ssyncset.done $0x0  }
.LBB2_8:
0x6c: {  	p0 =	sne.s32 s22, $0x2580;
	[sflag:s10] =	ssyncadd.s32 $0xFFFFF380;
	s23 =	sadd.s32 $0xC80, s23  }
0x6d: {  	[tilespmem:s16], [sflag:$0x3] =	stream.linear.gather [spmem:s23], $0xC80, $0x38;
	[tilespmem:$0x1FA40] =	vst v63  }
0x6e: {  	s24 =	smov.u32 s22;
	s22 =	sadd.s32 $0x190, s22;
	_ =	swait.ge [sflag:s10], $0xC80  }
.Ltmp3:
0x6f: {  	[sflag:s10] =	ssyncset.done $0x0;
	(pc) =	sbr.rel @p0 .LBB2_8-.Ltmp3, $4  }
0x70: {  	s24 =	sadd.s32 s24, s9;
	[sflag:s10] =	ssyncadd.s32 $0xFFFFF380  }
0x71: {  	[hbm4b:s24+s3] =	stream.linear.scatter [tilespmem:s16], [sflag:$0x3], $0xC80, $0x38;
	[tilespmem:$0x1FA40] =	vst v63  }
0x72: {  	_ =	swait.ge [sflag:s10], $0xC80  }
0x73: {  	[sflag:s10] =	ssyncset.done $0x0  }
0x74: {  	s21 =	sadd.s32 $0x1, s21  }
0x75: {  	p0 =	sne.s32 s21, s7  }
.Ltmp4:
0x76: {  	_ = 	snop;
	(pc) =	sbr.rel @p0 .LBB2_1-.Ltmp4, $2  }
0x77: {  	_ =	sdelay $0x2  }
0x78: {  	[sflag:s10] =	ssyncadd.s32 $0xFFFFF380  }
0x79: {  	_ =	sfence.sel $0x180000  }
0x7a: {  	[bflag:$0x0] =	sbarrier.arrive $0xFFFF  }
0x7b: {  	p0 =	sne.s32 s2, $0x0;
	_ =	strace $0x9000004D  }
0x7c: {  	s0 =	sadd.s32 @!p0 $0x100000, s0;
	[bflag:$0x2] =	sbarrier.arrive $0xFFFF  }
0x7d: {  	[sflag:s0] =	ssyncadd.tile.s32 @!p0 $0x1;
	_ =	shalt  }
.Lfunc_end2:
_tile_overlayer_lowered:
.L_overlay_start_2:
0x7e: {  	(tag) =	ssettag $0x2  }
0x7f: {  	s0 =	rddreg [dreg:$0x0];
	s2 =	stileid.u32  }
0x80: {  	s1 =	rddreg [dreg:$0x1];
	p0 =	sne.s32 s2, $0x0  }
0x81: {  	s3 =	rddreg [dreg:$0x2];
	[bflag:$0x3] =	sbarrier.arrive $0xFFFF;
	s2 =	simm.s32 @!p0 $0x1C03  }
0x82: {  	[timem:s3], [sflag:s2] =	dma.local @!p0 [hbm:s0], s1  }
0x83: {  	s0 =	simm.s32 @!p0 $0x3  }
0x84: {  	_ =	swait.ge @!p0 [sflag:s0], s1  }
0x85: {  	s1 =	ssub.s32 @!p0 $0x0, s1;
	[sflag:s0] =	ssyncset.done @!p0 $0x0  }
0x86: {  	[sflag:s0] =	ssyncadd.s32 @!p0 s1  }
0x87: {  	[bflag:$0x3] =	sbarrier.arrive $0xFFFF  }
0x88: {  	_ =	shalt  }

// kernel: kernel.21.cloned.1.call-start
scs
__scs_entry_jumppad:
0x0: {  	(pc) =	sbr.rel $0x88, $3  }
0x1: {  	(tag) =	ssettag $0x0;
	lr =	simm.s32 $0x1  }
0x2: {  	[smem:$0x3F90] =	sst lr;
	_ =	strace $0xD0000000  }
0x3: {  	_ = 	snop  }
0x4: {  	_ = 	snop  }
0x5: {  	_ = 	snop  }
0x6: {  	_ = 	snop  }
0x7: {  	_ = 	snop  }
__scs_overlays_trampoline_lowered:
0x8: {  	[smem:$0x3F9F] =	sst s0  }
0x9: {  	[smem:$0x3FA0] =	sst s1  }
0xa: {  	[smem:$0x3FA1] =	sst s2  }
0xb: {  	[smem:$0x3FA2] =	sst s3  }
0xc: {  	[smem:$0x3FA3] =	sst s4  }
0xd: {  	[smem:$0x3FA4] =	sst s5  }
0xe: {  	[smem:$0x3FA5] =	sst s6  }
0xf: {  	[smem:$0x3FA6] =	sst s7  }
0x10: {  	[smem:$0x3FA7] =	sst s8  }
0x11: {  	[smem:$0x3FA8] =	sst s9;
	s0 =	simm.s32 @!p0 $0x0  }
0x12: {  	s1 =	sld [smem:$0x3F8E];
	s0 =	simm.s32 @p0 $0x1  }
0x13: {  	[smem:$0x3FA9] =	sst s0;
	s0 =	simm.s32 @!p1 $0x0  }
0x14: {  	s2 =	sld [smem:$0x3F8D];
	s0 =	simm.s32 @p1 $0x1  }
0x15: {  	[smem:$0x3FAA] =	sst s0;
	s0 =	simm.s32 @!p2 $0x0  }
0x16: {  	s3 =	sld [smem:$0x3FDB];
	s0 =	simm.s32 @p2 $0x1  }
0x17: {  	s4 =	simm.s32 $0x1BF5;
	[smem:$0x3FAC] =	sst s0  }
0x18: {  	s0 =	sld [smem:$0x3F8F];
	_ =	swait.ge [sflag:s4], $0x0  }
0x19: {  	s7 =	sld [smem:$0x3F90]  }
0x1a: {  	s8 =	sadd.s32 $0xFFFFE003, lr  }
0x1b: {  	s9 =	sadd.s32 $0xFFFFFEF7, lr;
	s5 =	simm.s32 $0xFFFFFFFF;
	p2 =	slt.u32 s8, $0xFFFFF086  }
0x1c: {  	p1 =	slt.u32 s9, $0xF7A;
	s5 =	simm.s32 @!p2 $0x0  }
0x1d: {  	s5 =	simm.s32 @p1 $0x1;
	p0 =	seq.s32 s7, s2  }
0x1e: {  	s7 =	smul.u32 @!p0 $0xF7A, s2;
	p2 =	seq.s32 @!p0 s5, $0x0  }
0x1f: {  	s9 =	smul.u32 $0xF7A, s1;
	s8 =	simm.s32 @!p0 $0x1BF5;
	p2 =	por !p2, p0  }
0x20: {  	[sflag:s8] =	ssyncset.s32 @!p0 $0xFFFFF086;
	s6 =	sadd.s32 @!p0 s3, s7;
	s7 =	simm.s32 @!p0 $0x108  }
0x21: {  	s3 =	sadd.s32 s3, s9;
	s6 =	sadd.s32 @!p0 $0x88, s6;
	s7 =	simm.s32 @p2 $0x1082  }
0x22: {  	[simem:s7], [sflag:s8] =	dma.local @!p0 [hbm:s6], $0xF7A  }
0x23: {  	s9 =	sor.u32 $0xD0000000, s2;
	s6 =	simm.s32 $0x108;
	_ =	swait.ge @!p0 [sflag:s8], $0x0  }
0x24: {  	s3 =	sadd.s32 $0x88, s3;
	s6 =	simm.s32 @!p1 $0x1082;
	[sflag:s4] =	ssyncset.s32 $0xFFFFF086  }
0x25: {  	[simem:s6], [sflag:s4] =	dma.local [hbm:s3], $0xF7A  }
0x26: {  	[smem:$0x3F90] =	sst s1;
	(tag) =	ssettag s2;
	_ =	strace s9  }
0x27: {  	s1 =	sld [smem:$0x3FA0]  }
0x28: {  	s2 =	sld [smem:$0x3FA1]  }
0x29: {  	s4 =	sld [smem:$0x3FA3]  }
0x2a: {  	p0 =	seq.s32 s5, $0x0;
	s5 =	sld [smem:$0x3FA4]  }
0x2b: {  	s6 =	sld [smem:$0x3FA5]  }
0x2c: {  	s7 =	sld [smem:$0x3FA6]  }
0x2d: {  	s3 =	simm.s32 $0x108;
	s8 =	sld [smem:$0x3FA7]  }
0x2e: {  	s3 =	simm.s32 @!p0 $0x1082;
	s9 =	sld [smem:$0x3FA8]  }
0x2f: {  	lr =	sadd.s32 s0, s3;
	s0 =	sld [smem:$0x3F9F]  }
0x30: {  	s3 =	sld [smem:$0x3FA2]  }
0x31: {  	[smem:$0x3FAB] =	sst s10  }
0x32: {  	s10 =	sld [smem:$0x3FA9];
	_ =	sdelay $0x3  }
0x33: {  	p0 =	seq.s32 s10, $0x1;
	s10 =	sld [smem:$0x3FAB];
	_ =	sdelay $0x3  }
0x34: {  	[smem:$0x3FAB] =	sst s10  }
0x35: {  	s10 =	sld [smem:$0x3FAA];
	_ =	sdelay $0x3  }
0x36: {  	p1 =	seq.s32 s10, $0x1;
	s10 =	sld [smem:$0x3FAB];
	_ =	sdelay $0x3  }
0x37: {  	[smem:$0x3FAB] =	sst s10  }
0x38: {  	s10 =	sld [smem:$0x3FAC]  }
0x39: {  	_ = 	snop;
	(pc) =	sbr.ind lr, $3  }
0x3a: {  	_ = 	snop  }
0x3b: {  	_ = 	snop  }
0x3c: {  	p2 =	seq.s32 s10, $0x1;
	s10 =	sld [smem:$0x3FAB]  }
0x3d: {  	_ =	shalt  }
0x3e: {  	_ =	shalt  }
0x3f: {  	_ =	shalt  }
0x40: {  	_ =	shalt  }
0x41: {  	_ =	shalt  }
0x42: {  	_ =	shalt  }
0x43: {  	_ =	shalt  }
0x44: {  	_ =	shalt  }
0x45: {  	_ =	shalt  }
0x46: {  	_ =	shalt  }
0x47: {  	_ =	shalt  }
0x48: {  	_ =	shalt  }
0x49: {  	_ =	shalt  }
0x4a: {  	_ =	shalt  }
0x4b: {  	_ =	shalt  }
0x4c: {  	_ =	shalt  }
0x4d: {  	_ =	shalt  }
0x4e: {  	_ =	shalt  }
0x4f: {  	_ =	shalt  }
0x50: {  	_ =	shalt  }
0x51: {  	_ =	shalt  }
0x52: {  	_ =	shalt  }
0x53: {  	_ =	shalt  }
0x54: {  	_ =	shalt  }
0x55: {  	_ =	shalt  }
0x56: {  	_ =	shalt  }
0x57: {  	_ =	shalt  }
0x58: {  	_ =	shalt  }
0x59: {  	_ =	shalt  }
0x5a: {  	_ =	shalt  }
0x5b: {  	_ =	shalt  }
0x5c: {  	_ =	shalt  }
0x5d: {  	_ =	shalt  }
0x5e: {  	_ =	shalt  }
0x5f: {  	_ =	shalt  }
0x60: {  	_ =	shalt  }
0x61: {  	_ =	shalt  }
0x62: {  	_ =	shalt  }
0x63: {  	_ =	shalt  }
0x64: {  	_ =	shalt  }
0x65: {  	_ =	shalt  }
0x66: {  	_ =	shalt  }
0x67: {  	_ =	shalt  }
0x68: {  	_ =	shalt  }
0x69: {  	_ =	shalt  }
0x6a: {  	_ =	shalt  }
0x6b: {  	_ =	shalt  }
0x6c: {  	_ =	shalt  }
0x6d: {  	_ =	shalt  }
0x6e: {  	_ =	shalt  }
0x6f: {  	_ =	shalt  }
0x70: {  	_ =	shalt  }
0x71: {  	_ =	shalt  }
0x72: {  	_ =	shalt  }
0x73: {  	_ =	shalt  }
0x74: {  	_ =	shalt  }
0x75: {  	_ =	shalt  }
0x76: {  	_ =	shalt  }
0x77: {  	_ =	shalt  }
0x78: {  	_ =	shalt  }
0x79: {  	_ =	shalt  }
0x7a: {  	_ =	shalt  }
0x7b: {  	_ =	shalt  }
0x7c: {  	_ =	shalt  }
0x7d: {  	_ =	shalt  }
0x7e: {  	_ =	shalt  }
0x7f: {  	_ =	shalt  }
0x80: {  	_ =	shalt  }
0x81: {  	_ =	shalt  }
0x82: {  	_ =	shalt  }
0x83: {  	_ =	shalt  }
0x84: {  	_ =	shalt  }
0x85: {  	_ =	shalt  }
0x86: {  	_ =	shalt  }
0x87: {  	_ =	shalt  }
.Lfunc_end0:
.L_simem_size_0:
called_computation.3_lowered:
.L_overlay_start_0:
0x88: {  	s2 =	sld [smem:$0x3FD9]  }
0x89: {  	s3 =	sld [smem:$0x3FFE];
	_ =	sdelay $0x1  }
0x8a: {  	s1 =	srdreg.scid  }
0x8b: {  	s0 =	sand.u32 $0x1, s1  }
0x8c: {  	s16 =	sshll.u32 s0, $0xA;
	s2 =	sadd.s32 s3, s2  }
0x8d: {  	s2 =	sadd.s32 s2, s16  }
0x8e: {  	[smem:$0x3FB7] =	sst s2  }
0x8f: {  	_ = 	snop  }
0x90: {  	(tm) =	ssettm $0x1  }
0x91: {  	s17 =	sld [smem:$0x3FFB];
	_ =	sdelay $0x3  }
0x92: {  	_ =	strace s17  }
0x93: {  	s2 =	sld [smem:$0x3FFC];
	_ =	sdelay $0x3  }
0x94: {  	_ =	strace s2  }
0x95: {  	s2 =	sld [smem:$0x3FFD];
	_ =	sdelay $0x3  }
0x96: {  	_ =	strace s2  }
0x97: {  	_ =	strace $0x8FFFFFFF  }
0x98: {  	s18 =	sld [smem:$0x3FDB];
	_ =	sdelay $0x1  }
0x99: {  	s19 =	simm.s32 $_scs_section_size  }
0x9a: {  	s4 =	simm.s32 $_size__tile_overlayer_lowered;
	s5 =	simm.s32 $_tile_overlayer_lowered  }
0x9b: {  	s22 =	simm.s32 $0x1BFF;
	s21 =	sshll.u32 s5, $0x1;
	s2 =	sadd.s32 s19, s18  }
0x9c: {  	s6 =	simm.s32 $0x0;
	s20 =	sshll.u32 s4, $0x1;
	s4 =	sadd.s32 s21, s2  }
0x9d: {  	[timem:s6], [sflag:s22] =	dma.local [hbm:s4], s20  }
0x9e: {  	_ =	swait.ge [sflag:s22], s20  }
0x9f: {  	s3 =	ssub.s32 $0x0, s20;
	[sflag:s22] =	ssyncset.done $0x0  }
0xa0: {  	[sflag:s22] =	ssyncadd.s32 s3;
	_ =	sdelay $0x1  }
0xa1: {  	s23 =	simm.s32 $0x1B8B  }
0xa2: {  	_ =	swait.ge [sflag:s23], $0x1  }
0xa3: {  	[sflag:s23] =	ssyncset.done $0x0  }
0xa4: {  	s25 =	simm.s32 $0x1B8E;
	s24 =	sld [smem:$0x3FFE];
	[sflag:s23] =	ssyncadd.s32 $0xFFFFFFFF  }
0xa5: {  	s26 =	simm.s32 $execute0_lowered;
	[smem:$0x3FD2] =	sst s25  }
0xa6: {  	s4 =	sshll.u32 s26, $0x1;
	_ =	strace $0x8000004F;
	[dreg:$0x1] =	wrdreg $0xFFFFFFFF  }
0xa7: {  	s28 =	simm.s32 $_size_execute0_lowered;
	s2 =	sadd.s32 s2, s4;
	[dreg:$0x0] =	wrdreg $0x0  }
0xa8: {  	s4 =	sshll.u32 s28, $0x1;
	[dreg:$0x2] =	wrdreg s2  }
0xa9: {  	[dreg:$0x3] =	wrdreg s4  }
0xaa: {  	[dreg:$0x4] =	wrdreg $0xC0  }
0xab: {  	_ =	task [dreg:s6], $0x5FFFF  }
0xac: {  	[dreg:$0x1] =	wrdreg $0xFFFFFFFF  }
0xad: {  	[dreg:$0x0] =	wrdreg $0x60  }
0xae: {  	[dreg:$0x2] =	wrdreg s24  }
0xaf: {  	[dreg:$0x3] =	wrdreg $0xC1C00  }
0xb0: {  	[dreg:$0x4] =	wrdreg $0x9  }
0xb1: {  	_ =	task.clear_ibuf [dreg:s6], $0x5FFFF;
	_ =	strace $0x9000004F  }
0xb2: {  	s29 =	simm.s32 $0x9;
	_ =	strace $0x80000051  }
0xb3: {  	_ =	swait.ge [sflag:s29], $0x1  }
0xb4: {  	[sflag:s29] =	ssyncadd.s32 $0xFFFFFFFF  }
0xb5: {  	_ =	strace $0x90000051  }
0xb6: {  	_ =	sfence  }
0xb7: {  	s30 =	sld [smem:$0x0];
	_ =	sdelay $0x2  }
0xb8: {  	s31 =	sshll.u32 s1, $0xD;
	s1 =	sshrl.u32 s1, $0x2  }
0xb9: {  	s3 =	sand.u32 $0x4000, s31;
	s1 =	sadd.s32 s1, s30  }
0xba: {  	s0 =	sor.u32 s3, s0;
	s1 =	sshll.u32 s1, $0x11  }
0xbb: {  	s0 =	sor.u32 s1, s0  }
0xbc: {  	s0 =	sadd.s32 $0x8F2B, s0  }
0xbd: {  	[sflag:s0] =	ssyncadd.remote.s32 $0x1  }
0xbe: {  	_ =	sfence.sel $0xFFFF  }
0xbf: {  	[dreg:$0x0] =	wrdreg $0xFFFFFFFF;
	(pc) =	sbr.abs _section_cstart, $3  }
0xc0: {  	[dreg:$0x1] =	wrdreg $0xFFFFFFFF  }
0xc1: {  	_ =	task.clear_ibuf [dreg:s6], $0x2FFFF;
	_ =	strace $0x9FFFFFFF  }
0xc2: {  	(tm) =	ssettm $0x7FFFFFFF  }
0xc3: {  	_ =	shalt  }
tec
execute0_lowered:
.L_overlay_start_1:
0x0: {  	(tag) =	ssettag $0x1  }
0x1: {  	s5 =	rddreg [dreg:$0x0]  }
0x2: {  	s1 =	rddreg [dreg:$0x1]  }
0x3: {  	s2 =	srdreg.scid;
	s0 =	rddreg [dreg:$0x2];
	s3 =	simm.s32 $0x0  }
0x4: {  	s12 =	simm.s32 $0x64;
	s13 =	simm.s32 $0x5140;
	s14 =	simm.s32 $0x68  }
0x5: {  	s15 =	simm.s32 $0x8340;
	s16 =	simm.s32 $0xB540;
	s17 =	simm.s32 $0x1  }
0x6: {  	s18 =	simm.s32 $0x2;
	s19 =	simm.s32 $0x5070;
	s20 =	simm.s32 $0x50D8  }
0x7: {  	s21 =	simm.s32 $0x0;
	s6 =	sand.u32 $0x1, s2;
	s2 =	stileid.u32  }
0x8: {  	[smem:$0x7FF] =	sst s3;
	s4 =	sadd.s32 $0x4600, s5;
	s7 =	smul.u32 $0x138800, s6  }
0x9: {  	s8 =	sshll.u32 s2, $0x1;
	s9 =	smul.u32 $0x13880, s2;
	_ =	strace $0x80000050  }
0xa: {  	s10 =	smul.u32 $0x4E200, s2;
	s8 =	sor.u32 s6, s8;
	s6 =	ssub.s32 $0x2, s6  }
0xb: {  	s8 =	smul.u32 $0x514, s8;
	s7 =	sadd.s32 s9, s7;
	s29 =	sshrl.u32 s6, $0x1  }
0xc: {  	s31 =	sshrl.u32 s10, $0x2;
	s10 =	simm.s32 $0x3;
	s7 =	sshrl.u32 s7, $0x3  }
0xd: {  	s30 =	ssub.s32 s6, s29;
	s8 =	sadd.s32 s8, s5;
	s11 =	sadd.s32 s7, s5  }
0xe: {  	s7 =	smax.u32 s30, $0x1;
	s5 =	sadd.s32 $0x3FA00, s8;
	s6 =	sadd.s32 $0x2B800, s8  }
0xf: {  	v0 =	vimm.f32 $0.0e+00;
	s8 =	sadd.s32 s31, s1;
	s9 =	sadd.s32 $0x49E00, s11;
	s11 =	simm.s32 $0x28A0  }
.LBB2_1:
0x10: {  	[tilespmem:s3], [sflag:$0x3] =	stream.linear.gather [hbm4b:s5+s3], $0x28A0, $0x38;
	[tilespmem:$0x1FA40] =	vst v63  }
0x11: {  	_ =	swait.ge [sflag:s10], $0x28A0  }
0x12: {  	[sflag:s10] =	ssyncset.done $0x0  }
0x13: {  	[sflag:s10] =	ssyncadd.s32 $0xFFFFD760  }
0x14: {  	[tilespmem:s11], [sflag:$0x3] =	stream.linear.gather [hbm4b:s6+s3], $0x28A0, $0x38;
	[tilespmem:$0x1FA40] =	vst v63  }
0x15: {  	_ =	swait.ge [sflag:s10], $0x28A0  }
0x16: {  	[sflag:s10] =	ssyncset.done $0x0  }
0x17: {  	[sflag:s10] =	ssyncadd.s32 $0xFFFFD760  }
0x18: {  	[tilespmem:s13], [sflag:$0x1] =	stream.indirect.gather [hbm4b:s4+s12], $0x80, s3, s12, $0xb8;
	[tilespmem:$0x1FA40] =	vst v63  }
0x19: {  	s22 =	simm.s32 $0x0;
	s23 =	simm.s32 $0x200  }
0x1a: {  	[tilespmem:s15], [sflag:$0x2] =	stream.indirect.gather [hbm4b:s4+s12], $0x80, s14, s12, $0xb8;
	[tilespmem:$0x1FA40] =	vst v63  }
.LBB2_2:
0x1b: {  	p0 =	sne.s32 s23, $0x3000;
	[tilespmem:s22+$0xB5B0] =	vst v0  }
0x1c: {  	[tilespmem:s22+$0xB540] =	vst v0  }
0x1d: {  	[tilespmem:s22+$0xB550] =	vst v0  }
.Ltmp0:
0x1e: {  	[tilespmem:s22+$0xB560] =	vst v0;
	(pc) =	sbr.rel @p0 .LBB2_2-.Ltmp0, $4  }
0x1f: {  	[tilespmem:s22+$0xB570] =	vst v0  }
0x20: {  	[tilespmem:s22+$0xB580] =	vst v0  }
0x21: {  	[tilespmem:s22+$0xB590] =	vst v0  }
0x22: {  	[tilespmem:s22+$0xB5A0] =	vst v0;
	s22 =	sshra.s32 s23, $0x2;
	s23 =	sadd.s32 $0x200, s23  }
0x23: {  	[tilespmem:s22+$0xB5B0] =	vst v0  }
0x24: {  	[tilespmem:s22+$0xB540] =	vst v0  }
0x25: {  	[tilespmem:s22+$0xB550] =	vst v0  }
0x26: {  	[tilespmem:s22+$0xB560] =	vst v0  }
0x27: {  	[tilespmem:s22+$0xB570] =	vst v0  }
0x28: {  	[tilespmem:s22+$0xB580] =	vst v0  }
0x29: {  	[tilespmem:s22+$0xB590] =	vst v0  }
0x2a: {  	[tilespmem:s22+$0xB5A0] =	vst v0;
	s31 =	sadd.s32 $0x0, s8  }
0x2b: {  	[spmem:s31] =	stream.linear.scatter [tilespmem:s16], [sflag:$0x3], $0xC80, $0x38;
	[tilespmem:$0x1FA40] =	vst v63  }
0x2c: {  	s22 =	simm.s32 $0x3200;
	_ =	swait.ge [sflag:s10], $0xC80  }
.LBB2_4:
0x2d: {  	s23 =	sshra.s32 s22, $0x2;
	[sflag:s10] =	ssyncset.done $0x0;
	p0 =	sne.s32 s22, $0x4B000  }
.Ltmp1:
0x2e: {  	s23 =	sadd.s32 s23, s8;
	[sflag:s10] =	ssyncadd.s32 $0xFFFFF380;
	(pc) =	sbr.rel @p0 .LBB2_4-.Ltmp1, $3  }
0x2f: {  	[spmem:s23] =	stream.linear.scatter [tilespmem:s16], [sflag:$0x3], $0xC80, $0x38;
	[tilespmem:$0x1FA40] =	vst v63  }
0x30: {  	s22 =	sadd.s32 $0x3200, s22;
	_ =	sdelay $0x1  }
0x31: {  	_ =	swait.ge [sflag:s10], $0xC80  }
0x32: {  	[sflag:s10] =	ssyncset.done $0x0  }
0x33: {  	[sflag:s10] =	ssyncadd.s32 $0xFFFFF380  }
0x34: {  	[bflag:$0x0] =	sbarrier.arrive $0xFFFF  }
0x35: {  	_ =	swait.ge [sflag:s17], $0x3200  }
0x36: {  	[sflag:s17] =	ssyncset.done $0x0  }
0x37: {  	s22 =	simm.s32 $0x28A0;
	[sflag:s17] =	ssyncadd.s32 $0xFFFFCE00  }
0x38: {  	[spmem:s1] =	stream.indirect.scatter.add.f32 [tilespmem:s13], [sflag:$0x3], $0x80, s22, s12, $0xb8;
	[tilespmem:$0x1FA40] =	vst v63  }
0x39: {  	_ =	swait.ge [sflag:s10], $0x3200  }
0x3a: {  	[sflag:s10] =	ssyncset.done $0x0  }
0x3b: {  	s30 =	simm.s32 $0xD0;
	[sflag:s10] =	ssyncadd.s32 $0xFFFFCE00  }
0x3c: {  	[tilespmem:s13], [sflag:$0x1] =	stream.indirect.gather [hbm4b:s4+s12], $0x80, s30, s12, $0xb8;
	[tilespmem:$0x1FA40] =	vst v63  }
0x3d: {  	_ =	swait.ge [sflag:s18], $0x3200  }
0x3e: {  	[sflag:s18] =	ssyncset.done $0x0  }
0x3f: {  	s31 =	simm.s32 $0x2908;
	[sflag:s18] =	ssyncadd.s32 $0xFFFFCE00  }
0x40: {  	[spmem:s1] =	stream.indirect.scatter.add.f32 [tilespmem:s15], [sflag:$0x3], $0x80, s31, s12, $0xb8;
	[tilespmem:$0x1FA40] =	vst v63  }
0x41: {  	_ =	swait.ge [sflag:s10], $0x3200  }
0x42: {  	[sflag:s10] =	ssyncset.done $0x0  }
0x43: {  	s23 =	simm.s32 $0x138;
	s22 =	simm.s32 $0x340;
	[sflag:s10] =	ssyncadd.s32 $0xFFFFCE00  }
.LBB2_6:
0x44: {  	[tilespmem:s15], [sflag:$0x2] =	stream.indirect.gather [hbm4b:s4+s12], $0x80, s23, s12, $0xb8;
	[tilespmem:$0x1FA40] =	vst v63  }
0x45: {  	s23 =	smov.u32 s22  }
0x46: {  	p0 =	sne.s32 s22, $0x9C00;
	s22 =	sadd.s32 $0x340, s22;
	_ =	swait.ge [sflag:s17], $0x3200  }
0x47: {  	s23 =	sshra.s32 s23, $0x2;
	[sflag:s17] =	ssyncset.done $0x0  }
0x48: {  	s24 =	sadd.s32 $0x28A0, s23;
	[sflag:s17] =	ssyncadd.s32 $0xFFFFCE00  }
0x49: {  	[spmem:s1] =	stream.indirect.scatter.add.f32 [tilespmem:s13], [sflag:$0x3], $0x80, s24, s12, $0xb8;
	[tilespmem:$0x1FA40] =	vst v63  }
0x4a: {  	_ =	swait.ge [sflag:s10], $0x3200  }
0x4b: {  	[sflag:s10] =	ssyncset.done $0x0  }
0x4c: {  	s24 =	sadd.s32 $0xD0, s23;
	[sflag:s10] =	ssyncadd.s32 $0xFFFFCE00  }
0x4d: {  	[tilespmem:s13], [sflag:$0x1] =	stream.indirect.gather [hbm4b:s4+s12], $0x80, s24, s12, $0xb8;
	[tilespmem:$0x1FA40] =	vst v63  }
0x4e: {  	_ =	swait.ge [sflag:s18], $0x3200  }
0x4f: {  	[sflag:s18] =	ssyncset.done $0x0  }
.Ltmp2:
0x50: {  	s24 =	sadd.s32 $0x2908, s23;
	[sflag:s18] =	ssyncadd.s32 $0xFFFFCE00;
	(pc) =	sbr.rel @p0 .LBB2_6-.Ltmp2, $4  }
0x51: {  	[spmem:s1] =	stream.indirect.scatter.add.f32 [tilespmem:s15], [sflag:$0x3], $0x80, s24, s12, $0xb8;
	[tilespmem:$0x1FA40] =	vst v63  }
0x52: {  	_ =	swait.ge [sflag:s10], $0x3200  }
0x53: {  	[sflag:s10] =	ssyncset.done $0x0  }
0x54: {  	s23 =	sadd.s32 $0x138, s23;
	[sflag:s10] =	ssyncadd.s32 $0xFFFFCE00  }
0x55: {  	[tilespmem:s15], [sflag:$0x2] =	stream.indirect.gather [hbm4b:s4+s12], $0x80, s23, s12, $0xb8;
	[tilespmem:$0x1FA40] =	vst v63  }
0x56: {  	_ =	swait.ge [sflag:s17], $0x3200  }
0x57: {  	[sflag:s17] =	ssyncset.done $0x0  }
0x58: {  	[sflag:s17] =	ssyncadd.s32 $0xFFFFCE00  }
0x59: {  	[spmem:s1] =	stream.indirect.scatter.add.f32 [tilespmem:s13], [sflag:$0x3], $0x80, s19, s12, $0xb8;
	[tilespmem:$0x1FA40] =	vst v63  }
0x5a: {  	_ =	swait.ge [sflag:s10], $0x3200  }
0x5b: {  	[sflag:s10] =	ssyncset.done $0x0  }
0x5c: {  	[sflag:s10] =	ssyncadd.s32 $0xFFFFCE00  }
0x5d: {  	_ =	swait.ge [sflag:s18], $0x3200  }
0x5e: {  	[sflag:s18] =	ssyncset.done $0x0  }
0x5f: {  	[sflag:s18] =	ssyncadd.s32 $0xFFFFCE00  }
0x60: {  	[spmem:s1] =	stream.indirect.scatter.add.f32 [tilespmem:s15], [sflag:$0x3], $0x80, s20, s12, $0xb8;
	[tilespmem:$0x1FA40] =	vst v63  }
0x61: {  	_ =	swait.ge [sflag:s10], $0x3200  }
0x62: {  	[sflag:s10] =	ssyncset.done $0x0  }
0x63: {  	[sflag:s10] =	ssyncadd.s32 $0xFFFFCE00  }
0x64: {  	[bflag:$0x0] =	sbarrier.arrive $0xFFFF  }
0x65: {  	[tilespmem:s16], [sflag:$0x3] =	stream.linear.gather [spmem:s8], $0xC80, $0x38;
	[tilespmem:$0x1FA40] =	vst v63  }
0x66: {  	_ =	swait.ge [sflag:s10], $0xC80  }
0x67: {  	[sflag:s10] =	ssyncset.done $0x0  }
0x68: {  	s22 =	sadd.s32 $0x0, s9;
	[sflag:s10] =	ssyncadd.s32 $0xFFFFF380  }
0x69: {  	[hbm4b:s22+s3] =	stream.linear.scatter [tilespmem:s16], [sflag:$0x3], $0xC80, $0x38;
	[tilespmem:$0x1FA40] =	vst v63  }
0x6a: {  	_ =	swait.ge [sflag:s10], $0xC80  }
0x6b: {  	s23 =	smov.u32 s8;
	s22 =	simm.s32 $0x190;
	[sflag:s10] =	ssyncset.done $0x0  }
.LBB2_8:
0x6c: {  	p0 =	sne.s32 s22, $0x2580;
	[sflag:s10] =	ssyncadd.s32 $0xFFFFF380;
	s23 =	sadd.s32 $0xC80, s23  }
0x6d: {  	[tilespmem:s16], [sflag:$0x3] =	stream.linear.gather [spmem:s23], $0xC80, $0x38;
	[tilespmem:$0x1FA40] =	vst v63  }
0x6e: {  	s24 =	smov.u32 s22;
	s22 =	sadd.s32 $0x190, s22;
	_ =	swait.ge [sflag:s10], $0xC80  }
.Ltmp3:
0x6f: {  	[sflag:s10] =	ssyncset.done $0x0;
	(pc) =	sbr.rel @p0 .LBB2_8-.Ltmp3, $4  }
0x70: {  	s24 =	sadd.s32 s24, s9;
	[sflag:s10] =	ssyncadd.s32 $0xFFFFF380  }
0x71: {  	[hbm4b:s24+s3] =	stream.linear.scatter [tilespmem:s16], [sflag:$0x3], $0xC80, $0x38;
	[tilespmem:$0x1FA40] =	vst v63  }
0x72: {  	_ =	swait.ge [sflag:s10], $0xC80  }
0x73: {  	[sflag:s10] =	ssyncset.done $0x0  }
0x74: {  	s21 =	sadd.s32 $0x1, s21  }
0x75: {  	p0 =	sne.s32 s21, s7  }
.Ltmp4:
0x76: {  	_ = 	snop;
	(pc) =	sbr.rel @p0 .LBB2_1-.Ltmp4, $2  }
0x77: {  	_ =	sdelay $0x2  }
0x78: {  	[sflag:s10] =	ssyncadd.s32 $0xFFFFF380  }
0x79: {  	_ =	sfence.sel $0x180000  }
0x7a: {  	[bflag:$0x0] =	sbarrier.arrive $0xFFFF  }
0x7b: {  	p0 =	sne.s32 s2, $0x0;
	_ =	strace $0x90000050  }
0x7c: {  	s0 =	sadd.s32 @!p0 $0x100000, s0;
	[bflag:$0x2] =	sbarrier.arrive $0xFFFF  }
0x7d: {  	[sflag:s0] =	ssyncadd.tile.s32 @!p0 $0x1;
	_ =	shalt  }
.Lfunc_end2:
_tile_overlayer_lowered:
.L_overlay_start_2:
0x7e: {  	(tag) =	ssettag $0x2  }
0x7f: {  	s0 =	rddreg [dreg:$0x0];
	s2 =	stileid.u32  }
0x80: {  	s1 =	rddreg [dreg:$0x1];
	p0 =	sne.s32 s2, $0x0  }
0x81: {  	s3 =	rddreg [dreg:$0x2];
	[bflag:$0x3] =	sbarrier.arrive $0xFFFF;
	s2 =	simm.s32 @!p0 $0x1C03  }
0x82: {  	[timem:s3], [sflag:s2] =	dma.local @!p0 [hbm:s0], s1  }
0x83: {  	s0 =	simm.s32 @!p0 $0x3  }
0x84: {  	_ =	swait.ge @!p0 [sflag:s0], s1  }
0x85: {  	s1 =	ssub.s32 @!p0 $0x0, s1;
	[sflag:s0] =	ssyncset.done @!p0 $0x0  }
0x86: {  	[sflag:s0] =	ssyncadd.s32 @!p0 s1  }
0x87: {  	[bflag:$0x3] =	sbarrier.arrive $0xFFFF  }
0x88: {  	_ =	shalt  }

// kernel: kernel.24.cloned.1.call-start
scs
__scs_entry_jumppad:
0x0: {  	(pc) =	sbr.rel $0x88, $3  }
0x1: {  	(tag) =	ssettag $0x0;
	lr =	simm.s32 $0x1  }
0x2: {  	[smem:$0x3F90] =	sst lr;
	_ =	strace $0xD0000000  }
0x3: {  	_ = 	snop  }
0x4: {  	_ = 	snop  }
0x5: {  	_ = 	snop  }
0x6: {  	_ = 	snop  }
0x7: {  	_ = 	snop  }
__scs_overlays_trampoline_lowered:
0x8: {  	[smem:$0x3F9F] =	sst s0  }
0x9: {  	[smem:$0x3FA0] =	sst s1  }
0xa: {  	[smem:$0x3FA1] =	sst s2  }
0xb: {  	[smem:$0x3FA2] =	sst s3  }
0xc: {  	[smem:$0x3FA3] =	sst s4  }
0xd: {  	[smem:$0x3FA4] =	sst s5  }
0xe: {  	[smem:$0x3FA5] =	sst s6  }
0xf: {  	[smem:$0x3FA6] =	sst s7  }
0x10: {  	[smem:$0x3FA7] =	sst s8  }
0x11: {  	[smem:$0x3FA8] =	sst s9;
	s0 =	simm.s32 @!p0 $0x0  }
0x12: {  	s1 =	sld [smem:$0x3F8E];
	s0 =	simm.s32 @p0 $0x1  }
0x13: {  	[smem:$0x3FA9] =	sst s0;
	s0 =	simm.s32 @!p1 $0x0  }
0x14: {  	s2 =	sld [smem:$0x3F8D];
	s0 =	simm.s32 @p1 $0x1  }
0x15: {  	[smem:$0x3FAA] =	sst s0;
	s0 =	simm.s32 @!p2 $0x0  }
0x16: {  	s3 =	sld [smem:$0x3FDB];
	s0 =	simm.s32 @p2 $0x1  }
0x17: {  	s4 =	simm.s32 $0x1BF5;
	[smem:$0x3FAC] =	sst s0  }
0x18: {  	s0 =	sld [smem:$0x3F8F];
	_ =	swait.ge [sflag:s4], $0x0  }
0x19: {  	s7 =	sld [smem:$0x3F90]  }
0x1a: {  	s8 =	sadd.s32 $0xFFFFE003, lr  }
0x1b: {  	s9 =	sadd.s32 $0xFFFFFEF7, lr;
	s5 =	simm.s32 $0xFFFFFFFF;
	p2 =	slt.u32 s8, $0xFFFFF086  }
0x1c: {  	p1 =	slt.u32 s9, $0xF7A;
	s5 =	simm.s32 @!p2 $0x0  }
0x1d: {  	s5 =	simm.s32 @p1 $0x1;
	p0 =	seq.s32 s7, s2  }
0x1e: {  	s7 =	smul.u32 @!p0 $0xF7A, s2;
	p2 =	seq.s32 @!p0 s5, $0x0  }
0x1f: {  	s9 =	smul.u32 $0xF7A, s1;
	s8 =	simm.s32 @!p0 $0x1BF5;
	p2 =	por !p2, p0  }
0x20: {  	[sflag:s8] =	ssyncset.s32 @!p0 $0xFFFFF086;
	s6 =	sadd.s32 @!p0 s3, s7;
	s7 =	simm.s32 @!p0 $0x108  }
0x21: {  	s3 =	sadd.s32 s3, s9;
	s6 =	sadd.s32 @!p0 $0x88, s6;
	s7 =	simm.s32 @p2 $0x1082  }
0x22: {  	[simem:s7], [sflag:s8] =	dma.local @!p0 [hbm:s6], $0xF7A  }
0x23: {  	s9 =	sor.u32 $0xD0000000, s2;
	s6 =	simm.s32 $0x108;
	_ =	swait.ge @!p0 [sflag:s8], $0x0  }
0x24: {  	s3 =	sadd.s32 $0x88, s3;
	s6 =	simm.s32 @!p1 $0x1082;
	[sflag:s4] =	ssyncset.s32 $0xFFFFF086  }
0x25: {  	[simem:s6], [sflag:s4] =	dma.local [hbm:s3], $0xF7A  }
0x26: {  	[smem:$0x3F90] =	sst s1;
	(tag) =	ssettag s2;
	_ =	strace s9  }
0x27: {  	s1 =	sld [smem:$0x3FA0]  }
0x28: {  	s2 =	sld [smem:$0x3FA1]  }
0x29: {  	s4 =	sld [smem:$0x3FA3]  }
0x2a: {  	p0 =	seq.s32 s5, $0x0;
	s5 =	sld [smem:$0x3FA4]  }
0x2b: {  	s6 =	sld [smem:$0x3FA5]  }
0x2c: {  	s7 =	sld [smem:$0x3FA6]  }
0x2d: {  	s3 =	simm.s32 $0x108;
	s8 =	sld [smem:$0x3FA7]  }
0x2e: {  	s3 =	simm.s32 @!p0 $0x1082;
	s9 =	sld [smem:$0x3FA8]  }
0x2f: {  	lr =	sadd.s32 s0, s3;
	s0 =	sld [smem:$0x3F9F]  }
0x30: {  	s3 =	sld [smem:$0x3FA2]  }
0x31: {  	[smem:$0x3FAB] =	sst s10  }
0x32: {  	s10 =	sld [smem:$0x3FA9];
	_ =	sdelay $0x3  }
0x33: {  	p0 =	seq.s32 s10, $0x1;
	s10 =	sld [smem:$0x3FAB];
	_ =	sdelay $0x3  }
0x34: {  	[smem:$0x3FAB] =	sst s10  }
0x35: {  	s10 =	sld [smem:$0x3FAA];
	_ =	sdelay $0x3  }
0x36: {  	p1 =	seq.s32 s10, $0x1;
	s10 =	sld [smem:$0x3FAB];
	_ =	sdelay $0x3  }
0x37: {  	[smem:$0x3FAB] =	sst s10  }
0x38: {  	s10 =	sld [smem:$0x3FAC]  }
0x39: {  	_ = 	snop;
	(pc) =	sbr.ind lr, $3  }
0x3a: {  	_ = 	snop  }
0x3b: {  	_ = 	snop  }
0x3c: {  	p2 =	seq.s32 s10, $0x1;
	s10 =	sld [smem:$0x3FAB]  }
0x3d: {  	_ =	shalt  }
0x3e: {  	_ =	shalt  }
0x3f: {  	_ =	shalt  }
0x40: {  	_ =	shalt  }
0x41: {  	_ =	shalt  }
0x42: {  	_ =	shalt  }
0x43: {  	_ =	shalt  }
0x44: {  	_ =	shalt  }
0x45: {  	_ =	shalt  }
0x46: {  	_ =	shalt  }
0x47: {  	_ =	shalt  }
0x48: {  	_ =	shalt  }
0x49: {  	_ =	shalt  }
0x4a: {  	_ =	shalt  }
0x4b: {  	_ =	shalt  }
0x4c: {  	_ =	shalt  }
0x4d: {  	_ =	shalt  }
0x4e: {  	_ =	shalt  }
0x4f: {  	_ =	shalt  }
0x50: {  	_ =	shalt  }
0x51: {  	_ =	shalt  }
0x52: {  	_ =	shalt  }
0x53: {  	_ =	shalt  }
0x54: {  	_ =	shalt  }
0x55: {  	_ =	shalt  }
0x56: {  	_ =	shalt  }
0x57: {  	_ =	shalt  }
0x58: {  	_ =	shalt  }
0x59: {  	_ =	shalt  }
0x5a: {  	_ =	shalt  }
0x5b: {  	_ =	shalt  }
0x5c: {  	_ =	shalt  }
0x5d: {  	_ =	shalt  }
0x5e: {  	_ =	shalt  }
0x5f: {  	_ =	shalt  }
0x60: {  	_ =	shalt  }
0x61: {  	_ =	shalt  }
0x62: {  	_ =	shalt  }
0x63: {  	_ =	shalt  }
0x64: {  	_ =	shalt  }
0x65: {  	_ =	shalt  }
0x66: {  	_ =	shalt  }
0x67: {  	_ =	shalt  }
0x68: {  	_ =	shalt  }
0x69: {  	_ =	shalt  }
0x6a: {  	_ =	shalt  }
0x6b: {  	_ =	shalt  }
0x6c: {  	_ =	shalt  }
0x6d: {  	_ =	shalt  }
0x6e: {  	_ =	shalt  }
0x6f: {  	_ =	shalt  }
0x70: {  	_ =	shalt  }
0x71: {  	_ =	shalt  }
0x72: {  	_ =	shalt  }
0x73: {  	_ =	shalt  }
0x74: {  	_ =	shalt  }
0x75: {  	_ =	shalt  }
0x76: {  	_ =	shalt  }
0x77: {  	_ =	shalt  }
0x78: {  	_ =	shalt  }
0x79: {  	_ =	shalt  }
0x7a: {  	_ =	shalt  }
0x7b: {  	_ =	shalt  }
0x7c: {  	_ =	shalt  }
0x7d: {  	_ =	shalt  }
0x7e: {  	_ =	shalt  }
0x7f: {  	_ =	shalt  }
0x80: {  	_ =	shalt  }
0x81: {  	_ =	shalt  }
0x82: {  	_ =	shalt  }
0x83: {  	_ =	shalt  }
0x84: {  	_ =	shalt  }
0x85: {  	_ =	shalt  }
0x86: {  	_ =	shalt  }
0x87: {  	_ =	shalt  }
.Lfunc_end0:
.L_simem_size_0:
called_computation.4_lowered:
.L_overlay_start_0:
0x88: {  	s2 =	sld [smem:$0x3FD9]  }
0x89: {  	s3 =	sld [smem:$0x3FFE];
	_ =	sdelay $0x1  }
0x8a: {  	s1 =	srdreg.scid  }
0x8b: {  	s0 =	sand.u32 $0x1, s1  }
0x8c: {  	s16 =	sshll.u32 s0, $0xA;
	s2 =	sadd.s32 s3, s2  }
0x8d: {  	s2 =	sadd.s32 s2, s16  }
0x8e: {  	[smem:$0x3FB7] =	sst s2  }
0x8f: {  	_ = 	snop  }
0x90: {  	(tm) =	ssettm $0x1  }
0x91: {  	s17 =	sld [smem:$0x3FFB];
	_ =	sdelay $0x3  }
0x92: {  	_ =	strace s17  }
0x93: {  	s2 =	sld [smem:$0x3FFC];
	_ =	sdelay $0x3  }
0x94: {  	_ =	strace s2  }
0x95: {  	s2 =	sld [smem:$0x3FFD];
	_ =	sdelay $0x3  }
0x96: {  	_ =	strace s2  }
0x97: {  	_ =	strace $0x8FFFFFFF  }
0x98: {  	s18 =	sld [smem:$0x3FDB];
	_ =	sdelay $0x1  }
0x99: {  	s19 =	simm.s32 $_scs_section_size  }
0x9a: {  	s4 =	simm.s32 $_size__tile_overlayer_lowered;
	s5 =	simm.s32 $_tile_overlayer_lowered  }
0x9b: {  	s22 =	simm.s32 $0x1BFF;
	s21 =	sshll.u32 s5, $0x1;
	s2 =	sadd.s32 s19, s18  }
0x9c: {  	s6 =	simm.s32 $0x0;
	s20 =	sshll.u32 s4, $0x1;
	s4 =	sadd.s32 s21, s2  }
0x9d: {  	[timem:s6], [sflag:s22] =	dma.local [hbm:s4], s20  }
0x9e: {  	_ =	swait.ge [sflag:s22], s20  }
0x9f: {  	s3 =	ssub.s32 $0x0, s20;
	[sflag:s22] =	ssyncset.done $0x0  }
0xa0: {  	[sflag:s22] =	ssyncadd.s32 s3;
	_ =	sdelay $0x1  }
0xa1: {  	s23 =	simm.s32 $0x1B8B  }
0xa2: {  	_ =	swait.ge [sflag:s23], $0x1  }
0xa3: {  	[sflag:s23] =	ssyncset.done $0x0  }
0xa4: {  	s25 =	simm.s32 $0x1B8E;
	s24 =	sld [smem:$0x3FFE];
	[sflag:s23] =	ssyncadd.s32 $0xFFFFFFFF  }
0xa5: {  	s26 =	simm.s32 $execute0_lowered;
	[smem:$0x3FD2] =	sst s25  }
0xa6: {  	s4 =	sshll.u32 s26, $0x1;
	_ =	strace $0x80000052;
	[dreg:$0x1] =	wrdreg $0xFFFFFFFF  }
0xa7: {  	s28 =	simm.s32 $_size_execute0_lowered;
	s2 =	sadd.s32 s2, s4;
	[dreg:$0x0] =	wrdreg $0x0  }
0xa8: {  	s4 =	sshll.u32 s28, $0x1;
	[dreg:$0x2] =	wrdreg s2  }
0xa9: {  	[dreg:$0x3] =	wrdreg s4  }
0xaa: {  	[dreg:$0x4] =	wrdreg $0xC0  }
0xab: {  	_ =	task [dreg:s6], $0x5FFFF  }
0xac: {  	[dreg:$0x1] =	wrdreg $0xFFFFFFFF  }
0xad: {  	[dreg:$0x0] =	wrdreg $0x60  }
0xae: {  	[dreg:$0x2] =	wrdreg s24  }
0xaf: {  	[dreg:$0x3] =	wrdreg $0xC1C00  }
0xb0: {  	[dreg:$0x4] =	wrdreg $0x9  }
0xb1: {  	_ =	task.clear_ibuf [dreg:s6], $0x5FFFF;
	_ =	strace $0x90000052  }
0xb2: {  	s29 =	simm.s32 $0x9;
	_ =	strace $0x80000054  }
0xb3: {  	_ =	swait.ge [sflag:s29], $0x1  }
0xb4: {  	[sflag:s29] =	ssyncadd.s32 $0xFFFFFFFF  }
0xb5: {  	_ =	strace $0x90000054  }
0xb6: {  	_ =	sfence  }
0xb7: {  	s30 =	sld [smem:$0x0];
	_ =	sdelay $0x2  }
0xb8: {  	s31 =	sshll.u32 s1, $0xD;
	s1 =	sshrl.u32 s1, $0x2  }
0xb9: {  	s3 =	sand.u32 $0x4000, s31;
	s1 =	sadd.s32 s1, s30  }
0xba: {  	s0 =	sor.u32 s3, s0;
	s1 =	sshll.u32 s1, $0x11  }
0xbb: {  	s0 =	sor.u32 s1, s0  }
0xbc: {  	s0 =	sadd.s32 $0x8F2B, s0  }
0xbd: {  	[sflag:s0] =	ssyncadd.remote.s32 $0x1  }
0xbe: {  	_ =	sfence.sel $0xFFFF  }
0xbf: {  	[dreg:$0x0] =	wrdreg $0xFFFFFFFF;
	(pc) =	sbr.abs _section_cstart, $3  }
0xc0: {  	[dreg:$0x1] =	wrdreg $0xFFFFFFFF  }
0xc1: {  	_ =	task.clear_ibuf [dreg:s6], $0x2FFFF;
	_ =	strace $0x9FFFFFFF  }
0xc2: {  	(tm) =	ssettm $0x7FFFFFFF  }
0xc3: {  	_ =	shalt  }
tec
execute0_lowered:
.L_overlay_start_1:
0x0: {  	(tag) =	ssettag $0x1  }
0x1: {  	s5 =	rddreg [dreg:$0x0]  }
0x2: {  	s1 =	rddreg [dreg:$0x1]  }
0x3: {  	s2 =	srdreg.scid;
	s0 =	rddreg [dreg:$0x2];
	s3 =	simm.s32 $0x0  }
0x4: {  	s12 =	simm.s32 $0x64;
	s13 =	simm.s32 $0x5140;
	s14 =	simm.s32 $0x68  }
0x5: {  	s15 =	simm.s32 $0x8340;
	s16 =	simm.s32 $0xB540;
	s17 =	simm.s32 $0x1  }
0x6: {  	s18 =	simm.s32 $0x2;
	s19 =	simm.s32 $0x5070;
	s20 =	simm.s32 $0x50D8  }
0x7: {  	s21 =	simm.s32 $0x0;
	s6 =	sand.u32 $0x1, s2;
	s2 =	stileid.u32  }
0x8: {  	[smem:$0x7FF] =	sst s3;
	s4 =	sadd.s32 $0x4600, s5;
	s7 =	smul.u32 $0x138800, s6  }
0x9: {  	s8 =	sshll.u32 s2, $0x1;
	s9 =	smul.u32 $0x13880, s2;
	_ =	strace $0x80000053  }
0xa: {  	s10 =	smul.u32 $0x4E200, s2;
	s8 =	sor.u32 s6, s8;
	s6 =	ssub.s32 $0x2, s6  }
0xb: {  	s8 =	smul.u32 $0x514, s8;
	s7 =	sadd.s32 s9, s7;
	s29 =	sshrl.u32 s6, $0x1  }
0xc: {  	s31 =	sshrl.u32 s10, $0x2;
	s10 =	simm.s32 $0x3;
	s7 =	sshrl.u32 s7, $0x3  }
0xd: {  	s30 =	ssub.s32 s6, s29;
	s8 =	sadd.s32 s8, s5;
	s11 =	sadd.s32 s7, s5  }
0xe: {  	s7 =	smax.u32 s30, $0x1;
	s5 =	sadd.s32 $0x3FA00, s8;
	s6 =	sadd.s32 $0x2B800, s8  }
0xf: {  	v0 =	vimm.f32 $0.0e+00;
	s8 =	sadd.s32 s31, s1;
	s9 =	sadd.s32 $0x49E00, s11;
	s11 =	simm.s32 $0x28A0  }
.LBB2_1:
0x10: {  	[tilespmem:s3], [sflag:$0x3] =	stream.linear.gather [hbm4b:s5+s3], $0x28A0, $0x38;
	[tilespmem:$0x1FA40] =	vst v63  }
0x11: {  	_ =	swait.ge [sflag:s10], $0x28A0  }
0x12: {  	[sflag:s10] =	ssyncset.done $0x0  }
0x13: {  	[sflag:s10] =	ssyncadd.s32 $0xFFFFD760  }
0x14: {  	[tilespmem:s11], [sflag:$0x3] =	stream.linear.gather [hbm4b:s6+s3], $0x28A0, $0x38;
	[tilespmem:$0x1FA40] =	vst v63  }
0x15: {  	_ =	swait.ge [sflag:s10], $0x28A0  }
0x16: {  	[sflag:s10] =	ssyncset.done $0x0  }
0x17: {  	[sflag:s10] =	ssyncadd.s32 $0xFFFFD760  }
0x18: {  	[tilespmem:s13], [sflag:$0x1] =	stream.indirect.gather [hbm4b:s4+s12], $0x80, s3, s12, $0xb8;
	[tilespmem:$0x1FA40] =	vst v63  }
0x19: {  	s22 =	simm.s32 $0x0;
	s23 =	simm.s32 $0x200  }
0x1a: {  	[tilespmem:s15], [sflag:$0x2] =	stream.indirect.gather [hbm4b:s4+s12], $0x80, s14, s12, $0xb8;
	[tilespmem:$0x1FA40] =	vst v63  }
.LBB2_2:
0x1b: {  	p0 =	sne.s32 s23, $0x3000;
	[tilespmem:s22+$0xB5B0] =	vst v0  }
0x1c: {  	[tilespmem:s22+$0xB540] =	vst v0  }
0x1d: {  	[tilespmem:s22+$0xB550] =	vst v0  }
.Ltmp0:
0x1e: {  	[tilespmem:s22+$0xB560] =	vst v0;
	(pc) =	sbr.rel @p0 .LBB2_2-.Ltmp0, $4  }
0x1f: {  	[tilespmem:s22+$0xB570] =	vst v0  }
0x20: {  	[tilespmem:s22+$0xB580] =	vst v0  }
0x21: {  	[tilespmem:s22+$0xB590] =	vst v0  }
0x22: {  	[tilespmem:s22+$0xB5A0] =	vst v0;
	s22 =	sshra.s32 s23, $0x2;
	s23 =	sadd.s32 $0x200, s23  }
0x23: {  	[tilespmem:s22+$0xB5B0] =	vst v0  }
0x24: {  	[tilespmem:s22+$0xB540] =	vst v0  }
0x25: {  	[tilespmem:s22+$0xB550] =	vst v0  }
0x26: {  	[tilespmem:s22+$0xB560] =	vst v0  }
0x27: {  	[tilespmem:s22+$0xB570] =	vst v0  }
0x28: {  	[tilespmem:s22+$0xB580] =	vst v0  }
0x29: {  	[tilespmem:s22+$0xB590] =	vst v0  }
0x2a: {  	[tilespmem:s22+$0xB5A0] =	vst v0;
	s31 =	sadd.s32 $0x0, s8  }
0x2b: {  	[spmem:s31] =	stream.linear.scatter [tilespmem:s16], [sflag:$0x3], $0xC80, $0x38;
	[tilespmem:$0x1FA40] =	vst v63  }
0x2c: {  	s22 =	simm.s32 $0x3200;
	_ =	swait.ge [sflag:s10], $0xC80  }
.LBB2_4:
0x2d: {  	s23 =	sshra.s32 s22, $0x2;
	[sflag:s10] =	ssyncset.done $0x0;
	p0 =	sne.s32 s22, $0x4B000  }
.Ltmp1:
0x2e: {  	s23 =	sadd.s32 s23, s8;
	[sflag:s10] =	ssyncadd.s32 $0xFFFFF380;
	(pc) =	sbr.rel @p0 .LBB2_4-.Ltmp1, $3  }
0x2f: {  	[spmem:s23] =	stream.linear.scatter [tilespmem:s16], [sflag:$0x3], $0xC80, $0x38;
	[tilespmem:$0x1FA40] =	vst v63  }
0x30: {  	s22 =	sadd.s32 $0x3200, s22;
	_ =	sdelay $0x1  }
0x31: {  	_ =	swait.ge [sflag:s10], $0xC80  }
0x32: {  	[sflag:s10] =	ssyncset.done $0x0  }
0x33: {  	[sflag:s10] =	ssyncadd.s32 $0xFFFFF380  }
0x34: {  	[bflag:$0x0] =	sbarrier.arrive $0xFFFF  }
0x35: {  	_ =	swait.ge [sflag:s17], $0x3200  }
0x36: {  	[sflag:s17] =	ssyncset.done $0x0  }
0x37: {  	s22 =	simm.s32 $0x28A0;
	[sflag:s17] =	ssyncadd.s32 $0xFFFFCE00  }
0x38: {  	[spmem:s1] =	stream.indirect.scatter.add.f32 [tilespmem:s13], [sflag:$0x3], $0x80, s22, s12, $0xb8;
	[tilespmem:$0x1FA40] =	vst v63  }
0x39: {  	_ =	swait.ge [sflag:s10], $0x3200  }
0x3a: {  	[sflag:s10] =	ssyncset.done $0x0  }
0x3b: {  	s30 =	simm.s32 $0xD0;
	[sflag:s10] =	ssyncadd.s32 $0xFFFFCE00  }
0x3c: {  	[tilespmem:s13], [sflag:$0x1] =	stream.indirect.gather [hbm4b:s4+s12], $0x80, s30, s12, $0xb8;
	[tilespmem:$0x1FA40] =	vst v63  }
0x3d: {  	_ =	swait.ge [sflag:s18], $0x3200  }
0x3e: {  	[sflag:s18] =	ssyncset.done $0x0  }
0x3f: {  	s31 =	simm.s32 $0x2908;
	[sflag:s18] =	ssyncadd.s32 $0xFFFFCE00  }
0x40: {  	[spmem:s1] =	stream.indirect.scatter.add.f32 [tilespmem:s15], [sflag:$0x3], $0x80, s31, s12, $0xb8;
	[tilespmem:$0x1FA40] =	vst v63  }
0x41: {  	_ =	swait.ge [sflag:s10], $0x3200  }
0x42: {  	[sflag:s10] =	ssyncset.done $0x0  }
0x43: {  	s23 =	simm.s32 $0x138;
	s22 =	simm.s32 $0x340;
	[sflag:s10] =	ssyncadd.s32 $0xFFFFCE00  }
.LBB2_6:
0x44: {  	[tilespmem:s15], [sflag:$0x2] =	stream.indirect.gather [hbm4b:s4+s12], $0x80, s23, s12, $0xb8;
	[tilespmem:$0x1FA40] =	vst v63  }
0x45: {  	s23 =	smov.u32 s22  }
0x46: {  	p0 =	sne.s32 s22, $0x9C00;
	s22 =	sadd.s32 $0x340, s22;
	_ =	swait.ge [sflag:s17], $0x3200  }
0x47: {  	s23 =	sshra.s32 s23, $0x2;
	[sflag:s17] =	ssyncset.done $0x0  }
0x48: {  	s24 =	sadd.s32 $0x28A0, s23;
	[sflag:s17] =	ssyncadd.s32 $0xFFFFCE00  }
0x49: {  	[spmem:s1] =	stream.indirect.scatter.add.f32 [tilespmem:s13], [sflag:$0x3], $0x80, s24, s12, $0xb8;
	[tilespmem:$0x1FA40] =	vst v63  }
0x4a: {  	_ =	swait.ge [sflag:s10], $0x3200  }
0x4b: {  	[sflag:s10] =	ssyncset.done $0x0  }
0x4c: {  	s24 =	sadd.s32 $0xD0, s23;
	[sflag:s10] =	ssyncadd.s32 $0xFFFFCE00  }
0x4d: {  	[tilespmem:s13], [sflag:$0x1] =	stream.indirect.gather [hbm4b:s4+s12], $0x80, s24, s12, $0xb8;
	[tilespmem:$0x1FA40] =	vst v63  }
0x4e: {  	_ =	swait.ge [sflag:s18], $0x3200  }
0x4f: {  	[sflag:s18] =	ssyncset.done $0x0  }
.Ltmp2:
0x50: {  	s24 =	sadd.s32 $0x2908, s23;
	[sflag:s18] =	ssyncadd.s32 $0xFFFFCE00;
	(pc) =	sbr.rel @p0 .LBB2_6-.Ltmp2, $4  }
0x51: {  	[spmem:s1] =	stream.indirect.scatter.add.f32 [tilespmem:s15], [sflag:$0x3], $0x80, s24, s12, $0xb8;
	[tilespmem:$0x1FA40] =	vst v63  }
0x52: {  	_ =	swait.ge [sflag:s10], $0x3200  }
0x53: {  	[sflag:s10] =	ssyncset.done $0x0  }
0x54: {  	s23 =	sadd.s32 $0x138, s23;
	[sflag:s10] =	ssyncadd.s32 $0xFFFFCE00  }
0x55: {  	[tilespmem:s15], [sflag:$0x2] =	stream.indirect.gather [hbm4b:s4+s12], $0x80, s23, s12, $0xb8;
	[tilespmem:$0x1FA40] =	vst v63  }
0x56: {  	_ =	swait.ge [sflag:s17], $0x3200  }
0x57: {  	[sflag:s17] =	ssyncset.done $0x0  }
0x58: {  	[sflag:s17] =	ssyncadd.s32 $0xFFFFCE00  }
0x59: {  	[spmem:s1] =	stream.indirect.scatter.add.f32 [tilespmem:s13], [sflag:$0x3], $0x80, s19, s12, $0xb8;
	[tilespmem:$0x1FA40] =	vst v63  }
0x5a: {  	_ =	swait.ge [sflag:s10], $0x3200  }
0x5b: {  	[sflag:s10] =	ssyncset.done $0x0  }
0x5c: {  	[sflag:s10] =	ssyncadd.s32 $0xFFFFCE00  }
0x5d: {  	_ =	swait.ge [sflag:s18], $0x3200  }
0x5e: {  	[sflag:s18] =	ssyncset.done $0x0  }
0x5f: {  	[sflag:s18] =	ssyncadd.s32 $0xFFFFCE00  }
0x60: {  	[spmem:s1] =	stream.indirect.scatter.add.f32 [tilespmem:s15], [sflag:$0x3], $0x80, s20, s12, $0xb8;
	[tilespmem:$0x1FA40] =	vst v63  }
0x61: {  	_ =	swait.ge [sflag:s10], $0x3200  }
0x62: {  	[sflag:s10] =	ssyncset.done $0x0  }
0x63: {  	[sflag:s10] =	ssyncadd.s32 $0xFFFFCE00  }
0x64: {  	[bflag:$0x0] =	sbarrier.arrive $0xFFFF  }
0x65: {  	[tilespmem:s16], [sflag:$0x3] =	stream.linear.gather [spmem:s8], $0xC80, $0x38;
	[tilespmem:$0x1FA40] =	vst v63  }
0x66: {  	_ =	swait.ge [sflag:s10], $0xC80  }
0x67: {  	[sflag:s10] =	ssyncset.done $0x0  }
0x68: {  	s22 =	sadd.s32 $0x0, s9;
	[sflag:s10] =	ssyncadd.s32 $0xFFFFF380  }
0x69: {  	[hbm4b:s22+s3] =	stream.linear.scatter [tilespmem:s16], [sflag:$0x3], $0xC80, $0x38;
	[tilespmem:$0x1FA40] =	vst v63  }
0x6a: {  	_ =	swait.ge [sflag:s10], $0xC80  }
0x6b: {  	s23 =	smov.u32 s8;
	s22 =	simm.s32 $0x190;
	[sflag:s10] =	ssyncset.done $0x0  }
.LBB2_8:
0x6c: {  	p0 =	sne.s32 s22, $0x2580;
	[sflag:s10] =	ssyncadd.s32 $0xFFFFF380;
	s23 =	sadd.s32 $0xC80, s23  }
0x6d: {  	[tilespmem:s16], [sflag:$0x3] =	stream.linear.gather [spmem:s23], $0xC80, $0x38;
	[tilespmem:$0x1FA40] =	vst v63  }
0x6e: {  	s24 =	smov.u32 s22;
	s22 =	sadd.s32 $0x190, s22;
	_ =	swait.ge [sflag:s10], $0xC80  }
.Ltmp3:
0x6f: {  	[sflag:s10] =	ssyncset.done $0x0;
	(pc) =	sbr.rel @p0 .LBB2_8-.Ltmp3, $4  }
0x70: {  	s24 =	sadd.s32 s24, s9;
	[sflag:s10] =	ssyncadd.s32 $0xFFFFF380  }
0x71: {  	[hbm4b:s24+s3] =	stream.linear.scatter [tilespmem:s16], [sflag:$0x3], $0xC80, $0x38;
	[tilespmem:$0x1FA40] =	vst v63  }
0x72: {  	_ =	swait.ge [sflag:s10], $0xC80  }
0x73: {  	[sflag:s10] =	ssyncset.done $0x0  }
0x74: {  	s21 =	sadd.s32 $0x1, s21  }
0x75: {  	p0 =	sne.s32 s21, s7  }
.Ltmp4:
0x76: {  	_ = 	snop;
	(pc) =	sbr.rel @p0 .LBB2_1-.Ltmp4, $2  }
0x77: {  	_ =	sdelay $0x2  }
0x78: {  	[sflag:s10] =	ssyncadd.s32 $0xFFFFF380  }
0x79: {  	_ =	sfence.sel $0x180000  }
0x7a: {  	[bflag:$0x0] =	sbarrier.arrive $0xFFFF  }
0x7b: {  	p0 =	sne.s32 s2, $0x0;
	_ =	strace $0x90000053  }
0x7c: {  	s0 =	sadd.s32 @!p0 $0x100000, s0;
	[bflag:$0x2] =	sbarrier.arrive $0xFFFF  }
0x7d: {  	[sflag:s0] =	ssyncadd.tile.s32 @!p0 $0x1;
	_ =	shalt  }
.Lfunc_end2:
_tile_overlayer_lowered:
.L_overlay_start_2:
0x7e: {  	(tag) =	ssettag $0x2  }
0x7f: {  	s0 =	rddreg [dreg:$0x0];
	s2 =	stileid.u32  }
0x80: {  	s1 =	rddreg [dreg:$0x1];
	p0 =	sne.s32 s2, $0x0  }
0x81: {  	s3 =	rddreg [dreg:$0x2];
	[bflag:$0x3] =	sbarrier.arrive $0xFFFF;
	s2 =	simm.s32 @!p0 $0x1C03  }
0x82: {  	[timem:s3], [sflag:s2] =	dma.local @!p0 [hbm:s0], s1  }
0x83: {  	s0 =	simm.s32 @!p0 $0x3  }
0x84: {  	_ =	swait.ge @!p0 [sflag:s0], s1  }
0x85: {  	s1 =	ssub.s32 @!p0 $0x0, s1;
	[sflag:s0] =	ssyncset.done @!p0 $0x0  }
0x86: {  	[sflag:s0] =	ssyncadd.s32 @!p0 s1  }
0x87: {  	[bflag:$0x3] =	sbarrier.arrive $0xFFFF  }
0x88: {  	_ =	shalt  }

// kernel: kernel.27.cloned.1.call-start
scs
__scs_entry_jumppad:
0x0: {  	(pc) =	sbr.rel $0x88, $3  }
0x1: {  	(tag) =	ssettag $0x0;
	lr =	simm.s32 $0x1  }
0x2: {  	[smem:$0x3F90] =	sst lr;
	_ =	strace $0xD0000000  }
0x3: {  	_ = 	snop  }
0x4: {  	_ = 	snop  }
0x5: {  	_ = 	snop  }
0x6: {  	_ = 	snop  }
0x7: {  	_ = 	snop  }
__scs_overlays_trampoline_lowered:
0x8: {  	[smem:$0x3F9F] =	sst s0  }
0x9: {  	[smem:$0x3FA0] =	sst s1  }
0xa: {  	[smem:$0x3FA1] =	sst s2  }
0xb: {  	[smem:$0x3FA2] =	sst s3  }
0xc: {  	[smem:$0x3FA3] =	sst s4  }
0xd: {  	[smem:$0x3FA4] =	sst s5  }
0xe: {  	[smem:$0x3FA5] =	sst s6  }
0xf: {  	[smem:$0x3FA6] =	sst s7  }
0x10: {  	[smem:$0x3FA7] =	sst s8  }
0x11: {  	[smem:$0x3FA8] =	sst s9;
	s0 =	simm.s32 @!p0 $0x0  }
0x12: {  	s1 =	sld [smem:$0x3F8E];
	s0 =	simm.s32 @p0 $0x1  }
0x13: {  	[smem:$0x3FA9] =	sst s0;
	s0 =	simm.s32 @!p1 $0x0  }
0x14: {  	s2 =	sld [smem:$0x3F8D];
	s0 =	simm.s32 @p1 $0x1  }
0x15: {  	[smem:$0x3FAA] =	sst s0;
	s0 =	simm.s32 @!p2 $0x0  }
0x16: {  	s3 =	sld [smem:$0x3FDB];
	s0 =	simm.s32 @p2 $0x1  }
0x17: {  	s4 =	simm.s32 $0x1BF5;
	[smem:$0x3FAC] =	sst s0  }
0x18: {  	s0 =	sld [smem:$0x3F8F];
	_ =	swait.ge [sflag:s4], $0x0  }
0x19: {  	s7 =	sld [smem:$0x3F90]  }
0x1a: {  	s8 =	sadd.s32 $0xFFFFE003, lr  }
0x1b: {  	s9 =	sadd.s32 $0xFFFFFEF7, lr;
	s5 =	simm.s32 $0xFFFFFFFF;
	p2 =	slt.u32 s8, $0xFFFFF086  }
0x1c: {  	p1 =	slt.u32 s9, $0xF7A;
	s5 =	simm.s32 @!p2 $0x0  }
0x1d: {  	s5 =	simm.s32 @p1 $0x1;
	p0 =	seq.s32 s7, s2  }
0x1e: {  	s7 =	smul.u32 @!p0 $0xF7A, s2;
	p2 =	seq.s32 @!p0 s5, $0x0  }
0x1f: {  	s9 =	smul.u32 $0xF7A, s1;
	s8 =	simm.s32 @!p0 $0x1BF5;
	p2 =	por !p2, p0  }
0x20: {  	[sflag:s8] =	ssyncset.s32 @!p0 $0xFFFFF086;
	s6 =	sadd.s32 @!p0 s3, s7;
	s7 =	simm.s32 @!p0 $0x108  }
0x21: {  	s3 =	sadd.s32 s3, s9;
	s6 =	sadd.s32 @!p0 $0x88, s6;
	s7 =	simm.s32 @p2 $0x1082  }
0x22: {  	[simem:s7], [sflag:s8] =	dma.local @!p0 [hbm:s6], $0xF7A  }
0x23: {  	s9 =	sor.u32 $0xD0000000, s2;
	s6 =	simm.s32 $0x108;
	_ =	swait.ge @!p0 [sflag:s8], $0x0  }
0x24: {  	s3 =	sadd.s32 $0x88, s3;
	s6 =	simm.s32 @!p1 $0x1082;
	[sflag:s4] =	ssyncset.s32 $0xFFFFF086  }
0x25: {  	[simem:s6], [sflag:s4] =	dma.local [hbm:s3], $0xF7A  }
0x26: {  	[smem:$0x3F90] =	sst s1;
	(tag) =	ssettag s2;
	_ =	strace s9  }
0x27: {  	s1 =	sld [smem:$0x3FA0]  }
0x28: {  	s2 =	sld [smem:$0x3FA1]  }
0x29: {  	s4 =	sld [smem:$0x3FA3]  }
0x2a: {  	p0 =	seq.s32 s5, $0x0;
	s5 =	sld [smem:$0x3FA4]  }
0x2b: {  	s6 =	sld [smem:$0x3FA5]  }
0x2c: {  	s7 =	sld [smem:$0x3FA6]  }
0x2d: {  	s3 =	simm.s32 $0x108;
	s8 =	sld [smem:$0x3FA7]  }
0x2e: {  	s3 =	simm.s32 @!p0 $0x1082;
	s9 =	sld [smem:$0x3FA8]  }
0x2f: {  	lr =	sadd.s32 s0, s3;
	s0 =	sld [smem:$0x3F9F]  }
0x30: {  	s3 =	sld [smem:$0x3FA2]  }
0x31: {  	[smem:$0x3FAB] =	sst s10  }
0x32: {  	s10 =	sld [smem:$0x3FA9];
	_ =	sdelay $0x3  }
0x33: {  	p0 =	seq.s32 s10, $0x1;
	s10 =	sld [smem:$0x3FAB];
	_ =	sdelay $0x3  }
0x34: {  	[smem:$0x3FAB] =	sst s10  }
0x35: {  	s10 =	sld [smem:$0x3FAA];
	_ =	sdelay $0x3  }
0x36: {  	p1 =	seq.s32 s10, $0x1;
	s10 =	sld [smem:$0x3FAB];
	_ =	sdelay $0x3  }
0x37: {  	[smem:$0x3FAB] =	sst s10  }
0x38: {  	s10 =	sld [smem:$0x3FAC]  }
0x39: {  	_ = 	snop;
	(pc) =	sbr.ind lr, $3  }
0x3a: {  	_ = 	snop  }
0x3b: {  	_ = 	snop  }
0x3c: {  	p2 =	seq.s32 s10, $0x1;
	s10 =	sld [smem:$0x3FAB]  }
0x3d: {  	_ =	shalt  }
0x3e: {  	_ =	shalt  }
0x3f: {  	_ =	shalt  }
0x40: {  	_ =	shalt  }
0x41: {  	_ =	shalt  }
0x42: {  	_ =	shalt  }
0x43: {  	_ =	shalt  }
0x44: {  	_ =	shalt  }
0x45: {  	_ =	shalt  }
0x46: {  	_ =	shalt  }
0x47: {  	_ =	shalt  }
0x48: {  	_ =	shalt  }
0x49: {  	_ =	shalt  }
0x4a: {  	_ =	shalt  }
0x4b: {  	_ =	shalt  }
0x4c: {  	_ =	shalt  }
0x4d: {  	_ =	shalt  }
0x4e: {  	_ =	shalt  }
0x4f: {  	_ =	shalt  }
0x50: {  	_ =	shalt  }
0x51: {  	_ =	shalt  }
0x52: {  	_ =	shalt  }
0x53: {  	_ =	shalt  }
0x54: {  	_ =	shalt  }
0x55: {  	_ =	shalt  }
0x56: {  	_ =	shalt  }
0x57: {  	_ =	shalt  }
0x58: {  	_ =	shalt  }
0x59: {  	_ =	shalt  }
0x5a: {  	_ =	shalt  }
0x5b: {  	_ =	shalt  }
0x5c: {  	_ =	shalt  }
0x5d: {  	_ =	shalt  }
0x5e: {  	_ =	shalt  }
0x5f: {  	_ =	shalt  }
0x60: {  	_ =	shalt  }
0x61: {  	_ =	shalt  }
0x62: {  	_ =	shalt  }
0x63: {  	_ =	shalt  }
0x64: {  	_ =	shalt  }
0x65: {  	_ =	shalt  }
0x66: {  	_ =	shalt  }
0x67: {  	_ =	shalt  }
0x68: {  	_ =	shalt  }
0x69: {  	_ =	shalt  }
0x6a: {  	_ =	shalt  }
0x6b: {  	_ =	shalt  }
0x6c: {  	_ =	shalt  }
0x6d: {  	_ =	shalt  }
0x6e: {  	_ =	shalt  }
0x6f: {  	_ =	shalt  }
0x70: {  	_ =	shalt  }
0x71: {  	_ =	shalt  }
0x72: {  	_ =	shalt  }
0x73: {  	_ =	shalt  }
0x74: {  	_ =	shalt  }
0x75: {  	_ =	shalt  }
0x76: {  	_ =	shalt  }
0x77: {  	_ =	shalt  }
0x78: {  	_ =	shalt  }
0x79: {  	_ =	shalt  }
0x7a: {  	_ =	shalt  }
0x7b: {  	_ =	shalt  }
0x7c: {  	_ =	shalt  }
0x7d: {  	_ =	shalt  }
0x7e: {  	_ =	shalt  }
0x7f: {  	_ =	shalt  }
0x80: {  	_ =	shalt  }
0x81: {  	_ =	shalt  }
0x82: {  	_ =	shalt  }
0x83: {  	_ =	shalt  }
0x84: {  	_ =	shalt  }
0x85: {  	_ =	shalt  }
0x86: {  	_ =	shalt  }
0x87: {  	_ =	shalt  }
.Lfunc_end0:
.L_simem_size_0:
called_computation.5_lowered:
.L_overlay_start_0:
0x88: {  	s2 =	sld [smem:$0x3FD9]  }
0x89: {  	s3 =	sld [smem:$0x3FFE];
	_ =	sdelay $0x1  }
0x8a: {  	s1 =	srdreg.scid  }
0x8b: {  	s0 =	sand.u32 $0x1, s1  }
0x8c: {  	s17 =	sshll.u32 s0, $0xA;
	s2 =	sadd.s32 s3, s2  }
0x8d: {  	s2 =	sadd.s32 s2, s17  }
0x8e: {  	[smem:$0x3FB7] =	sst s2  }
0x8f: {  	_ = 	snop  }
0x90: {  	s2 =	sld [smem:$0x3FC7];
	(tm) =	ssettm $0x1  }
0x91: {  	s18 =	sld [smem:$0x3FFB];
	_ =	sdelay $0x3  }
0x92: {  	_ =	strace s18  }
0x93: {  	s3 =	sld [smem:$0x3FFC];
	_ =	sdelay $0x3  }
0x94: {  	_ =	strace s3  }
0x95: {  	s3 =	sld [smem:$0x3FFD];
	_ =	sdelay $0x3  }
0x96: {  	_ =	strace s3  }
0x97: {  	_ =	strace $0x8FFFFFFF  }
0x98: {  	s19 =	sld [smem:$0x3FDB];
	_ =	sdelay $0x1  }
0x99: {  	s4 =	simm.s32 $_scs_section_size  }
0x9a: {  	s5 =	simm.s32 $_size__tile_overlayer_lowered;
	s6 =	simm.s32 $_tile_overlayer_lowered  }
0x9b: {  	s22 =	simm.s32 $0x1BFF;
	s21 =	sshll.u32 s6, $0x1;
	s3 =	sadd.s32 s4, s19  }
0x9c: {  	s7 =	simm.s32 $0x0;
	s20 =	sshll.u32 s5, $0x1;
	s5 =	sadd.s32 s21, s3  }
0x9d: {  	[timem:s7], [sflag:s22] =	dma.local [hbm:s5], s20  }
0x9e: {  	_ =	swait.ge [sflag:s22], s20  }
0x9f: {  	s4 =	ssub.s32 $0x0, s20;
	[sflag:s22] =	ssyncset.done $0x0  }
0xa0: {  	[sflag:s22] =	ssyncadd.s32 s4;
	_ =	sdelay $0x1  }
0xa1: {  	s23 =	simm.s32 $0x1B8B  }
0xa2: {  	_ =	swait.ge [sflag:s23], $0x1  }
0xa3: {  	[sflag:s23] =	ssyncset.done $0x0  }
0xa4: {  	s25 =	simm.s32 $0x1B8E;
	s24 =	sld [smem:$0x3FFE];
	[sflag:s23] =	ssyncadd.s32 $0xFFFFFFFF  }
0xa5: {  	s26 =	simm.s32 $execute0_lowered;
	[smem:$0x3FD2] =	sst s25  }
0xa6: {  	s5 =	sshll.u32 s26, $0x1;
	_ =	strace $0x80000055;
	[dreg:$0x1] =	wrdreg $0xFFFFFFFF  }
0xa7: {  	s28 =	simm.s32 $_size_execute0_lowered;
	s3 =	sadd.s32 s3, s5;
	[dreg:$0x0] =	wrdreg $0x0  }
0xa8: {  	s5 =	sshll.u32 s28, $0x1;
	[dreg:$0x2] =	wrdreg s3  }
0xa9: {  	[dreg:$0x3] =	wrdreg s5  }
0xaa: {  	[dreg:$0x4] =	wrdreg $0xC0  }
0xab: {  	_ =	task [dreg:s7], $0x5FFFF  }
0xac: {  	[dreg:$0x1] =	wrdreg $0xFFFFFFFF  }
0xad: {  	[dreg:$0x0] =	wrdreg $0x60  }
0xae: {  	[dreg:$0x2] =	wrdreg s2  }
0xaf: {  	[dreg:$0x3] =	wrdreg s24  }
0xb0: {  	[dreg:$0x4] =	wrdreg $0xA300  }
0xb1: {  	[dreg:$0x5] =	wrdreg $0x9  }
0xb2: {  	_ =	task.clear_ibuf [dreg:s7], $0x6FFFF;
	_ =	strace $0x90000055  }
0xb3: {  	s29 =	simm.s32 $0x9;
	_ =	strace $0x80000057  }
0xb4: {  	_ =	swait.ge [sflag:s29], $0x1  }
0xb5: {  	[sflag:s29] =	ssyncadd.s32 $0xFFFFFFFF  }
0xb6: {  	_ =	strace $0x90000057  }
0xb7: {  	_ =	sfence  }
0xb8: {  	s30 =	sld [smem:$0x0];
	_ =	sdelay $0x2  }
0xb9: {  	s31 =	sshll.u32 s1, $0xD;
	s1 =	sshrl.u32 s1, $0x2  }
0xba: {  	s3 =	sand.u32 $0x4000, s31;
	s1 =	sadd.s32 s1, s30  }
0xbb: {  	s0 =	sor.u32 s3, s0;
	s1 =	sshll.u32 s1, $0x11  }
0xbc: {  	s0 =	sor.u32 s1, s0  }
0xbd: {  	s0 =	sadd.s32 $0x8F2B, s0  }
0xbe: {  	[sflag:s0] =	ssyncadd.remote.s32 $0x1  }
0xbf: {  	_ =	sfence.sel $0xFFFF  }
0xc0: {  	[dreg:$0x0] =	wrdreg $0xFFFFFFFF;
	(pc) =	sbr.abs _section_cstart, $3  }
0xc1: {  	[dreg:$0x1] =	wrdreg $0xFFFFFFFF  }
0xc2: {  	_ =	task.clear_ibuf [dreg:s7], $0x2FFFF;
	_ =	strace $0x9FFFFFFF  }
0xc3: {  	(tm) =	ssettm $0x7FFFFFFF  }
tec
execute0_lowered:
.L_overlay_start_1:
0x0: {  	(tag) =	ssettag $0x1  }
0x1: {  	s1 =	rddreg [dreg:$0x0]  }
0x2: {  	s5 =	rddreg [dreg:$0x1]  }
0x3: {  	s2 =	rddreg [dreg:$0x2]  }
0x4: {  	s3 =	srdreg.scid;
	s0 =	rddreg [dreg:$0x3]  }
0x5: {  	s9 =	stileid.u32;
	s11 =	simm.s32 $0x210;
	s12 =	simm.s32 $0x230  }
0x6: {  	s13 =	simm.s32 $0x1;
	s14 =	simm.s32 $0x220;
	s15 =	simm.s32 $0x0  }
0x7: {  	v0 =	vimm.s32 $0xEDCBA987;
	s4 =	sand.u32 $0x1, s3;
	s3 =	simm.s32 $0x0;
	s6 =	sshll.u32 s9, $0x5  }
0x8: {  	v1 =	vimm.s32 $0x65432100;
	v0 =	vunpack.c.l.s4.s8 v0;
	p0 =	sne.s32 s9, $0x0;
	s9 =	simm.s32 $0x2;
	s7 =	sshll.u32 s4, $0x4  }
.Ltmp0:
0x9: {  	v1 =	vunpack.c.l.s4.s8 v1;
	[smem:$0x7FF] =	sst s3;
	s6 =	sor.u32 s7, s6;
	(pc) =	sbr.rel .LBB2_1-.Ltmp0, $4  }
0xa: {  	s31 =	ssub.s32 $0x2, s4;
	s4 =	sadd.s32 $0x4600, s5;
	v2 =	vunpack.c.0.s8.s32 v0;
	s8 =	sshll.u32 s6, $0x4  }
0xb: {  	_ =	strace $0x80000056;
	s10 =	sshrl.u32 s31, $0x1;
	v1 =	vunpack.c.0.s8.s32 v1;
	s8 =	sadd.s32 s8, s5  }
0xc: {  	vm0 =	vmmov $0x7fff;
	s10 =	ssub.s32 s31, s10;
	s5 =	sadd.s32 s6, s2;
	v2 =	vand.u32 $0xF, v2;
	s6 =	sadd.s32 $0x2B800, s8  }
0xd: {  	v0 =	vimm.s32 $0x0;
	s7 =	sadd.s32 $0x2D800, s8;
	s8 =	smax.u32 s10, $0x1;
	s10 =	simm.s32 $0x10;
	v1 =	vcombine.low v1, v2;
	v2 =	vlaneseq.u32  }
.LBB2_5:
0xe: {  	[bflag:$0x0] =	sbarrier.arrive $0xFFFF  }
0xf: {  	[tilespmem:s3], [sflag:$0x2] =	stream.linear.gather [spmem:s5], $0x10, $0x38;
	[tilespmem:$0xA50] =	vst v63  }
0x10: {  	_ =	swait.ge [sflag:s9], $0x10  }
0x11: {  	[sflag:s9] =	ssyncset.done $0x0  }
0x12: {  	[sflag:s9] =	ssyncadd.s32 $0xFFFFFFF0  }
0x13: {  	v3 =	vld [tilespmem:$0x0];
	_ =	sdelay $0x4  }
0x14: {  	vm1 =	vlt.s32 v3, $0x270E  }
0x15: {  	v3 =	vnsel vm1, $0x270E, v3  }
0x16: {  	[tilespmem:$0x210] =	vst v3;
	v3 =	vadd.s32 $0x1, v3  }
0x17: {  	[tilespmem:$0x220] =	vst v3  }
0x18: {  	[tilespmem:s12], [sflag:$0x1] =	stream.indirect.gather [hbm4b:s4+s10], $0x80, s11, s10, $0xb8;
	[tilespmem:$0xA50] =	vst v63  }
0x19: {  	_ =	swait.ge [sflag:s13], $0x800  }
0x1a: {  	[sflag:s13] =	ssyncset.done $0x0  }
0x1b: {  	[sflag:s13] =	ssyncadd.s32 $0xFFFFF800  }
0x1c: {  	[hbm4b:s6+s3] =	stream.linear.scatter [tilespmem:s12], [sflag:$0x2], $0x800, $0x38;
	[tilespmem:$0xA50] =	vst v63  }
0x1d: {  	_ =	swait.ge [sflag:s9], $0x800  }
0x1e: {  	[sflag:s9] =	ssyncset.done $0x0  }
0x1f: {  	[sflag:s9] =	ssyncadd.s32 $0xFFFFF800  }
0x20: {  	[tilespmem:s12], [sflag:$0x1] =	stream.indirect.gather [hbm4b:s4+s10], $0x80, s14, s10, $0xb8;
	[tilespmem:$0xA50] =	vst v63  }
0x21: {  	s15 =	sadd.s32 $0x1, s15;
	_ =	swait.ge [sflag:s13], $0x800  }
0x22: {  	p1 =	sne.s32 s15, s8;
	[sflag:s13] =	ssyncset.done $0x0  }
.Ltmp1:
0x23: {  	[sflag:s13] =	ssyncadd.s32 $0xFFFFF800;
	(pc) =	sbr.rel @!p1 .LBB2_6-.Ltmp1, $4  }
0x24: {  	[hbm4b:s7+s3] =	stream.linear.scatter [tilespmem:s12], [sflag:$0x2], $0x800, $0x38;
	[tilespmem:$0xA50] =	vst v63  }
0x25: {  	_ =	swait.ge [sflag:s9], $0x800  }
0x26: {  	[sflag:s9] =	ssyncset.done $0x0  }
0x27: {  	[sflag:s9] =	ssyncadd.s32 $0xFFFFF800  }
.LBB2_1:
.Ltmp2:
0x28: {  	(pc) =	sbr.rel @p0 .LBB2_5-.Ltmp2, $1  }
0x29: {  	_ =	sdelay $0x3  }
0x2a: {  	[tilespmem:$0x10] =	vst v0  }
0x2b: {  	[tilespmem:$0x20] =	vst v0  }
0x2c: {  	[tilespmem:$0x30] =	vst v0  }
0x2d: {  	[tilespmem:$0x40] =	vst v0  }
0x2e: {  	[tilespmem:$0x50] =	vst v0  }
0x2f: {  	[tilespmem:$0x60] =	vst v0  }
0x30: {  	[tilespmem:$0x70] =	vst v0  }
0x31: {  	[tilespmem:$0x80] =	vst v0  }
0x32: {  	[tilespmem:$0x90] =	vst v0  }
0x33: {  	[tilespmem:$0xA0] =	vst v0  }
0x34: {  	[tilespmem:$0xB0] =	vst v0  }
0x35: {  	[tilespmem:$0xC0] =	vst v0  }
0x36: {  	[tilespmem:$0xD0] =	vst v0  }
0x37: {  	[tilespmem:$0xE0] =	vst v0  }
0x38: {  	[tilespmem:$0xF0] =	vst v0  }
0x39: {  	[tilespmem:$0x100] =	vst v0  }
0x3a: {  	[tilespmem:$0x110] =	vst v0  }
0x3b: {  	[tilespmem:$0x120] =	vst v0  }
0x3c: {  	[tilespmem:$0x130] =	vst v0  }
0x3d: {  	[tilespmem:$0x140] =	vst v0  }
0x3e: {  	[tilespmem:$0x150] =	vst v0  }
0x3f: {  	[tilespmem:$0x160] =	vst v0  }
0x40: {  	[tilespmem:$0x170] =	vst v0  }
0x41: {  	[tilespmem:$0x180] =	vst v0  }
0x42: {  	[tilespmem:$0x190] =	vst v0  }
0x43: {  	[tilespmem:$0x1A0] =	vst v0  }
0x44: {  	[tilespmem:$0x1B0] =	vst v0  }
0x45: {  	[tilespmem:$0x1C0] =	vst v0  }
0x46: {  	[tilespmem:$0x1D0] =	vst v0  }
0x47: {  	[tilespmem:$0x1E0] =	vst v0  }
0x48: {  	[tilespmem:$0x1F0] =	vst v0  }
0x49: {  	[tilespmem:$0x200] =	vst v0  }
0x4a: {  	[tilespmem:s3], [sflag:$0x2] =	stream.linear.gather [hbm4b:s1+s3], $0x10, $0x38;
	[tilespmem:$0xA50] =	vst v63  }
0x4b: {  	_ =	swait.ge [sflag:s9], $0x10  }
0x4c: {  	[sflag:s9] =	ssyncset.done $0x0  }
0x4d: {  	[sflag:s9] =	ssyncadd.s32 $0xFFFFFFF0  }
0x4e: {  	v3 =	vld [tilespmem:$0x0];
	_ =	sdelay $0x4  }
0x4f: {  	v4 =	vsel vm0, $0x80000000, v3  }
0x50: {  	v5 =	vperm.xlane v3, v1;
	v4 =	vxor.u32 $0x80000000, v4  }
0x51: {  	s16 =	simm.s32 $0xFFFFFFFF;
	vm1 =	veq.s32 v2, $0x0;
	(xrf0) =	vmax.scan.msk.u32 $0xffff, v4  }
0x52: {  	v4 =	vsel vm1, s16, v5  }
0x53: {  	vm2 =	vne.s32 v3, v4  }
0x54: {  	v3 =	vsel vm2, $0x1, v0  }
0x55: {  	(xrf0) =	vadd.scan.msk.s32 $0xffff, v3;
	_ =	sdelay $0x1  }
0x56: {  	s16 =	simm.s32 $0x0;
	v3, _, _ =	vpop (xrf0)  }
0x57: {  	(v2sf) =	vpush v3, $0xF;
	v3 =	vmov s16  }
0x58: {  	v3 =	vadd.s32 $0xFFFFFFFF, v3  }
0x59: {  	v3 =	vbroadcast v3, $0x0  }
0x5a: {  	v4, _, _ =	vpop (xrf0)  }
0x5b: {  	(v2sf) =	vpush v4, $0xF;
	v3 =	vadd.s32 v4, v3;
	_ =	sdelay $0x3  }
0x5c: {  	v5 =	vor.u32 s16, v2  }
0x5d: {  	s18 =	sadd.s32 $0x2, s1;
	[tilespmem:v3+s10+$0x0] =	vst.idx.msk vm2, v5  }
0x5e: {  	[tilespmem:s3], [sflag:$0x2] =	stream.linear.gather [hbm4b:s18+s3], $0x10, $0x38;
	[tilespmem:$0xA50] =	vst v63  }
0x5f: {  	_ =	swait.ge [sflag:s9], $0x10  }
0x60: {  	[sflag:s9] =	ssyncset.done $0x0  }
0x61: {  	[sflag:s9] =	ssyncadd.s32 $0xFFFFFFF0  }
0x62: {  	v3 =	vld [tilespmem:$0x0];
	_ =	sdelay $0x2  }
0x63: {  	s17 =	simm.s32 $0x10;
	s19 =	simm.s32 $0x20;
	s20 =	spop (v2sf)  }
.LBB2_3:
0x64: {  	p1 =	sne.s32 s19, $0x2700  }
0x65: {  	v4 =	vperm.xlane v3, v1;
	s21 =	spop (v2sf);
	s22 =	smov.u32 s19;
	s19 =	sadd.s32 $0x10, s19  }
0x66: {  	s20 =	sxor.u32 $0x80000000, s20;
	s16 =	sadd.s32 s16, s21  }
0x67: {  	v6 =	vsel vm0, $0x80000000, v3;
	v4 =	vsel vm1, s20, v4;
	v5 =	vmov s16  }
0x68: {  	vm2 =	vne.s32 v3, v4;
	v3 =	vadd.s32 $0xFFFFFFFF, v5;
	v4 =	vxor.u32 $0x80000000, v6  }
0x69: {  	v5 =	vsel vm2, $0x1, v0;
	(xrf0) =	vmax.scan.msk.u32 $0xffff, v4  }
0x6a: {  	(xrf0) =	vadd.scan.msk.s32 $0xffff, v5;
	_ =	sdelay $0x3  }
0x6b: {  	v3 =	vbroadcast v3, $0x0  }
0x6c: {  	v4, _, _ =	vpop (xrf0)  }
0x6d: {  	v5, _, _ =	vpop (xrf0);
	(v2sf) =	vpush v4, $0xF  }
0x6e: {  	v3 =	vadd.s32 v5, v3;
	(v2sf) =	vpush v5, $0xF;
	_ =	sdelay $0x2  }
0x6f: {  	v4 =	vor.u32 s17, v2;
	s17 =	smov.u32 s22  }
0x70: {  	s18 =	sadd.s32 $0x2, s18  }
0x71: {  	[tilespmem:v3+s10+$0x0] =	vst.idx.msk vm2, v4  }
0x72: {  	[tilespmem:s3], [sflag:$0x2] =	stream.linear.gather [hbm4b:s18+s3], $0x10, $0x38;
	[tilespmem:$0xA50] =	vst v63  }
0x73: {  	_ =	swait.ge [sflag:s9], $0x10  }
0x74: {  	[sflag:s9] =	ssyncset.done $0x0  }
0x75: {  	[sflag:s9] =	ssyncadd.s32 $0xFFFFFFF0  }
.Ltmp3:
0x76: {  	v3 =	vld [tilespmem:$0x0];
	(pc) =	sbr.rel @p1 .LBB2_3-.Ltmp3, $2  }
0x77: {  	_ =	sdelay $0x2  }
0x78: {  	s20 =	spop (v2sf)  }
0x79: {  	v4 =	vperm.xlane v3, v1  }
0x7a: {  	vm1 =	veq.s32 v2, $0x0;
	s18 =	sxor.u32 $0x80000000, s20  }
0x7b: {  	v5 =	vsel vm0, $0x80000000, v3;
	v4 =	vsel vm1, s18, v4  }
0x7c: {  	vm1 =	vne.s32 v3, v4;
	v3 =	vxor.u32 $0x80000000, v5  }
0x7d: {  	v4 =	vsel vm1, $0x1, v0;
	(xrf0) =	vmax.scan.msk.u32 $0xffff, v3  }
0x7e: {  	(xrf0) =	vadd.scan.msk.s32 $0xffff, v4;
	_ =	sdelay $0x4  }
0x7f: {  	v3, _, _ =	vpop (xrf0)  }
0x80: {  	v4, _, _ =	vpop (xrf0);
	(v2sf) =	vpush v3, $0xF  }
0x81: {  	(v2sf) =	vpush v4, $0xF  }
0x82: {  	s29 =	spop (v2sf)  }
0x83: {  	s16 =	sadd.s32 s16, s29  }
0x84: {  	v3 =	vmov s16  }
0x85: {  	v3 =	vadd.s32 $0xFFFFFFFF, v3  }
0x86: {  	v3 =	vbroadcast v3, $0x0;
	_ =	sdelay $0x1  }
0x87: {  	v3 =	vadd.s32 v4, v3;
	_ =	sdelay $0x3  }
0x88: {  	v63 =	vor.u32 s17, v2  }
0x89: {  	[tilespmem:v3+s10+$0x0] =	vst.idx.msk vm1, v63  }
0x8a: {  	[spmem:s2] =	stream.linear.scatter [tilespmem:s10], [sflag:$0x2], $0x200, $0x38;
	[tilespmem:$0xA50] =	vst v63  }
.Ltmp4:
0x8b: {  	s30 =	spop (v2sf);
	(pc) =	sbr.rel .LBB2_5-.Ltmp4, $4  }
0x8c: {  	s31 =	spop (v2sf)  }
0x8d: {  	_ =	swait.ge [sflag:s9], $0x200  }
0x8e: {  	[sflag:s9] =	ssyncset.done $0x0  }
0x8f: {  	[sflag:s9] =	ssyncadd.s32 $0xFFFFFE00  }
.LBB2_6:
0x90: {  	_ =	sfence.sel $0x180000  }
0x91: {  	[bflag:$0x0] =	sbarrier.arrive $0xFFFF  }
0x92: {  	_ =	strace $0x90000056  }
0x93: {  	s0 =	sadd.s32 @!p0 $0x100000, s0;
	[bflag:$0x2] =	sbarrier.arrive $0xFFFF  }
0x94: {  	[sflag:s0] =	ssyncadd.tile.s32 @!p0 $0x1;
	_ =	shalt  }
.Lfunc_end2:
_tile_overlayer_lowered:
.L_overlay_start_2:
0x95: {  	(tag) =	ssettag $0x2  }
0x96: {  	s0 =	rddreg [dreg:$0x0];
	s2 =	stileid.u32  }
0x97: {  	s1 =	rddreg [dreg:$0x1];
	p0 =	sne.s32 s2, $0x0  }
0x98: {  	s3 =	rddreg [dreg:$0x2];
	[bflag:$0x3] =	sbarrier.arrive $0xFFFF;
	s2 =	simm.s32 @!p0 $0x1C02  }
0x99: {  	[timem:s3], [sflag:s2] =	dma.local @!p0 [hbm:s0], s1  }
0x9a: {  	s0 =	simm.s32 @!p0 $0x2  }
0x9b: {  	_ =	swait.ge @!p0 [sflag:s0], s1  }
0x9c: {  	s1 =	ssub.s32 @!p0 $0x0, s1;
	[sflag:s0] =	ssyncset.done @!p0 $0x0  }
0x9d: {  	[sflag:s0] =	ssyncadd.s32 @!p0 s1  }
0x9e: {  	[bflag:$0x3] =	sbarrier.arrive $0xFFFF  }
0x9f: {  	_ =	shalt  }

</sc_bundles>
